<compile_context>
chip_gen: v7x
topology: tpu7x:2x2x1
jax: 0.10.2.dev20260603
libtpu: 0.0.44.dev20260713+nightly
codegen_flags: <defaults>
</compile_context>

<pallas_src>
import functools

import jax
import jax.numpy as jnp
from jax import lax
from jax.experimental import pallas as pl
from jax.experimental.pallas import tpu as pltpu
from jax.experimental.pallas import tpu_sc as plsc

N = 100000
ND = 128
B = 2048
S1 = 16
S2 = 256
DT = 16
PD = 128
NW = 32
BPW = B // NW
PBLK = 10000
FBLK = 512


def _proj_body(x_ref, m_ref, o_ref):
    o_ref[...] = lax.dot_general(
        x_ref[...], m_ref[...], (((1,), (0,)), ((), ())),
        preferred_element_type=jnp.float32)


_proj_call = pl.pallas_call(
    _proj_body,
    grid=(N // PBLK,),
    in_specs=[
        pl.BlockSpec((PBLK, ND), lambda i: (i, 0)),
        pl.BlockSpec((ND, PD), lambda i: (0, 0)),
    ],
    out_specs=pl.BlockSpec((PBLK, PD), lambda i: (i, 0)),
    out_shape=jax.ShapeDtypeStruct((N, PD), jnp.float32),
)


def _sc_body(p_hbm, samples_hbm, con1_hbm, con0_hbm,
             idx_v, rows_v, c1_v, c0_v, sem0, sem1, osem0, osem1):
    wid = lax.axis_index("s") * 2 + lax.axis_index("c")
    base = wid * BPW
    pltpu.sync_copy(samples_hbm.at[pl.ds(base, BPW)], idx_v)

    iota16 = lax.iota(jnp.int32, 16)
    c33 = jnp.full((16,), 33, jnp.int32)
    sems = (sem0, sem1)
    osems = (osem0, osem1)

    def softmax16(t):
        t = jnp.where(t >= 0.0, t, 0.01 * t)
        m = jnp.max(t)
        e = jnp.exp(t - m)
        return e / jnp.sum(e)

    def issue(i, slot):
        pltpu.async_copy(p_hbm.at[idx_v.at[i, pl.ds(0, 128)]],
                         rows_v.at[slot, pl.ds(0, 128)], sems[slot])
        pltpu.async_copy(p_hbm.at[idx_v.at[i, pl.ds(128, 128)]],
                         rows_v.at[slot, pl.ds(128, 128)], sems[slot])
        pltpu.async_copy(p_hbm.at[idx_v.at[i, pl.ds(256, 17)]],
                         rows_v.at[slot, pl.ds(256, 17)], sems[slot])

    def drain(slot):
        pltpu.make_async_copy(p_hbm.at[pl.ds(0, 273)],
                              rows_v.at[slot, pl.ds(0, 273)], sems[slot]).wait()

    def wait_out(slot):
        pltpu.make_async_copy(c0_v.at[slot], con0_hbm.at[base],
                              osems[slot]).wait()
        pltpu.make_async_copy(c1_v.at[slot], con1_hbm.at[base],
                              osems[slot]).wait()

    def compute(i, slot):
        rv = rows_v.at[slot]

        a0 = rv[0, pl.ds(32, 16)][0]
        bv = plsc.load_gather(rv, [1 + iota16, c33])
        b0 = softmax16(a0 + bv)
        pa = [jnp.zeros((16,), jnp.float32) for _ in range(4)]
        pb = [jnp.zeros((16,), jnp.float32) for _ in range(4)]
        for dd in range(16):
            w = b0[dd]
            pa[dd % 4] = pa[dd % 4] + w * rv[1 + dd, pl.ds(0, 16)]
            pb[dd % 4] = pb[dd % 4] + w * rv[1 + dd, pl.ds(16, 16)]
        acc_a = (pa[0] + pa[1]) + (pa[2] + pa[3])
        acc_b = (pb[0] + pb[1]) + (pb[2] + pb[3])
        c0_v[slot, pl.ds(0, 16)] = rv[0, pl.ds(0, 16)]
        c0_v[slot, pl.ds(16, 16)] = rv[0, pl.ds(16, 16)]
        c0_v[slot, pl.ds(32, 16)] = acc_a
        c0_v[slot, pl.ds(48, 16)] = acc_b

        def sbody(s, c):
            a_t = rv[1 + s, pl.ds(32, 16)][0]
            base_r = 17 + 16 * s
            bvs = plsc.load_gather(rv, [base_r + iota16, c33])
            bb = softmax16(a_t + bvs)
            c1_v[slot, s, pl.ds(64, 16)] = bb
            qa = [jnp.zeros((16,), jnp.float32) for _ in range(4)]
            qb = [jnp.zeros((16,), jnp.float32) for _ in range(4)]
            for dd in range(16):
                w = bb[dd]
                qa[dd % 4] = qa[dd % 4] + w * rv[base_r + dd, pl.ds(0, 16)]
                qb[dd % 4] = qb[dd % 4] + w * rv[base_r + dd, pl.ds(16, 16)]
            aa = (qa[0] + qa[1]) + (qa[2] + qa[3])
            ab = (qb[0] + qb[1]) + (qb[2] + qb[3])
            c1_v[slot, s, pl.ds(0, 16)] = rv[1 + s, pl.ds(0, 16)]
            c1_v[slot, s, pl.ds(16, 16)] = rv[1 + s, pl.ds(16, 16)]
            c1_v[slot, s, pl.ds(32, 16)] = aa
            c1_v[slot, s, pl.ds(48, 16)] = ab
            return c

        lax.fori_loop(0, S1, sbody, 0)

        pltpu.async_copy(c0_v.at[slot], con0_hbm.at[base + i], osems[slot])
        pltpu.async_copy(c1_v.at[slot], con1_hbm.at[base + i], osems[slot])

    issue(0, 0)

    def gbody(g, carry):
        i = 2 * g
        issue(i + 1, 1)
        drain(0)

        @pl.when(g > 0)
        def _():
            wait_out(0)

        compute(i, 0)

        @pl.when(i + 2 < BPW)
        def _():
            issue(i + 2, 0)

        drain(1)

        @pl.when(g > 0)
        def _():
            wait_out(1)

        compute(i + 1, 1)
        return carry

    lax.fori_loop(0, BPW // 2, gbody, 0)
    wait_out(0)
    wait_out(1)


_sc_call = functools.partial(
    pl.kernel,
    mesh=plsc.VectorSubcoreMesh(core_axis_name="c", subcore_axis_name="s"),
    compiler_params=pltpu.CompilerParams(
        needs_layout_passes=False, use_tc_tiling_on_sc=False),
    out_type=(
        jax.ShapeDtypeStruct((B, S1, 128), jnp.float32),
        jax.ShapeDtypeStruct((B, 128), jnp.float32),
    ),
    scratch_types=[
        pltpu.VMEM((BPW, 273), jnp.int32),
        pltpu.VMEM((2, 280, PD), jnp.float32),
        pltpu.VMEM((2, S1, 128), jnp.float32),
        pltpu.VMEM((2, 128), jnp.float32),
        pltpu.SemaphoreType.DMA,
        pltpu.SemaphoreType.DMA,
        pltpu.SemaphoreType.DMA,
        pltpu.SemaphoreType.DMA,
    ],
)(_sc_body)


def _fin_body(c1_ref, c0_ref, w_ref, v0_ref, q_ref, bs_ref, o1_ref):
    W = w_ref[...]
    V0 = v0_ref[...]

    c1f = c1_ref[:, :, :64].reshape(FBLK * S1, 64)
    z1 = lax.dot_general(c1f, W, (((1,), (1,)), ((), ())),
                         preferred_element_type=jnp.float32)
    h1 = 1.0 / (1.0 + jnp.exp(-z1))
    g1 = lax.dot_general(h1, V0, (((1,), (1,)), ((), ())),
                         preferred_element_type=jnp.float32)
    q = q_ref[...]
    d = lax.dot_general(h1, q[:, 1:2], (((1,), (0,)), ((), ())),
                        preferred_element_type=jnp.float32)
    d3 = d.reshape(FBLK, S1, 1)

    z0 = lax.dot_general(c0_ref[:, :64], W, (((1,), (1,)), ((), ())),
                         preferred_element_type=jnp.float32)
    h0 = 1.0 / (1.0 + jnp.exp(-z0))
    gam = lax.dot_general(h0, q[:, 0:1], (((1,), (0,)), ((), ())),
                          preferred_element_type=jnp.float32)
    g3 = gam.reshape(FBLK, 1, 1)

    t = g3 + d3
    t = jnp.where(t >= 0.0, t, 0.01 * t)
    m = jnp.max(t, axis=1, keepdims=True)
    e = jnp.exp(t - m)
    bh = e / jnp.sum(e, axis=1, keepdims=True)
    bs_ref[...] = jnp.concatenate([bh, c1_ref[:, :, 64:64 + DT]], axis=2)

    g13 = g1.reshape(FBLK, S1, 32)
    agg = jnp.sum(g13 * bh, axis=1)
    o1_ref[...] = agg.T


_fin_call = pl.pallas_call(
    _fin_body,
    grid=(B // FBLK,),
    in_specs=[
        pl.BlockSpec((FBLK, S1, 128), lambda i: (i, 0, 0)),
        pl.BlockSpec((FBLK, 128), lambda i: (i, 0)),
        pl.BlockSpec((32, 64), lambda i: (0, 0)),
        pl.BlockSpec((32, 32), lambda i: (0, 0)),
        pl.BlockSpec((32, 2), lambda i: (0, 0)),
    ],
    out_specs=[
        pl.BlockSpec((FBLK, S1, 1 + DT), lambda i: (i, 0, 0)),
        pl.BlockSpec((32, FBLK), lambda i: (0, i)),
    ],
    out_shape=[
        jax.ShapeDtypeStruct((B, S1, 1 + DT), jnp.float32),
        jax.ShapeDtypeStruct((32, B), jnp.float32),
    ],
)


def kernel(x, samples, V1_h0, w1_h0, V1_h1_att, w1_h1, V1_h1, weights_hops_1):
    a_col = V1_h1_att.T @ w1_h1[:32]
    b_col = V1_h1_att.T @ w1_h1[32:]
    M = jnp.concatenate(
        [V1_h1.T, a_col[:, None], b_col[:, None],
         jnp.zeros((ND, PD - 34), jnp.float32)], axis=1)
    q = jnp.stack([V1_h0.T @ w1_h0[:32], V1_h0.T @ w1_h0[32:]], axis=1)

    P = _proj_call(x, M)
    con1, con0 = _sc_call(P, samples)
    beta_step, out1 = _fin_call(con1, con0, weights_hops_1, V1_h0, q)
    return out1, beta_step

# --- scband reference (transcript-rebuilt; emitter-appended) ---
"""Pipeline reference for scband-aggregate-att-mean-89945205113500 (READ-ONLY COPY).

The authoritative reference and input builder live on the scoring server;
editing this copy changes nothing except your own understanding.
"""

import jax, jax.numpy as jnp
import numpy as np

N = 100000
n_dim = 128
L10 = 32
L11 = 32
dim_hop0 = 32
B = 2048
s1 = 16
s2 = 256
dt = s2 // s1


def _trunc(key, shape):
    return jax.random.truncated_normal(key, -2.0, 2.0, shape, dtype=jnp.float32) * 0.1 - 0.1


def setup_inputs(seed: int = 0):
    key = jax.random.key(seed)
    ks = jax.random.split(key, 8)
    x = jax.random.normal(ks[0], (N, n_dim), dtype=jnp.float32)
    samples = jax.random.randint(ks[1], (B, 1 + s1 + s2), 0, N, dtype=jnp.int32)
    V1_h0 = _trunc(ks[2], (L10, L11))
    w1_h0 = _trunc(ks[3], (2 * L10,))
    V1_h1_att = _trunc(ks[4], (L11, n_dim))
    w1_h1 = _trunc(ks[5], (2 * L11,))
    V1_h1 = _trunc(ks[6], (L11, n_dim))
    weights_hops_1 = _trunc(ks[7], (dim_hop0, 2 * L11))
    return {"x": x, "samples": samples, "V1_h0": V1_h0, "w1_h0": w1_h0,
            "V1_h1_att": V1_h1_att, "w1_h1": w1_h1, "V1_h1": V1_h1,
            "weights_hops_1": weights_hops_1}


def _spatial_att_1(xin, V, w):
    # xin: [..., ..., ..., 2*n_dim]
    t1 = jnp.einsum('ij,jklm->iklm', V, jnp.transpose(xin[..., 0:n_dim], (3, 2, 1, 0)))
    t2 = jnp.einsum('ij,jklm->iklm', V, jnp.transpose(xin[..., n_dim:2 * n_dim], (3, 2, 1, 0)))
    t3 = jnp.einsum('j,jklm->klm', w, jnp.concatenate([t1, t2], 0))
    Bm = jax.nn.softmax(jax.nn.leaky_relu(t3), axis=0)
    return jnp.transpose(Bm, (2, 1, 0))


def _spatial_att_0(xin, V, w):
    # xin: [2*dim_hop0, s1, B]
    t1 = jnp.einsum('ij,jkl->ikl', V, xin[0:dim_hop0])
    t2 = jnp.einsum('ij,jkl->ikl', V, xin[dim_hop0:2 * dim_hop0])
    t3 = jnp.einsum('j,jkl->kl', w, jnp.concatenate([t1, t2], 0))
    Bm = jax.nn.softmax(jax.nn.leaky_relu(t3), axis=0)
    return jnp.transpose(Bm, (1, 0))


def _forward(x, samples, V1_h0, w1_h0, V1_h1_att, w1_h1, V1_h1, weights_hops_1):
    # ---- hop-2 -> hop-1 aggregation ----
    samples_temp = samples[:, -s2:].reshape(-1, s1, dt)                 # [B, s1, dt]
    fea = x[samples_temp]                                               # [B, s1, dt, n_dim] (gather)
    samples_t = samples[:, -(s1 + s2):-s2]                              # [B, s1]
    target = jnp.tile(samples_t[:, :, None], (1, 1, dt))                # [B, s1, dt]
    fea_t = x[target]                                                   # [B, s1, dt, n_dim] (gather)
    fea_tar_samp = jnp.concatenate([fea_t, fea], 3)                     # [B, s1, dt, 2*n_dim]
    Beta_hop1 = _spatial_att_1(fea_tar_samp, V1_h1_att, w1_h1)          # [B, s1, dt]
    temp0 = jnp.einsum('ij,jklm->iklm', V1_h1, jnp.transpose(fea, (3, 2, 1, 0)))   # [L11, dt, s1, B]
    temp1 = jnp.matmul(Beta_hop1[:, :, None, :], jnp.transpose(temp0, (3, 2, 1, 0)))  # [B, s1, 1, L11]
    fea_hop_mean_att = jnp.squeeze(temp1, 2)                            # [B, s1, L11]
    fea_t_emb = jnp.einsum('ij,jkl->ikl', V1_h1, jnp.transpose(fea_t[:, :, 0, :], (2, 1, 0)))  # [L11, s1, B]
    con_hop1 = jnp.concatenate([fea_t_emb, jnp.transpose(fea_hop_mean_att, (2, 1, 0))], 0)     # [2*L11, s1, B]
    hop1 = jax.nn.sigmoid(jnp.einsum('ij,jkl->ikl', weights_hops_1, con_hop1))                 # [dim_hop0, s1, B]

    # ---- hop-1 -> target aggregation ----
    samples_temp2 = samples[:, -(s1 + s2):-s2]                          # [B, s1]
    fea2 = x[samples_temp2]                                             # [B, s1, n_dim]
    samples_t2 = samples[:, 0]                                          # [B]
    target2 = jnp.tile(samples_t2[:, None], (1, s1))                    # [B, s1]
    fea_t2 = x[target2]                                                 # [B, s1, n_dim]
    fts = jnp.concatenate([fea_t2, fea2], 2)                            # [B, s1, 2*n_dim]
    Beta_hop0 = _spatial_att_1(fts[:, None, :, :], V1_h1_att, w1_h1)    # [B, 1, s1]
    temp0b = jnp.einsum('ij,jkl->ikl', V1_h1, jnp.transpose(fea2, (2, 1, 0)))   # [L11, s1, B]
    temp1b = jnp.matmul(Beta_hop0, jnp.transpose(temp0b, (2, 1, 0)))    # [B, 1, L11]
    fhma0 = jnp.squeeze(temp1b, 1)                                      # [B, L11]
    fte0 = jnp.einsum('ij,jk->ik', V1_h1, jnp.transpose(fea_t2[:, 0, :], (1, 0)))  # [L11, B]
    con0 = jnp.concatenate([fte0, jnp.transpose(fhma0, (1, 0))], 0)     # [2*L11, B]
    hop0 = jax.nn.sigmoid(jnp.einsum('ij,jk->ik', weights_hops_1, con0))  # [dim_hop0, B]

    # ---- combine hop levels ----
    tt = jnp.tile(hop0[:, None, :], (1, s1, 1))                         # [dim_hop0, s1, B]
    fts3 = jnp.concatenate([tt, hop1], 0)                               # [2*dim_hop0, s1, B]
    Beta_hop = _spatial_att_0(fts3, V1_h0, w1_h0)                       # [B, s1]
    temp0c = jnp.einsum('ij,jkl->ikl', V1_h0, hop1)                     # [L10, s1, B]
    temp1c = jnp.matmul(Beta_hop[:, None, :], jnp.transpose(temp0c, (2, 1, 0)))  # [B, 1, L10]
    fhma = jnp.squeeze(temp1c, 1)                                       # [B, L10]
    Beta_step = jnp.concatenate([Beta_hop[:, :, None], Beta_hop1], 2)   # [B, s1, 1+dt]
    return jnp.transpose(fhma, (1, 0)), Beta_step


def reference(x, samples, V1_h0, w1_h0, V1_h1_att, w1_h1, V1_h1, weights_hops_1):
    return _forward(x, samples, V1_h0, w1_h0, V1_h1_att, w1_h1, V1_h1, weights_hops_1)

if __name__ == "__main__":
    import jax
    _d = setup_inputs()
    print(jax.jit(kernel)(*tuple(_d.values())))

</pallas_src>

<mosaic_0001>
#map = affine_map<(d0, d1) -> (0, 0)>
#map1 = affine_map<(d0, d1) -> (0, 0, 0)>
module attributes {stable_mosaic.version = 14 : i64} {
  func.func @_sc_body(%arg0: i32, %arg1: i32, %arg2: memref<100000x128xf32, #tpu.memory_space<hbm>>, %arg3: memref<2048x273xi32, #tpu.memory_space<hbm>>, %arg4: memref<2048x16x128xf32, #tpu.memory_space<hbm>>, %arg5: memref<2048x128xf32, #tpu.memory_space<hbm>>, %arg6: memref<64x273xi32, #tpu.memory_space<vmem>>, %arg7: memref<2x280x128xf32, #tpu.memory_space<vmem>>, %arg8: memref<2x16x128xf32, #tpu.memory_space<vmem>>, %arg9: memref<2x128xf32, #tpu.memory_space<vmem>>, %arg10: memref<!tpu.dma_semaphore, #tpu.memory_space<semaphore_mem>>, %arg11: memref<!tpu.dma_semaphore, #tpu.memory_space<semaphore_mem>>, %arg12: memref<!tpu.dma_semaphore, #tpu.memory_space<semaphore_mem>>, %arg13: memref<!tpu.dma_semaphore, #tpu.memory_space<semaphore_mem>>) attributes {dimension_semantics = [#tpu.dimension_semantics<core_parallel>, #tpu.dimension_semantics<subcore_parallel>], iteration_bounds = array<i64: 2, 16>, scalar_prefetch = 0 : i64, scratch_operands = 8 : i64, tpu.core_type = #tpu.core_type<sc_vector_subcore>, window_params = [{transform_indices = #map}, {transform_indices = #map}, {transform_indices = #map1}, {transform_indices = #map}]} {
    %mul3A = arith.constant 2 : i32
    %mul3A_0 = arith.muli %arg1, %mul3A : i32
    %add3A = arith.addi %mul3A_0, %arg0 : i32
    %mul3A_1 = arith.constant 64 : i32
    %mul3A_2 = arith.muli %add3A, %mul3A_1 : i32
    "tpu.region"() ({
      %run_scoped3A = tpu.sem_alloc : memref<!tpu.dma_semaphore, #tpu.memory_space<semaphore_mem>>
      %dma_start3A_103 = arith.constant 0 : i32
      %dma_start3A_104 = tpu.memref_slice %arg3[%mul3A_2, %dma_start3A_103] : memref<2048x273xi32, #tpu.memory_space<hbm>> -> memref<64x273xi32, #tpu.memory_space<hbm>>
      %dma_start3A_105 = arith.constant 0 : i32
      %dma_start3A_106 = tpu.memref_slice %arg3[%mul3A_2, %dma_start3A_105] : memref<2048x273xi32, #tpu.memory_space<hbm>> -> memref<64x273xi32, #tpu.memory_space<hbm>>
      tpu.enqueue_dma source(%dma_start3A_106 : memref<64x273xi32, #tpu.memory_space<hbm>>) target(%arg6 : memref<64x273xi32, #tpu.memory_space<vmem>>) target_semaphore(%run_scoped3A : memref<!tpu.dma_semaphore, #tpu.memory_space<semaphore_mem>>)
      %dma_wait3A_107 = arith.constant 0 : i32
      %dma_wait3A_108 = tpu.memref_slice %arg3[%mul3A_2, %dma_wait3A_107] : memref<2048x273xi32, #tpu.memory_space<hbm>> -> memref<64x273xi32, #tpu.memory_space<hbm>>
      %dma_wait3A_109 = arith.constant 0 : i32
      %dma_wait3A_110 = tpu.memref_slice %arg3[%mul3A_2, %dma_wait3A_109] : memref<2048x273xi32, #tpu.memory_space<hbm>> -> memref<64x273xi32, #tpu.memory_space<hbm>>
      tpu.wait_dma2 semaphore(%run_scoped3A : memref<!tpu.dma_semaphore, #tpu.memory_space<semaphore_mem>>) src(%dma_wait3A_110 : memref<64x273xi32, #tpu.memory_space<hbm>>) dst(%arg6 : memref<64x273xi32, #tpu.memory_space<vmem>>)
      tpu.yield
    }) : () -> ()
    %iota3A = tpu.iota {dimensions = array<i32: 0>} : vector<16xi32>
    %broadcast_in_dim3A = arith.constant 33 : i32
    %broadcast_in_dim3A_3 = vector.broadcast %broadcast_in_dim3A : i32 to vector<16xi32>
    %dma_start3A = arith.constant 0 : i32
    %dma_start3A_4 = arith.constant 0 : i32
    %dma_start3A_5 = arith.constant 0 : i32
    %dma_start3A_6 = arith.constant 0 : i32
    %dma_start3A_7 = tpu.memref_slice %arg7[%dma_start3A_4, %dma_start3A_5, %dma_start3A_6] : memref<2x280x128xf32, #tpu.memory_space<vmem>> -> memref<1x128x128xf32, #tpu.memory_space<vmem>>
    %dma_start3A_8 = tpu.memref_squeeze %dma_start3A_7 : memref<1x128x128xf32, #tpu.memory_space<vmem>> -> memref<128x128xf32, #tpu.memory_space<vmem>>
    %dma_start3A_9 = arith.constant 0 : i32
    %dma_start3A_10 = tpu.memref_slice %arg6[%dma_start3A, %dma_start3A_9] : memref<64x273xi32, #tpu.memory_space<vmem>> -> memref<1x128xi32, #tpu.memory_space<vmem>>
    %dma_start3A_11 = tpu.memref_squeeze %dma_start3A_10 : memref<1x128xi32, #tpu.memory_space<vmem>> -> memref<128xi32, #tpu.memory_space<vmem>>
    %dma_start3A_12 = arith.constant 0 : i32
    %dma_start3A_13 = arith.constant 0 : i32
    %dma_start3A_14 = tpu.memref_slice %arg2[%dma_start3A_12, %dma_start3A_13] : memref<100000x128xf32, #tpu.memory_space<hbm>> -> memref<100000x128xf32, #tpu.memory_space<hbm>>
    tpu.enqueue_indirect_dma source(%dma_start3A_14 : memref<100000x128xf32, #tpu.memory_space<hbm>>) target(%dma_start3A_8 : memref<128x128xf32, #tpu.memory_space<vmem>>) offsets(%dma_start3A_11 : memref<128xi32, #tpu.memory_space<vmem>>) semaphore(%arg10 : memref<!tpu.dma_semaphore, #tpu.memory_space<semaphore_mem>>)
    %dma_start3A_15 = arith.constant 0 : i32
    %dma_start3A_16 = arith.constant 0 : i32
    %dma_start3A_17 = arith.constant 128 : i32
    %dma_start3A_18 = arith.constant 0 : i32
    %dma_start3A_19 = tpu.memref_slice %arg7[%dma_start3A_16, %dma_start3A_17, %dma_start3A_18] : memref<2x280x128xf32, #tpu.memory_space<vmem>> -> memref<1x128x128xf32, #tpu.memory_space<vmem>>
    %dma_start3A_20 = tpu.memref_squeeze %dma_start3A_19 : memref<1x128x128xf32, #tpu.memory_space<vmem>> -> memref<128x128xf32, #tpu.memory_space<vmem>>
    %dma_start3A_21 = arith.constant 128 : i32
    %dma_start3A_22 = tpu.memref_slice %arg6[%dma_start3A_15, %dma_start3A_21] : memref<64x273xi32, #tpu.memory_space<vmem>> -> memref<1x128xi32, #tpu.memory_space<vmem>>
    %dma_start3A_23 = tpu.memref_squeeze %dma_start3A_22 : memref<1x128xi32, #tpu.memory_space<vmem>> -> memref<128xi32, #tpu.memory_space<vmem>>
    %dma_start3A_24 = arith.constant 0 : i32
    %dma_start3A_25 = arith.constant 0 : i32
    %dma_start3A_26 = tpu.memref_slice %arg2[%dma_start3A_24, %dma_start3A_25] : memref<100000x128xf32, #tpu.memory_space<hbm>> -> memref<100000x128xf32, #tpu.memory_space<hbm>>
    tpu.enqueue_indirect_dma source(%dma_start3A_26 : memref<100000x128xf32, #tpu.memory_space<hbm>>) target(%dma_start3A_20 : memref<128x128xf32, #tpu.memory_space<vmem>>) offsets(%dma_start3A_23 : memref<128xi32, #tpu.memory_space<vmem>>) semaphore(%arg10 : memref<!tpu.dma_semaphore, #tpu.memory_space<semaphore_mem>>)
    %dma_start3A_27 = arith.constant 0 : i32
    %dma_start3A_28 = arith.constant 0 : i32
    %dma_start3A_29 = arith.constant 256 : i32
    %dma_start3A_30 = arith.constant 0 : i32
    %dma_start3A_31 = tpu.memref_slice %arg7[%dma_start3A_28, %dma_start3A_29, %dma_start3A_30] : memref<2x280x128xf32, #tpu.memory_space<vmem>> -> memref<1x17x128xf32, #tpu.memory_space<vmem>>
    %dma_start3A_32 = tpu.memref_squeeze %dma_start3A_31 : memref<1x17x128xf32, #tpu.memory_space<vmem>> -> memref<17x128xf32, #tpu.memory_space<vmem>>
    %dma_start3A_33 = arith.constant 256 : i32
    %dma_start3A_34 = tpu.memref_slice %arg6[%dma_start3A_27, %dma_start3A_33] : memref<64x273xi32, #tpu.memory_space<vmem>> -> memref<1x17xi32, #tpu.memory_space<vmem>>
    %dma_start3A_35 = tpu.memref_squeeze %dma_start3A_34 : memref<1x17xi32, #tpu.memory_space<vmem>> -> memref<17xi32, #tpu.memory_space<vmem>>
    %dma_start3A_36 = arith.constant 0 : i32
    %dma_start3A_37 = arith.constant 0 : i32
    %dma_start3A_38 = tpu.memref_slice %arg2[%dma_start3A_36, %dma_start3A_37] : memref<100000x128xf32, #tpu.memory_space<hbm>> -> memref<100000x128xf32, #tpu.memory_space<hbm>>
    tpu.enqueue_indirect_dma source(%dma_start3A_38 : memref<100000x128xf32, #tpu.memory_space<hbm>>) target(%dma_start3A_32 : memref<17x128xf32, #tpu.memory_space<vmem>>) offsets(%dma_start3A_35 : memref<17xi32, #tpu.memory_space<vmem>>) semaphore(%arg10 : memref<!tpu.dma_semaphore, #tpu.memory_space<semaphore_mem>>)
    %scan3A = arith.constant 0 : i32
    %scan3A_39 = arith.constant 0 : i32
    %scan3A_40 = arith.constant 32 : i32
    %scan3A_41 = arith.addi %scan3A_39, %scan3A_40 : i32
    %scan3A_42 = arith.constant 1 : i32
    scf.for %scan3A_103 = %scan3A_39 to %scan3A_41 step %scan3A_42  : i32 {
      %mul3A_104 = arith.constant 2 : i32
      %mul3A_105 = arith.muli %mul3A_104, %scan3A_103 : i32
      %add3A_106 = arith.constant 1 : i32
      %add3A_107 = arith.addi %mul3A_105, %add3A_106 : i32
      %dma_start3A_108 = arith.constant 1 : i32
      %dma_start3A_109 = arith.constant 0 : i32
      %dma_start3A_110 = arith.constant 0 : i32
      %dma_start3A_111 = tpu.memref_slice %arg7[%dma_start3A_108, %dma_start3A_109, %dma_start3A_110] : memref<2x280x128xf32, #tpu.memory_space<vmem>> -> memref<1x128x128xf32, #tpu.memory_space<vmem>>
      %dma_start3A_112 = tpu.memref_squeeze %dma_start3A_111 : memref<1x128x128xf32, #tpu.memory_space<vmem>> -> memref<128x128xf32, #tpu.memory_space<vmem>>
      %dma_start3A_113 = arith.constant 0 : i32
      %dma_start3A_114 = tpu.memref_slice %arg6[%add3A_107, %dma_start3A_113] : memref<64x273xi32, #tpu.memory_space<vmem>> -> memref<1x128xi32, #tpu.memory_space<vmem>>
      %dma_start3A_115 = tpu.memref_squeeze %dma_start3A_114 : memref<1x128xi32, #tpu.memory_space<vmem>> -> memref<128xi32, #tpu.memory_space<vmem>>
      %dma_start3A_116 = arith.constant 0 : i32
      %dma_start3A_117 = arith.constant 0 : i32
      %dma_start3A_118 = tpu.memref_slice %arg2[%dma_start3A_116, %dma_start3A_117] : memref<100000x128xf32, #tpu.memory_space<hbm>> -> memref<100000x128xf32, #tpu.memory_space<hbm>>
      tpu.enqueue_indirect_dma source(%dma_start3A_118 : memref<100000x128xf32, #tpu.memory_space<hbm>>) target(%dma_start3A_112 : memref<128x128xf32, #tpu.memory_space<vmem>>) offsets(%dma_start3A_115 : memref<128xi32, #tpu.memory_space<vmem>>) semaphore(%arg11 : memref<!tpu.dma_semaphore, #tpu.memory_space<semaphore_mem>>)
      %dma_start3A_119 = arith.constant 1 : i32
      %dma_start3A_120 = arith.constant 128 : i32
      %dma_start3A_121 = arith.constant 0 : i32
      %dma_start3A_122 = tpu.memref_slice %arg7[%dma_start3A_119, %dma_start3A_120, %dma_start3A_121] : memref<2x280x128xf32, #tpu.memory_space<vmem>> -> memref<1x128x128xf32, #tpu.memory_space<vmem>>
      %dma_start3A_123 = tpu.memref_squeeze %dma_start3A_122 : memref<1x128x128xf32, #tpu.memory_space<vmem>> -> memref<128x128xf32, #tpu.memory_space<vmem>>
      %dma_start3A_124 = arith.constant 128 : i32
      %dma_start3A_125 = tpu.memref_slice %arg6[%add3A_107, %dma_start3A_124] : memref<64x273xi32, #tpu.memory_space<vmem>> -> memref<1x128xi32, #tpu.memory_space<vmem>>
      %dma_start3A_126 = tpu.memref_squeeze %dma_start3A_125 : memref<1x128xi32, #tpu.memory_space<vmem>> -> memref<128xi32, #tpu.memory_space<vmem>>
      %dma_start3A_127 = arith.constant 0 : i32
      %dma_start3A_128 = arith.constant 0 : i32
      %dma_start3A_129 = tpu.memref_slice %arg2[%dma_start3A_127, %dma_start3A_128] : memref<100000x128xf32, #tpu.memory_space<hbm>> -> memref<100000x128xf32, #tpu.memory_space<hbm>>
      tpu.enqueue_indirect_dma source(%dma_start3A_129 : memref<100000x128xf32, #tpu.memory_space<hbm>>) target(%dma_start3A_123 : memref<128x128xf32, #tpu.memory_space<vmem>>) offsets(%dma_start3A_126 : memref<128xi32, #tpu.memory_space<vmem>>) semaphore(%arg11 : memref<!tpu.dma_semaphore, #tpu.memory_space<semaphore_mem>>)
      %dma_start3A_130 = arith.constant 1 : i32
      %dma_start3A_131 = arith.constant 256 : i32
      %dma_start3A_132 = arith.constant 0 : i32
      %dma_start3A_133 = tpu.memref_slice %arg7[%dma_start3A_130, %dma_start3A_131, %dma_start3A_132] : memref<2x280x128xf32, #tpu.memory_space<vmem>> -> memref<1x17x128xf32, #tpu.memory_space<vmem>>
      %dma_start3A_134 = tpu.memref_squeeze %dma_start3A_133 : memref<1x17x128xf32, #tpu.memory_space<vmem>> -> memref<17x128xf32, #tpu.memory_space<vmem>>
      %dma_start3A_135 = arith.constant 256 : i32
      %dma_start3A_136 = tpu.memref_slice %arg6[%add3A_107, %dma_start3A_135] : memref<64x273xi32, #tpu.memory_space<vmem>> -> memref<1x17xi32, #tpu.memory_space<vmem>>
      %dma_start3A_137 = tpu.memref_squeeze %dma_start3A_136 : memref<1x17xi32, #tpu.memory_space<vmem>> -> memref<17xi32, #tpu.memory_space<vmem>>
      %dma_start3A_138 = arith.constant 0 : i32
      %dma_start3A_139 = arith.constant 0 : i32
      %dma_start3A_140 = tpu.memref_slice %arg2[%dma_start3A_138, %dma_start3A_139] : memref<100000x128xf32, #tpu.memory_space<hbm>> -> memref<100000x128xf32, #tpu.memory_space<hbm>>
      tpu.enqueue_indirect_dma source(%dma_start3A_140 : memref<100000x128xf32, #tpu.memory_space<hbm>>) target(%dma_start3A_134 : memref<17x128xf32, #tpu.memory_space<vmem>>) offsets(%dma_start3A_137 : memref<17xi32, #tpu.memory_space<vmem>>) semaphore(%arg11 : memref<!tpu.dma_semaphore, #tpu.memory_space<semaphore_mem>>)
      %dma_wait3A_141 = arith.constant 0 : i32
      %dma_wait3A_142 = arith.constant 0 : i32
      %dma_wait3A_143 = arith.constant 0 : i32
      %dma_wait3A_144 = tpu.memref_slice %arg7[%dma_wait3A_141, %dma_wait3A_142, %dma_wait3A_143] : memref<2x280x128xf32, #tpu.memory_space<vmem>> -> memref<1x273x128xf32, #tpu.memory_space<vmem>>
      %dma_wait3A_145 = tpu.memref_squeeze %dma_wait3A_144 : memref<1x273x128xf32, #tpu.memory_space<vmem>> -> memref<273x128xf32, #tpu.memory_space<vmem>>
      %dma_wait3A_146 = arith.constant 0 : i32
      %dma_wait3A_147 = arith.constant 0 : i32
      %dma_wait3A_148 = tpu.memref_slice %arg2[%dma_wait3A_146, %dma_wait3A_147] : memref<100000x128xf32, #tpu.memory_space<hbm>> -> memref<273x128xf32, #tpu.memory_space<hbm>>
      %dma_wait3A_149 = arith.constant 0 : i32
      %dma_wait3A_150 = arith.constant 0 : i32
      %dma_wait3A_151 = tpu.memref_slice %arg7[%dma_wait3A_141, %dma_wait3A_149, %dma_wait3A_150] : memref<2x280x128xf32, #tpu.memory_space<vmem>> -> memref<1x273x128xf32, #tpu.memory_space<vmem>>
      %dma_wait3A_152 = tpu.memref_squeeze %dma_wait3A_151 : memref<1x273x128xf32, #tpu.memory_space<vmem>> -> memref<273x128xf32, #tpu.memory_space<vmem>>
      %dma_wait3A_153 = arith.constant 0 : i32
      %dma_wait3A_154 = arith.constant 0 : i32
      %dma_wait3A_155 = tpu.memref_slice %arg2[%dma_wait3A_153, %dma_wait3A_154] : memref<100000x128xf32, #tpu.memory_space<hbm>> -> memref<273x128xf32, #tpu.memory_space<hbm>>
      tpu.wait_dma2 semaphore(%arg10 : memref<!tpu.dma_semaphore, #tpu.memory_space<semaphore_mem>>) src(%dma_wait3A_155 : memref<273x128xf32, #tpu.memory_space<hbm>>) dst(%dma_wait3A_152 : memref<273x128xf32, #tpu.memory_space<vmem>>)
      %gt3A = arith.constant 0 : i32
      %gt3A_156 = arith.cmpi sgt, %scan3A_103, %gt3A : i32
      %convert_element_type3A = arith.extui %gt3A_156 : i1 to i32
      %cond3A = arith.constant 0 : i32
      %cond3A_157 = arith.cmpi ne, %convert_element_type3A, %cond3A : i32
      scf.if %cond3A_157 {
        %dma_wait3A_1280 = arith.constant 0 : i32
        %dma_wait3A_1281 = arith.constant 0 : i32
        %dma_wait3A_1282 = tpu.memref_slice %arg9[%dma_wait3A_1280, %dma_wait3A_1281] : memref<2x128xf32, #tpu.memory_space<vmem>> -> memref<1x128xf32, #tpu.memory_space<vmem>>
        %dma_wait3A_1283 = tpu.memref_squeeze %dma_wait3A_1282 : memref<1x128xf32, #tpu.memory_space<vmem>> -> memref<128xf32, #tpu.memory_space<vmem>>
        %dma_wait3A_1284 = arith.constant 0 : i32
        %dma_wait3A_1285 = tpu.memref_slice %arg5[%mul3A_2, %dma_wait3A_1284] : memref<2048x128xf32, #tpu.memory_space<hbm>> -> memref<1x128xf32, #tpu.memory_space<hbm>>
        %dma_wait3A_1286 = tpu.memref_squeeze %dma_wait3A_1285 : memref<1x128xf32, #tpu.memory_space<hbm>> -> memref<128xf32, #tpu.memory_space<hbm>>
        %dma_wait3A_1287 = arith.constant 0 : i32
        %dma_wait3A_1288 = tpu.memref_slice %arg5[%mul3A_2, %dma_wait3A_1287] : memref<2048x128xf32, #tpu.memory_space<hbm>> -> memref<1x128xf32, #tpu.memory_space<hbm>>
        %dma_wait3A_1289 = tpu.memref_squeeze %dma_wait3A_1288 : memref<1x128xf32, #tpu.memory_space<hbm>> -> memref<128xf32, #tpu.memory_space<hbm>>
        %dma_wait3A_1290 = arith.constant 0 : i32
        %dma_wait3A_1291 = tpu.memref_slice %arg9[%dma_wait3A_1280, %dma_wait3A_1290] : memref<2x128xf32, #tpu.memory_space<vmem>> -> memref<1x128xf32, #tpu.memory_space<vmem>>
        %dma_wait3A_1292 = tpu.memref_squeeze %dma_wait3A_1291 : memref<1x128xf32, #tpu.memory_space<vmem>> -> memref<128xf32, #tpu.memory_space<vmem>>
        tpu.wait_dma2 semaphore(%arg12 : memref<!tpu.dma_semaphore, #tpu.memory_space<semaphore_mem>>) src(%dma_wait3A_1292 : memref<128xf32, #tpu.memory_space<vmem>>) dst(%dma_wait3A_1289 : memref<128xf32, #tpu.memory_space<hbm>>)
        %dma_wait3A_1293 = arith.constant 0 : i32
        %dma_wait3A_1294 = arith.constant 0 : i32
        %dma_wait3A_1295 = arith.constant 0 : i32
        %dma_wait3A_1296 = tpu.memref_slice %arg8[%dma_wait3A_1293, %dma_wait3A_1294, %dma_wait3A_1295] : memref<2x16x128xf32, #tpu.memory_space<vmem>> -> memref<1x16x128xf32, #tpu.memory_space<vmem>>
        %dma_wait3A_1297 = tpu.memref_squeeze %dma_wait3A_1296 : memref<1x16x128xf32, #tpu.memory_space<vmem>> -> memref<16x128xf32, #tpu.memory_space<vmem>>
        %dma_wait3A_1298 = arith.constant 0 : i32
        %dma_wait3A_1299 = arith.constant 0 : i32
        %dma_wait3A_1300 = tpu.memref_slice %arg4[%mul3A_2, %dma_wait3A_1298, %dma_wait3A_1299] : memref<2048x16x128xf32, #tpu.memory_space<hbm>> -> memref<1x16x128xf32, #tpu.memory_space<hbm>>
        %dma_wait3A_1301 = tpu.memref_squeeze %dma_wait3A_1300 : memref<1x16x128xf32, #tpu.memory_space<hbm>> -> memref<16x128xf32, #tpu.memory_space<hbm>>
        %dma_wait3A_1302 = arith.constant 0 : i32
        %dma_wait3A_1303 = arith.constant 0 : i32
        %dma_wait3A_1304 = tpu.memref_slice %arg4[%mul3A_2, %dma_wait3A_1302, %dma_wait3A_1303] : memref<2048x16x128xf32, #tpu.memory_space<hbm>> -> memref<1x16x128xf32, #tpu.memory_space<hbm>>
        %dma_wait3A_1305 = tpu.memref_squeeze %dma_wait3A_1304 : memref<1x16x128xf32, #tpu.memory_space<hbm>> -> memref<16x128xf32, #tpu.memory_space<hbm>>
        %dma_wait3A_1306 = arith.constant 0 : i32
        %dma_wait3A_1307 = arith.constant 0 : i32
        %dma_wait3A_1308 = tpu.memref_slice %arg8[%dma_wait3A_1293, %dma_wait3A_1306, %dma_wait3A_1307] : memref<2x16x128xf32, #tpu.memory_space<vmem>> -> memref<1x16x128xf32, #tpu.memory_space<vmem>>
        %dma_wait3A_1309 = tpu.memref_squeeze %dma_wait3A_1308 : memref<1x16x128xf32, #tpu.memory_space<vmem>> -> memref<16x128xf32, #tpu.memory_space<vmem>>
        tpu.wait_dma2 semaphore(%arg12 : memref<!tpu.dma_semaphore, #tpu.memory_space<semaphore_mem>>) src(%dma_wait3A_1309 : memref<16x128xf32, #tpu.memory_space<vmem>>) dst(%dma_wait3A_1305 : memref<16x128xf32, #tpu.memory_space<hbm>>)
      } else {
      }
      %get3A = arith.constant 0 : i32
      %get3A_158 = arith.constant 0 : i32
      %get3A_159 = arith.constant 0 : i32
      %get3A_160 = arith.constant 0 : i32
      %get3A_161 = tpu.memref_slice %arg7[%get3A, %get3A_159, %get3A_160] : memref<2x280x128xf32, #tpu.memory_space<vmem>> -> memref<1x280x128xf32, #tpu.memory_space<vmem>>
      %get3A_162 = tpu.memref_squeeze %get3A_161 : memref<1x280x128xf32, #tpu.memory_space<vmem>> -> memref<280x128xf32, #tpu.memory_space<vmem>>
      %get3A_163 = arith.index_cast %get3A_158 : i32 to index
      %get3A_164 = arith.constant 32 : index
      %get3A_165 = tpu.vector_load %get3A_162[%get3A_163, %get3A_164] {strides = array<i32>} : memref<280x128xf32, #tpu.memory_space<vmem>>, vector<16xf32>,
      %slice3A = vector.extract_strided_slice %get3A_165 {offsets = [0], sizes = [1], strides = [1]} : vector<16xf32> to vector<1xf32>
      %squeeze3A = vector.extract %slice3A[0] : f32 from vector<1xf32>
      %add3A_166 = arith.constant 1 : i32
      %add3A_167 = vector.broadcast %add3A_166 : i32 to vector<16xi32>
      %add3A_168 = arith.addi %add3A_167, %iota3A : vector<16xi32>
      %gather3A = arith.constant 0 : i32
      %gather3A_169 = arith.constant 0 : i32
      %gather3A_170 = arith.constant 0 : i32
      %gather3A_171 = tpu.memref_slice %arg7[%gather3A, %gather3A_169, %gather3A_170] : memref<2x280x128xf32, #tpu.memory_space<vmem>> -> memref<1x280x128xf32, #tpu.memory_space<vmem>>
      %gather3A_172 = tpu.memref_squeeze %gather3A_171 : memref<1x280x128xf32, #tpu.memory_space<vmem>> -> memref<280x128xf32, #tpu.memory_space<vmem>>
      %gather3A_173 = tpu.vector_load_idx %gather3A_172[%add3A_168, %broadcast_in_dim3A_3] : memref<280x128xf32, #tpu.memory_space<vmem>>[vector<16xi32>, vector<16xi32>], vector<16xf32>,
      %add3A_174 = vector.broadcast %squeeze3A : f32 to vector<16xf32>
      %add3A_175 = arith.addf %add3A_174, %gather3A_173 : vector<16xf32>
      %ge3A = arith.constant 0.000000e+00 : f32
      %ge3A_176 = vector.broadcast %ge3A : f32 to vector<16xf32>
      %ge3A_177 = arith.cmpf oge, %add3A_175, %ge3A_176 : vector<16xf32>
      %mul3A_178 = arith.constant 0.00999999977 : f32
      %mul3A_179 = vector.broadcast %mul3A_178 : f32 to vector<16xf32>
      %mul3A_180 = arith.mulf %mul3A_179, %add3A_175 : vector<16xf32>
      %select_n3A = arith.select %ge3A_177, %add3A_175, %mul3A_180 : vector<16xi1>, vector<16xf32>
      %reduce_max3A = arith.constant true
      %reduce_max3A_181 = vector.broadcast %reduce_max3A : i1 to vector<16xi1>
      %reduce_max3A_182 = tpu.scan <max>, %select_n3A masked %reduce_max3A_181 : vector<16xf32>, vector<16xi1> -> vector<16xf32>
      %reduce_max3A_183 = vector.extract %reduce_max3A_182[15] : f32 from vector<16xf32>
      %sub3A = vector.broadcast %reduce_max3A_183 : f32 to vector<16xf32>
      %sub3A_184 = arith.subf %select_n3A, %sub3A : vector<16xf32>
      %exp3A = math.exp %sub3A_184 : vector<16xf32>
      %reduce_sum3A = arith.constant true
      %reduce_sum3A_185 = vector.broadcast %reduce_sum3A : i1 to vector<16xi1>
      %reduce_sum3A_186 = tpu.scan <sum>, %exp3A masked %reduce_sum3A_185 : vector<16xf32>, vector<16xi1> -> vector<16xf32>
      %reduce_sum3A_187 = vector.extract %reduce_sum3A_186[15] : f32 from vector<16xf32>
      %div3A = vector.broadcast %reduce_sum3A_187 : f32 to vector<16xf32>
      %div3A_188 = arith.divf %exp3A, %div3A : vector<16xf32>
      %broadcast_in_dim3A_189 = arith.constant 0.000000e+00 : f32
      %broadcast_in_dim3A_190 = vector.broadcast %broadcast_in_dim3A_189 : f32 to vector<16xf32>
      %broadcast_in_dim3A_191 = arith.constant 0.000000e+00 : f32
      %broadcast_in_dim3A_192 = vector.broadcast %broadcast_in_dim3A_191 : f32 to vector<16xf32>
      %broadcast_in_dim3A_193 = arith.constant 0.000000e+00 : f32
      %broadcast_in_dim3A_194 = vector.broadcast %broadcast_in_dim3A_193 : f32 to vector<16xf32>
      %broadcast_in_dim3A_195 = arith.constant 0.000000e+00 : f32
      %broadcast_in_dim3A_196 = vector.broadcast %broadcast_in_dim3A_195 : f32 to vector<16xf32>
      %broadcast_in_dim3A_197 = arith.constant 0.000000e+00 : f32
      %broadcast_in_dim3A_198 = vector.broadcast %broadcast_in_dim3A_197 : f32 to vector<16xf32>
      %broadcast_in_dim3A_199 = arith.constant 0.000000e+00 : f32
      %broadcast_in_dim3A_200 = vector.broadcast %broadcast_in_dim3A_199 : f32 to vector<16xf32>
      %broadcast_in_dim3A_201 = arith.constant 0.000000e+00 : f32
      %broadcast_in_dim3A_202 = vector.broadcast %broadcast_in_dim3A_201 : f32 to vector<16xf32>
      %broadcast_in_dim3A_203 = arith.constant 0.000000e+00 : f32
      %broadcast_in_dim3A_204 = vector.broadcast %broadcast_in_dim3A_203 : f32 to vector<16xf32>
      %slice3A_205 = vector.extract_strided_slice %div3A_188 {offsets = [0], sizes = [1], strides = [1]} : vector<16xf32> to vector<1xf32>
      %squeeze3A_206 = vector.extract %slice3A_205[0] : f32 from vector<1xf32>
      %get3A_207 = arith.constant 0 : i32
      %get3A_208 = arith.constant 1 : i32
      %get3A_209 = arith.constant 0 : i32
      %get3A_210 = arith.constant 0 : i32
      %get3A_211 = tpu.memref_slice %arg7[%get3A_207, %get3A_209, %get3A_210] : memref<2x280x128xf32, #tpu.memory_space<vmem>> -> memref<1x280x128xf32, #tpu.memory_space<vmem>>
      %get3A_212 = tpu.memref_squeeze %get3A_211 : memref<1x280x128xf32, #tpu.memory_space<vmem>> -> memref<280x128xf32, #tpu.memory_space<vmem>>
      %get3A_213 = arith.index_cast %get3A_208 : i32 to index
      %get3A_214 = arith.constant 0 : index
      %get3A_215 = tpu.vector_load %get3A_212[%get3A_213, %get3A_214] {strides = array<i32>} : memref<280x128xf32, #tpu.memory_space<vmem>>, vector<16xf32>,
      %mul3A_216 = vector.broadcast %squeeze3A_206 : f32 to vector<16xf32>
      %mul3A_217 = arith.mulf %mul3A_216, %get3A_215 : vector<16xf32>
      %add3A_218 = arith.addf %broadcast_in_dim3A_190, %mul3A_217 : vector<16xf32>
      %get3A_219 = arith.constant 0 : i32
      %get3A_220 = arith.constant 1 : i32
      %get3A_221 = arith.constant 0 : i32
      %get3A_222 = arith.constant 0 : i32
      %get3A_223 = tpu.memref_slice %arg7[%get3A_219, %get3A_221, %get3A_222] : memref<2x280x128xf32, #tpu.memory_space<vmem>> -> memref<1x280x128xf32, #tpu.memory_space<vmem>>
      %get3A_224 = tpu.memref_squeeze %get3A_223 : memref<1x280x128xf32, #tpu.memory_space<vmem>> -> memref<280x128xf32, #tpu.memory_space<vmem>>
      %get3A_225 = arith.index_cast %get3A_220 : i32 to index
      %get3A_226 = arith.constant 16 : index
      %get3A_227 = tpu.vector_load %get3A_224[%get3A_225, %get3A_226] {strides = array<i32>} : memref<280x128xf32, #tpu.memory_space<vmem>>, vector<16xf32>,
      %mul3A_228 = vector.broadcast %squeeze3A_206 : f32 to vector<16xf32>
      %mul3A_229 = arith.mulf %mul3A_228, %get3A_227 : vector<16xf32>
      %add3A_230 = arith.addf %broadcast_in_dim3A_198, %mul3A_229 : vector<16xf32>
      %slice3A_231 = vector.extract_strided_slice %div3A_188 {offsets = [1], sizes = [1], strides = [1]} : vector<16xf32> to vector<1xf32>
      %squeeze3A_232 = vector.extract %slice3A_231[0] : f32 from vector<1xf32>
      %get3A_233 = arith.constant 0 : i32
      %get3A_234 = arith.constant 2 : i32
      %get3A_235 = arith.constant 0 : i32
      %get3A_236 = arith.constant 0 : i32
      %get3A_237 = tpu.memref_slice %arg7[%get3A_233, %get3A_235, %get3A_236] : memref<2x280x128xf32, #tpu.memory_space<vmem>> -> memref<1x280x128xf32, #tpu.memory_space<vmem>>
      %get3A_238 = tpu.memref_squeeze %get3A_237 : memref<1x280x128xf32, #tpu.memory_space<vmem>> -> memref<280x128xf32, #tpu.memory_space<vmem>>
      %get3A_239 = arith.index_cast %get3A_234 : i32 to index
      %get3A_240 = arith.constant 0 : index
      %get3A_241 = tpu.vector_load %get3A_238[%get3A_239, %get3A_240] {strides = array<i32>} : memref<280x128xf32, #tpu.memory_space<vmem>>, vector<16xf32>,
      %mul3A_242 = vector.broadcast %squeeze3A_232 : f32 to vector<16xf32>
      %mul3A_243 = arith.mulf %mul3A_242, %get3A_241 : vector<16xf32>
      %add3A_244 = arith.addf %broadcast_in_dim3A_192, %mul3A_243 : vector<16xf32>
      %get3A_245 = arith.constant 0 : i32
      %get3A_246 = arith.constant 2 : i32
      %get3A_247 = arith.constant 0 : i32
      %get3A_248 = arith.constant 0 : i32
      %get3A_249 = tpu.memref_slice %arg7[%get3A_245, %get3A_247, %get3A_248] : memref<2x280x128xf32, #tpu.memory_space<vmem>> -> memref<1x280x128xf32, #tpu.memory_space<vmem>>
      %get3A_250 = tpu.memref_squeeze %get3A_249 : memref<1x280x128xf32, #tpu.memory_space<vmem>> -> memref<280x128xf32, #tpu.memory_space<vmem>>
      %get3A_251 = arith.index_cast %get3A_246 : i32 to index
      %get3A_252 = arith.constant 16 : index
      %get3A_253 = tpu.vector_load %get3A_250[%get3A_251, %get3A_252] {strides = array<i32>} : memref<280x128xf32, #tpu.memory_space<vmem>>, vector<16xf32>,
      %mul3A_254 = vector.broadcast %squeeze3A_232 : f32 to vector<16xf32>
      %mul3A_255 = arith.mulf %mul3A_254, %get3A_253 : vector<16xf32>
      %add3A_256 = arith.addf %broadcast_in_dim3A_200, %mul3A_255 : vector<16xf32>
      %slice3A_257 = vector.extract_strided_slice %div3A_188 {offsets = [2], sizes = [1], strides = [1]} : vector<16xf32> to vector<1xf32>
      %squeeze3A_258 = vector.extract %slice3A_257[0] : f32 from vector<1xf32>
      %get3A_259 = arith.constant 0 : i32
      %get3A_260 = arith.constant 3 : i32
      %get3A_261 = arith.constant 0 : i32
      %get3A_262 = arith.constant 0 : i32
      %get3A_263 = tpu.memref_slice %arg7[%get3A_259, %get3A_261, %get3A_262] : memref<2x280x128xf32, #tpu.memory_space<vmem>> -> memref<1x280x128xf32, #tpu.memory_space<vmem>>
      %get3A_264 = tpu.memref_squeeze %get3A_263 : memref<1x280x128xf32, #tpu.memory_space<vmem>> -> memref<280x128xf32, #tpu.memory_space<vmem>>
      %get3A_265 = arith.index_cast %get3A_260 : i32 to index
      %get3A_266 = arith.constant 0 : index
      %get3A_267 = tpu.vector_load %get3A_264[%get3A_265, %get3A_266] {strides = array<i32>} : memref<280x128xf32, #tpu.memory_space<vmem>>, vector<16xf32>,
      %mul3A_268 = vector.broadcast %squeeze3A_258 : f32 to vector<16xf32>
      %mul3A_269 = arith.mulf %mul3A_268, %get3A_267 : vector<16xf32>
      %add3A_270 = arith.addf %broadcast_in_dim3A_194, %mul3A_269 : vector<16xf32>
      %get3A_271 = arith.constant 0 : i32
      %get3A_272 = arith.constant 3 : i32
      %get3A_273 = arith.constant 0 : i32
      %get3A_274 = arith.constant 0 : i32
      %get3A_275 = tpu.memref_slice %arg7[%get3A_271, %get3A_273, %get3A_274] : memref<2x280x128xf32, #tpu.memory_space<vmem>> -> memref<1x280x128xf32, #tpu.memory_space<vmem>>
      %get3A_276 = tpu.memref_squeeze %get3A_275 : memref<1x280x128xf32, #tpu.memory_space<vmem>> -> memref<280x128xf32, #tpu.memory_space<vmem>>
      %get3A_277 = arith.index_cast %get3A_272 : i32 to index
      %get3A_278 = arith.constant 16 : index
      %get3A_279 = tpu.vector_load %get3A_276[%get3A_277, %get3A_278] {strides = array<i32>} : memref<280x128xf32, #tpu.memory_space<vmem>>, vector<16xf32>,
      %mul3A_280 = vector.broadcast %squeeze3A_258 : f32 to vector<16xf32>
      %mul3A_281 = arith.mulf %mul3A_280, %get3A_279 : vector<16xf32>
      %add3A_282 = arith.addf %broadcast_in_dim3A_202, %mul3A_281 : vector<16xf32>
      %slice3A_283 = vector.extract_strided_slice %div3A_188 {offsets = [3], sizes = [1], strides = [1]} : vector<16xf32> to vector<1xf32>
      %squeeze3A_284 = vector.extract %slice3A_283[0] : f32 from vector<1xf32>
      %get3A_285 = arith.constant 0 : i32
      %get3A_286 = arith.constant 4 : i32
      %get3A_287 = arith.constant 0 : i32
      %get3A_288 = arith.constant 0 : i32
      %get3A_289 = tpu.memref_slice %arg7[%get3A_285, %get3A_287, %get3A_288] : memref<2x280x128xf32, #tpu.memory_space<vmem>> -> memref<1x280x128xf32, #tpu.memory_space<vmem>>
      %get3A_290 = tpu.memref_squeeze %get3A_289 : memref<1x280x128xf32, #tpu.memory_space<vmem>> -> memref<280x128xf32, #tpu.memory_space<vmem>>
      %get3A_291 = arith.index_cast %get3A_286 : i32 to index
      %get3A_292 = arith.constant 0 : index
      %get3A_293 = tpu.vector_load %get3A_290[%get3A_291, %get3A_292] {strides = array<i32>} : memref<280x128xf32, #tpu.memory_space<vmem>>, vector<16xf32>,
      %mul3A_294 = vector.broadcast %squeeze3A_284 : f32 to vector<16xf32>
      %mul3A_295 = arith.mulf %mul3A_294, %get3A_293 : vector<16xf32>
      %add3A_296 = arith.addf %broadcast_in_dim3A_196, %mul3A_295 : vector<16xf32>
      %get3A_297 = arith.constant 0 : i32
      %get3A_298 = arith.constant 4 : i32
      %get3A_299 = arith.constant 0 : i32
      %get3A_300 = arith.constant 0 : i32
      %get3A_301 = tpu.memref_slice %arg7[%get3A_297, %get3A_299, %get3A_300] : memref<2x280x128xf32, #tpu.memory_space<vmem>> -> memref<1x280x128xf32, #tpu.memory_space<vmem>>
      %get3A_302 = tpu.memref_squeeze %get3A_301 : memref<1x280x128xf32, #tpu.memory_space<vmem>> -> memref<280x128xf32, #tpu.memory_space<vmem>>
      %get3A_303 = arith.index_cast %get3A_298 : i32 to index
      %get3A_304 = arith.constant 16 : index
      %get3A_305 = tpu.vector_load %get3A_302[%get3A_303, %get3A_304] {strides = array<i32>} : memref<280x128xf32, #tpu.memory_space<vmem>>, vector<16xf32>,
      %mul3A_306 = vector.broadcast %squeeze3A_284 : f32 to vector<16xf32>
      %mul3A_307 = arith.mulf %mul3A_306, %get3A_305 : vector<16xf32>
      %add3A_308 = arith.addf %broadcast_in_dim3A_204, %mul3A_307 : vector<16xf32>
      %slice3A_309 = vector.extract_strided_slice %div3A_188 {offsets = [4], sizes = [1], strides = [1]} : vector<16xf32> to vector<1xf32>
      %squeeze3A_310 = vector.extract %slice3A_309[0] : f32 from vector<1xf32>
      %get3A_311 = arith.constant 0 : i32
      %get3A_312 = arith.constant 5 : i32
      %get3A_313 = arith.constant 0 : i32
      %get3A_314 = arith.constant 0 : i32
      %get3A_315 = tpu.memref_slice %arg7[%get3A_311, %get3A_313, %get3A_314] : memref<2x280x128xf32, #tpu.memory_space<vmem>> -> memref<1x280x128xf32, #tpu.memory_space<vmem>>
      %get3A_316 = tpu.memref_squeeze %get3A_315 : memref<1x280x128xf32, #tpu.memory_space<vmem>> -> memref<280x128xf32, #tpu.memory_space<vmem>>
      %get3A_317 = arith.index_cast %get3A_312 : i32 to index
      %get3A_318 = arith.constant 0 : index
      %get3A_319 = tpu.vector_load %get3A_316[%get3A_317, %get3A_318] {strides = array<i32>} : memref<280x128xf32, #tpu.memory_space<vmem>>, vector<16xf32>,
      %mul3A_320 = vector.broadcast %squeeze3A_310 : f32 to vector<16xf32>
      %mul3A_321 = arith.mulf %mul3A_320, %get3A_319 : vector<16xf32>
      %add3A_322 = arith.addf %add3A_218, %mul3A_321 : vector<16xf32>
      %get3A_323 = arith.constant 0 : i32
      %get3A_324 = arith.constant 5 : i32
      %get3A_325 = arith.constant 0 : i32
      %get3A_326 = arith.constant 0 : i32
      %get3A_327 = tpu.memref_slice %arg7[%get3A_323, %get3A_325, %get3A_326] : memref<2x280x128xf32, #tpu.memory_space<vmem>> -> memref<1x280x128xf32, #tpu.memory_space<vmem>>
      %get3A_328 = tpu.memref_squeeze %get3A_327 : memref<1x280x128xf32, #tpu.memory_space<vmem>> -> memref<280x128xf32, #tpu.memory_space<vmem>>
      %get3A_329 = arith.index_cast %get3A_324 : i32 to index
      %get3A_330 = arith.constant 16 : index
      %get3A_331 = tpu.vector_load %get3A_328[%get3A_329, %get3A_330] {strides = array<i32>} : memref<280x128xf32, #tpu.memory_space<vmem>>, vector<16xf32>,
      %mul3A_332 = vector.broadcast %squeeze3A_310 : f32 to vector<16xf32>
      %mul3A_333 = arith.mulf %mul3A_332, %get3A_331 : vector<16xf32>
      %add3A_334 = arith.addf %add3A_230, %mul3A_333 : vector<16xf32>
      %slice3A_335 = vector.extract_strided_slice %div3A_188 {offsets = [5], sizes = [1], strides = [1]} : vector<16xf32> to vector<1xf32>
      %squeeze3A_336 = vector.extract %slice3A_335[0] : f32 from vector<1xf32>
      %get3A_337 = arith.constant 0 : i32
      %get3A_338 = arith.constant 6 : i32
      %get3A_339 = arith.constant 0 : i32
      %get3A_340 = arith.constant 0 : i32
      %get3A_341 = tpu.memref_slice %arg7[%get3A_337, %get3A_339, %get3A_340] : memref<2x280x128xf32, #tpu.memory_space<vmem>> -> memref<1x280x128xf32, #tpu.memory_space<vmem>>
      %get3A_342 = tpu.memref_squeeze %get3A_341 : memref<1x280x128xf32, #tpu.memory_space<vmem>> -> memref<280x128xf32, #tpu.memory_space<vmem>>
      %get3A_343 = arith.index_cast %get3A_338 : i32 to index
      %get3A_344 = arith.constant 0 : index
      %get3A_345 = tpu.vector_load %get3A_342[%get3A_343, %get3A_344] {strides = array<i32>} : memref<280x128xf32, #tpu.memory_space<vmem>>, vector<16xf32>,
      %mul3A_346 = vector.broadcast %squeeze3A_336 : f32 to vector<16xf32>
      %mul3A_347 = arith.mulf %mul3A_346, %get3A_345 : vector<16xf32>
      %add3A_348 = arith.addf %add3A_244, %mul3A_347 : vector<16xf32>
      %get3A_349 = arith.constant 0 : i32
      %get3A_350 = arith.constant 6 : i32
      %get3A_351 = arith.constant 0 : i32
      %get3A_352 = arith.constant 0 : i32
      %get3A_353 = tpu.memref_slice %arg7[%get3A_349, %get3A_351, %get3A_352] : memref<2x280x128xf32, #tpu.memory_space<vmem>> -> memref<1x280x128xf32, #tpu.memory_space<vmem>>
      %get3A_354 = tpu.memref_squeeze %get3A_353 : memref<1x280x128xf32, #tpu.memory_space<vmem>> -> memref<280x128xf32, #tpu.memory_space<vmem>>
      %get3A_355 = arith.index_cast %get3A_350 : i32 to index
      %get3A_356 = arith.constant 16 : index
      %get3A_357 = tpu.vector_load %get3A_354[%get3A_355, %get3A_356] {strides = array<i32>} : memref<280x128xf32, #tpu.memory_space<vmem>>, vector<16xf32>,
      %mul3A_358 = vector.broadcast %squeeze3A_336 : f32 to vector<16xf32>
      %mul3A_359 = arith.mulf %mul3A_358, %get3A_357 : vector<16xf32>
      %add3A_360 = arith.addf %add3A_256, %mul3A_359 : vector<16xf32>
      %slice3A_361 = vector.extract_strided_slice %div3A_188 {offsets = [6], sizes = [1], strides = [1]} : vector<16xf32> to vector<1xf32>
      %squeeze3A_362 = vector.extract %slice3A_361[0] : f32 from vector<1xf32>
      %get3A_363 = arith.constant 0 : i32
      %get3A_364 = arith.constant 7 : i32
      %get3A_365 = arith.constant 0 : i32
      %get3A_366 = arith.constant 0 : i32
      %get3A_367 = tpu.memref_slice %arg7[%get3A_363, %get3A_365, %get3A_366] : memref<2x280x128xf32, #tpu.memory_space<vmem>> -> memref<1x280x128xf32, #tpu.memory_space<vmem>>
      %get3A_368 = tpu.memref_squeeze %get3A_367 : memref<1x280x128xf32, #tpu.memory_space<vmem>> -> memref<280x128xf32, #tpu.memory_space<vmem>>
      %get3A_369 = arith.index_cast %get3A_364 : i32 to index
      %get3A_370 = arith.constant 0 : index
      %get3A_371 = tpu.vector_load %get3A_368[%get3A_369, %get3A_370] {strides = array<i32>} : memref<280x128xf32, #tpu.memory_space<vmem>>, vector<16xf32>,
      %mul3A_372 = vector.broadcast %squeeze3A_362 : f32 to vector<16xf32>
      %mul3A_373 = arith.mulf %mul3A_372, %get3A_371 : vector<16xf32>
      %add3A_374 = arith.addf %add3A_270, %mul3A_373 : vector<16xf32>
      %get3A_375 = arith.constant 0 : i32
      %get3A_376 = arith.constant 7 : i32
      %get3A_377 = arith.constant 0 : i32
      %get3A_378 = arith.constant 0 : i32
      %get3A_379 = tpu.memref_slice %arg7[%get3A_375, %get3A_377, %get3A_378] : memref<2x280x128xf32, #tpu.memory_space<vmem>> -> memref<1x280x128xf32, #tpu.memory_space<vmem>>
      %get3A_380 = tpu.memref_squeeze %get3A_379 : memref<1x280x128xf32, #tpu.memory_space<vmem>> -> memref<280x128xf32, #tpu.memory_space<vmem>>
      %get3A_381 = arith.index_cast %get3A_376 : i32 to index
      %get3A_382 = arith.constant 16 : index
      %get3A_383 = tpu.vector_load %get3A_380[%get3A_381, %get3A_382] {strides = array<i32>} : memref<280x128xf32, #tpu.memory_space<vmem>>, vector<16xf32>,
      %mul3A_384 = vector.broadcast %squeeze3A_362 : f32 to vector<16xf32>
      %mul3A_385 = arith.mulf %mul3A_384, %get3A_383 : vector<16xf32>
      %add3A_386 = arith.addf %add3A_282, %mul3A_385 : vector<16xf32>
      %slice3A_387 = vector.extract_strided_slice %div3A_188 {offsets = [7], sizes = [1], strides = [1]} : vector<16xf32> to vector<1xf32>
      %squeeze3A_388 = vector.extract %slice3A_387[0] : f32 from vector<1xf32>
      %get3A_389 = arith.constant 0 : i32
      %get3A_390 = arith.constant 8 : i32
      %get3A_391 = arith.constant 0 : i32
      %get3A_392 = arith.constant 0 : i32
      %get3A_393 = tpu.memref_slice %arg7[%get3A_389, %get3A_391, %get3A_392] : memref<2x280x128xf32, #tpu.memory_space<vmem>> -> memref<1x280x128xf32, #tpu.memory_space<vmem>>
      %get3A_394 = tpu.memref_squeeze %get3A_393 : memref<1x280x128xf32, #tpu.memory_space<vmem>> -> memref<280x128xf32, #tpu.memory_space<vmem>>
      %get3A_395 = arith.index_cast %get3A_390 : i32 to index
      %get3A_396 = arith.constant 0 : index
      %get3A_397 = tpu.vector_load %get3A_394[%get3A_395, %get3A_396] {strides = array<i32>} : memref<280x128xf32, #tpu.memory_space<vmem>>, vector<16xf32>,
      %mul3A_398 = vector.broadcast %squeeze3A_388 : f32 to vector<16xf32>
      %mul3A_399 = arith.mulf %mul3A_398, %get3A_397 : vector<16xf32>
      %add3A_400 = arith.addf %add3A_296, %mul3A_399 : vector<16xf32>
      %get3A_401 = arith.constant 0 : i32
      %get3A_402 = arith.constant 8 : i32
      %get3A_403 = arith.constant 0 : i32
      %get3A_404 = arith.constant 0 : i32
      %get3A_405 = tpu.memref_slice %arg7[%get3A_401, %get3A_403, %get3A_404] : memref<2x280x128xf32, #tpu.memory_space<vmem>> -> memref<1x280x128xf32, #tpu.memory_space<vmem>>
      %get3A_406 = tpu.memref_squeeze %get3A_405 : memref<1x280x128xf32, #tpu.memory_space<vmem>> -> memref<280x128xf32, #tpu.memory_space<vmem>>
      %get3A_407 = arith.index_cast %get3A_402 : i32 to index
      %get3A_408 = arith.constant 16 : index
      %get3A_409 = tpu.vector_load %get3A_406[%get3A_407, %get3A_408] {strides = array<i32>} : memref<280x128xf32, #tpu.memory_space<vmem>>, vector<16xf32>,
      %mul3A_410 = vector.broadcast %squeeze3A_388 : f32 to vector<16xf32>
      %mul3A_411 = arith.mulf %mul3A_410, %get3A_409 : vector<16xf32>
      %add3A_412 = arith.addf %add3A_308, %mul3A_411 : vector<16xf32>
      %slice3A_413 = vector.extract_strided_slice %div3A_188 {offsets = [8], sizes = [1], strides = [1]} : vector<16xf32> to vector<1xf32>
      %squeeze3A_414 = vector.extract %slice3A_413[0] : f32 from vector<1xf32>
      %get3A_415 = arith.constant 0 : i32
      %get3A_416 = arith.constant 9 : i32
      %get3A_417 = arith.constant 0 : i32
      %get3A_418 = arith.constant 0 : i32
      %get3A_419 = tpu.memref_slice %arg7[%get3A_415, %get3A_417, %get3A_418] : memref<2x280x128xf32, #tpu.memory_space<vmem>> -> memref<1x280x128xf32, #tpu.memory_space<vmem>>
      %get3A_420 = tpu.memref_squeeze %get3A_419 : memref<1x280x128xf32, #tpu.memory_space<vmem>> -> memref<280x128xf32, #tpu.memory_space<vmem>>
      %get3A_421 = arith.index_cast %get3A_416 : i32 to index
      %get3A_422 = arith.constant 0 : index
      %get3A_423 = tpu.vector_load %get3A_420[%get3A_421, %get3A_422] {strides = array<i32>} : memref<280x128xf32, #tpu.memory_space<vmem>>, vector<16xf32>,
      %mul3A_424 = vector.broadcast %squeeze3A_414 : f32 to vector<16xf32>
      %mul3A_425 = arith.mulf %mul3A_424, %get3A_423 : vector<16xf32>
      %add3A_426 = arith.addf %add3A_322, %mul3A_425 : vector<16xf32>
      %get3A_427 = arith.constant 0 : i32
      %get3A_428 = arith.constant 9 : i32
      %get3A_429 = arith.constant 0 : i32
      %get3A_430 = arith.constant 0 : i32
      %get3A_431 = tpu.memref_slice %arg7[%get3A_427, %get3A_429, %get3A_430] : memref<2x280x128xf32, #tpu.memory_space<vmem>> -> memref<1x280x128xf32, #tpu.memory_space<vmem>>
      %get3A_432 = tpu.memref_squeeze %get3A_431 : memref<1x280x128xf32, #tpu.memory_space<vmem>> -> memref<280x128xf32, #tpu.memory_space<vmem>>
      %get3A_433 = arith.index_cast %get3A_428 : i32 to index
      %get3A_434 = arith.constant 16 : index
      %get3A_435 = tpu.vector_load %get3A_432[%get3A_433, %get3A_434] {strides = array<i32>} : memref<280x128xf32, #tpu.memory_space<vmem>>, vector<16xf32>,
      %mul3A_436 = vector.broadcast %squeeze3A_414 : f32 to vector<16xf32>
      %mul3A_437 = arith.mulf %mul3A_436, %get3A_435 : vector<16xf32>
      %add3A_438 = arith.addf %add3A_334, %mul3A_437 : vector<16xf32>
      %slice3A_439 = vector.extract_strided_slice %div3A_188 {offsets = [9], sizes = [1], strides = [1]} : vector<16xf32> to vector<1xf32>
      %squeeze3A_440 = vector.extract %slice3A_439[0] : f32 from vector<1xf32>
      %get3A_441 = arith.constant 0 : i32
      %get3A_442 = arith.constant 10 : i32
      %get3A_443 = arith.constant 0 : i32
      %get3A_444 = arith.constant 0 : i32
      %get3A_445 = tpu.memref_slice %arg7[%get3A_441, %get3A_443, %get3A_444] : memref<2x280x128xf32, #tpu.memory_space<vmem>> -> memref<1x280x128xf32, #tpu.memory_space<vmem>>
      %get3A_446 = tpu.memref_squeeze %get3A_445 : memref<1x280x128xf32, #tpu.memory_space<vmem>> -> memref<280x128xf32, #tpu.memory_space<vmem>>
      %get3A_447 = arith.index_cast %get3A_442 : i32 to index
      %get3A_448 = arith.constant 0 : index
      %get3A_449 = tpu.vector_load %get3A_446[%get3A_447, %get3A_448] {strides = array<i32>} : memref<280x128xf32, #tpu.memory_space<vmem>>, vector<16xf32>,
      %mul3A_450 = vector.broadcast %squeeze3A_440 : f32 to vector<16xf32>
      %mul3A_451 = arith.mulf %mul3A_450, %get3A_449 : vector<16xf32>
      %add3A_452 = arith.addf %add3A_348, %mul3A_451 : vector<16xf32>
      %get3A_453 = arith.constant 0 : i32
      %get3A_454 = arith.constant 10 : i32
      %get3A_455 = arith.constant 0 : i32
      %get3A_456 = arith.constant 0 : i32
      %get3A_457 = tpu.memref_slice %arg7[%get3A_453, %get3A_455, %get3A_456] : memref<2x280x128xf32, #tpu.memory_space<vmem>> -> memref<1x280x128xf32, #tpu.memory_space<vmem>>
      %get3A_458 = tpu.memref_squeeze %get3A_457 : memref<1x280x128xf32, #tpu.memory_space<vmem>> -> memref<280x128xf32, #tpu.memory_space<vmem>>
      %get3A_459 = arith.index_cast %get3A_454 : i32 to index
      %get3A_460 = arith.constant 16 : index
      %get3A_461 = tpu.vector_load %get3A_458[%get3A_459, %get3A_460] {strides = array<i32>} : memref<280x128xf32, #tpu.memory_space<vmem>>, vector<16xf32>,
      %mul3A_462 = vector.broadcast %squeeze3A_440 : f32 to vector<16xf32>
      %mul3A_463 = arith.mulf %mul3A_462, %get3A_461 : vector<16xf32>
      %add3A_464 = arith.addf %add3A_360, %mul3A_463 : vector<16xf32>
      %slice3A_465 = vector.extract_strided_slice %div3A_188 {offsets = [10], sizes = [1], strides = [1]} : vector<16xf32> to vector<1xf32>
      %squeeze3A_466 = vector.extract %slice3A_465[0] : f32 from vector<1xf32>
      %get3A_467 = arith.constant 0 : i32
      %get3A_468 = arith.constant 11 : i32
      %get3A_469 = arith.constant 0 : i32
      %get3A_470 = arith.constant 0 : i32
      %get3A_471 = tpu.memref_slice %arg7[%get3A_467, %get3A_469, %get3A_470] : memref<2x280x128xf32, #tpu.memory_space<vmem>> -> memref<1x280x128xf32, #tpu.memory_space<vmem>>
      %get3A_472 = tpu.memref_squeeze %get3A_471 : memref<1x280x128xf32, #tpu.memory_space<vmem>> -> memref<280x128xf32, #tpu.memory_space<vmem>>
      %get3A_473 = arith.index_cast %get3A_468 : i32 to index
      %get3A_474 = arith.constant 0 : index
      %get3A_475 = tpu.vector_load %get3A_472[%get3A_473, %get3A_474] {strides = array<i32>} : memref<280x128xf32, #tpu.memory_space<vmem>>, vector<16xf32>,
      %mul3A_476 = vector.broadcast %squeeze3A_466 : f32 to vector<16xf32>
      %mul3A_477 = arith.mulf %mul3A_476, %get3A_475 : vector<16xf32>
      %add3A_478 = arith.addf %add3A_374, %mul3A_477 : vector<16xf32>
      %get3A_479 = arith.constant 0 : i32
      %get3A_480 = arith.constant 11 : i32
      %get3A_481 = arith.constant 0 : i32
      %get3A_482 = arith.constant 0 : i32
      %get3A_483 = tpu.memref_slice %arg7[%get3A_479, %get3A_481, %get3A_482] : memref<2x280x128xf32, #tpu.memory_space<vmem>> -> memref<1x280x128xf32, #tpu.memory_space<vmem>>
      %get3A_484 = tpu.memref_squeeze %get3A_483 : memref<1x280x128xf32, #tpu.memory_space<vmem>> -> memref<280x128xf32, #tpu.memory_space<vmem>>
      %get3A_485 = arith.index_cast %get3A_480 : i32 to index
      %get3A_486 = arith.constant 16 : index
      %get3A_487 = tpu.vector_load %get3A_484[%get3A_485, %get3A_486] {strides = array<i32>} : memref<280x128xf32, #tpu.memory_space<vmem>>, vector<16xf32>,
      %mul3A_488 = vector.broadcast %squeeze3A_466 : f32 to vector<16xf32>
      %mul3A_489 = arith.mulf %mul3A_488, %get3A_487 : vector<16xf32>
      %add3A_490 = arith.addf %add3A_386, %mul3A_489 : vector<16xf32>
      %slice3A_491 = vector.extract_strided_slice %div3A_188 {offsets = [11], sizes = [1], strides = [1]} : vector<16xf32> to vector<1xf32>
      %squeeze3A_492 = vector.extract %slice3A_491[0] : f32 from vector<1xf32>
      %get3A_493 = arith.constant 0 : i32
      %get3A_494 = arith.constant 12 : i32
      %get3A_495 = arith.constant 0 : i32
      %get3A_496 = arith.constant 0 : i32
      %get3A_497 = tpu.memref_slice %arg7[%get3A_493, %get3A_495, %get3A_496] : memref<2x280x128xf32, #tpu.memory_space<vmem>> -> memref<1x280x128xf32, #tpu.memory_space<vmem>>
      %get3A_498 = tpu.memref_squeeze %get3A_497 : memref<1x280x128xf32, #tpu.memory_space<vmem>> -> memref<280x128xf32, #tpu.memory_space<vmem>>
      %get3A_499 = arith.index_cast %get3A_494 : i32 to index
      %get3A_500 = arith.constant 0 : index
      %get3A_501 = tpu.vector_load %get3A_498[%get3A_499, %get3A_500] {strides = array<i32>} : memref<280x128xf32, #tpu.memory_space<vmem>>, vector<16xf32>,
      %mul3A_502 = vector.broadcast %squeeze3A_492 : f32 to vector<16xf32>
      %mul3A_503 = arith.mulf %mul3A_502, %get3A_501 : vector<16xf32>
      %add3A_504 = arith.addf %add3A_400, %mul3A_503 : vector<16xf32>
      %get3A_505 = arith.constant 0 : i32
      %get3A_506 = arith.constant 12 : i32
      %get3A_507 = arith.constant 0 : i32
      %get3A_508 = arith.constant 0 : i32
      %get3A_509 = tpu.memref_slice %arg7[%get3A_505, %get3A_507, %get3A_508] : memref<2x280x128xf32, #tpu.memory_space<vmem>> -> memref<1x280x128xf32, #tpu.memory_space<vmem>>
      %get3A_510 = tpu.memref_squeeze %get3A_509 : memref<1x280x128xf32, #tpu.memory_space<vmem>> -> memref<280x128xf32, #tpu.memory_space<vmem>>
      %get3A_511 = arith.index_cast %get3A_506 : i32 to index
      %get3A_512 = arith.constant 16 : index
      %get3A_513 = tpu.vector_load %get3A_510[%get3A_511, %get3A_512] {strides = array<i32>} : memref<280x128xf32, #tpu.memory_space<vmem>>, vector<16xf32>,
      %mul3A_514 = vector.broadcast %squeeze3A_492 : f32 to vector<16xf32>
      %mul3A_515 = arith.mulf %mul3A_514, %get3A_513 : vector<16xf32>
      %add3A_516 = arith.addf %add3A_412, %mul3A_515 : vector<16xf32>
      %slice3A_517 = vector.extract_strided_slice %div3A_188 {offsets = [12], sizes = [1], strides = [1]} : vector<16xf32> to vector<1xf32>
      %squeeze3A_518 = vector.extract %slice3A_517[0] : f32 from vector<1xf32>
      %get3A_519 = arith.constant 0 : i32
      %get3A_520 = arith.constant 13 : i32
      %get3A_521 = arith.constant 0 : i32
      %get3A_522 = arith.constant 0 : i32
      %get3A_523 = tpu.memref_slice %arg7[%get3A_519, %get3A_521, %get3A_522] : memref<2x280x128xf32, #tpu.memory_space<vmem>> -> memref<1x280x128xf32, #tpu.memory_space<vmem>>
      %get3A_524 = tpu.memref_squeeze %get3A_523 : memref<1x280x128xf32, #tpu.memory_space<vmem>> -> memref<280x128xf32, #tpu.memory_space<vmem>>
      %get3A_525 = arith.index_cast %get3A_520 : i32 to index
      %get3A_526 = arith.constant 0 : index
      %get3A_527 = tpu.vector_load %get3A_524[%get3A_525, %get3A_526] {strides = array<i32>} : memref<280x128xf32, #tpu.memory_space<vmem>>, vector<16xf32>,
      %mul3A_528 = vector.broadcast %squeeze3A_518 : f32 to vector<16xf32>
      %mul3A_529 = arith.mulf %mul3A_528, %get3A_527 : vector<16xf32>
      %add3A_530 = arith.addf %add3A_426, %mul3A_529 : vector<16xf32>
      %get3A_531 = arith.constant 0 : i32
      %get3A_532 = arith.constant 13 : i32
      %get3A_533 = arith.constant 0 : i32
      %get3A_534 = arith.constant 0 : i32
      %get3A_535 = tpu.memref_slice %arg7[%get3A_531, %get3A_533, %get3A_534] : memref<2x280x128xf32, #tpu.memory_space<vmem>> -> memref<1x280x128xf32, #tpu.memory_space<vmem>>
      %get3A_536 = tpu.memref_squeeze %get3A_535 : memref<1x280x128xf32, #tpu.memory_space<vmem>> -> memref<280x128xf32, #tpu.memory_space<vmem>>
      %get3A_537 = arith.index_cast %get3A_532 : i32 to index
      %get3A_538 = arith.constant 16 : index
      %get3A_539 = tpu.vector_load %get3A_536[%get3A_537, %get3A_538] {strides = array<i32>} : memref<280x128xf32, #tpu.memory_space<vmem>>, vector<16xf32>,
      %mul3A_540 = vector.broadcast %squeeze3A_518 : f32 to vector<16xf32>
      %mul3A_541 = arith.mulf %mul3A_540, %get3A_539 : vector<16xf32>
      %add3A_542 = arith.addf %add3A_438, %mul3A_541 : vector<16xf32>
      %slice3A_543 = vector.extract_strided_slice %div3A_188 {offsets = [13], sizes = [1], strides = [1]} : vector<16xf32> to vector<1xf32>
      %squeeze3A_544 = vector.extract %slice3A_543[0] : f32 from vector<1xf32>
      %get3A_545 = arith.constant 0 : i32
      %get3A_546 = arith.constant 14 : i32
      %get3A_547 = arith.constant 0 : i32
      %get3A_548 = arith.constant 0 : i32
      %get3A_549 = tpu.memref_slice %arg7[%get3A_545, %get3A_547, %get3A_548] : memref<2x280x128xf32, #tpu.memory_space<vmem>> -> memref<1x280x128xf32, #tpu.memory_space<vmem>>
      %get3A_550 = tpu.memref_squeeze %get3A_549 : memref<1x280x128xf32, #tpu.memory_space<vmem>> -> memref<280x128xf32, #tpu.memory_space<vmem>>
      %get3A_551 = arith.index_cast %get3A_546 : i32 to index
      %get3A_552 = arith.constant 0 : index
      %get3A_553 = tpu.vector_load %get3A_550[%get3A_551, %get3A_552] {strides = array<i32>} : memref<280x128xf32, #tpu.memory_space<vmem>>, vector<16xf32>,
      %mul3A_554 = vector.broadcast %squeeze3A_544 : f32 to vector<16xf32>
      %mul3A_555 = arith.mulf %mul3A_554, %get3A_553 : vector<16xf32>
      %add3A_556 = arith.addf %add3A_452, %mul3A_555 : vector<16xf32>
      %get3A_557 = arith.constant 0 : i32
      %get3A_558 = arith.constant 14 : i32
      %get3A_559 = arith.constant 0 : i32
      %get3A_560 = arith.constant 0 : i32
      %get3A_561 = tpu.memref_slice %arg7[%get3A_557, %get3A_559, %get3A_560] : memref<2x280x128xf32, #tpu.memory_space<vmem>> -> memref<1x280x128xf32, #tpu.memory_space<vmem>>
      %get3A_562 = tpu.memref_squeeze %get3A_561 : memref<1x280x128xf32, #tpu.memory_space<vmem>> -> memref<280x128xf32, #tpu.memory_space<vmem>>
      %get3A_563 = arith.index_cast %get3A_558 : i32 to index
      %get3A_564 = arith.constant 16 : index
      %get3A_565 = tpu.vector_load %get3A_562[%get3A_563, %get3A_564] {strides = array<i32>} : memref<280x128xf32, #tpu.memory_space<vmem>>, vector<16xf32>,
      %mul3A_566 = vector.broadcast %squeeze3A_544 : f32 to vector<16xf32>
      %mul3A_567 = arith.mulf %mul3A_566, %get3A_565 : vector<16xf32>
      %add3A_568 = arith.addf %add3A_464, %mul3A_567 : vector<16xf32>
      %slice3A_569 = vector.extract_strided_slice %div3A_188 {offsets = [14], sizes = [1], strides = [1]} : vector<16xf32> to vector<1xf32>
      %squeeze3A_570 = vector.extract %slice3A_569[0] : f32 from vector<1xf32>
      %get3A_571 = arith.constant 0 : i32
      %get3A_572 = arith.constant 15 : i32
      %get3A_573 = arith.constant 0 : i32
      %get3A_574 = arith.constant 0 : i32
      %get3A_575 = tpu.memref_slice %arg7[%get3A_571, %get3A_573, %get3A_574] : memref<2x280x128xf32, #tpu.memory_space<vmem>> -> memref<1x280x128xf32, #tpu.memory_space<vmem>>
      %get3A_576 = tpu.memref_squeeze %get3A_575 : memref<1x280x128xf32, #tpu.memory_space<vmem>> -> memref<280x128xf32, #tpu.memory_space<vmem>>
      %get3A_577 = arith.index_cast %get3A_572 : i32 to index
      %get3A_578 = arith.constant 0 : index
      %get3A_579 = tpu.vector_load %get3A_576[%get3A_577, %get3A_578] {strides = array<i32>} : memref<280x128xf32, #tpu.memory_space<vmem>>, vector<16xf32>,
      %mul3A_580 = vector.broadcast %squeeze3A_570 : f32 to vector<16xf32>
      %mul3A_581 = arith.mulf %mul3A_580, %get3A_579 : vector<16xf32>
      %add3A_582 = arith.addf %add3A_478, %mul3A_581 : vector<16xf32>
      %get3A_583 = arith.constant 0 : i32
      %get3A_584 = arith.constant 15 : i32
      %get3A_585 = arith.constant 0 : i32
      %get3A_586 = arith.constant 0 : i32
      %get3A_587 = tpu.memref_slice %arg7[%get3A_583, %get3A_585, %get3A_586] : memref<2x280x128xf32, #tpu.memory_space<vmem>> -> memref<1x280x128xf32, #tpu.memory_space<vmem>>
      %get3A_588 = tpu.memref_squeeze %get3A_587 : memref<1x280x128xf32, #tpu.memory_space<vmem>> -> memref<280x128xf32, #tpu.memory_space<vmem>>
      %get3A_589 = arith.index_cast %get3A_584 : i32 to index
      %get3A_590 = arith.constant 16 : index
      %get3A_591 = tpu.vector_load %get3A_588[%get3A_589, %get3A_590] {strides = array<i32>} : memref<280x128xf32, #tpu.memory_space<vmem>>, vector<16xf32>,
      %mul3A_592 = vector.broadcast %squeeze3A_570 : f32 to vector<16xf32>
      %mul3A_593 = arith.mulf %mul3A_592, %get3A_591 : vector<16xf32>
      %add3A_594 = arith.addf %add3A_490, %mul3A_593 : vector<16xf32>
      %slice3A_595 = vector.extract_strided_slice %div3A_188 {offsets = [15], sizes = [1], strides = [1]} : vector<16xf32> to vector<1xf32>
      %squeeze3A_596 = vector.extract %slice3A_595[0] : f32 from vector<1xf32>
      %get3A_597 = arith.constant 0 : i32
      %get3A_598 = arith.constant 16 : i32
      %get3A_599 = arith.constant 0 : i32
      %get3A_600 = arith.constant 0 : i32
      %get3A_601 = tpu.memref_slice %arg7[%get3A_597, %get3A_599, %get3A_600] : memref<2x280x128xf32, #tpu.memory_space<vmem>> -> memref<1x280x128xf32, #tpu.memory_space<vmem>>
      %get3A_602 = tpu.memref_squeeze %get3A_601 : memref<1x280x128xf32, #tpu.memory_space<vmem>> -> memref<280x128xf32, #tpu.memory_space<vmem>>
      %get3A_603 = arith.index_cast %get3A_598 : i32 to index
      %get3A_604 = arith.constant 0 : index
      %get3A_605 = tpu.vector_load %get3A_602[%get3A_603, %get3A_604] {strides = array<i32>} : memref<280x128xf32, #tpu.memory_space<vmem>>, vector<16xf32>,
      %mul3A_606 = vector.broadcast %squeeze3A_596 : f32 to vector<16xf32>
      %mul3A_607 = arith.mulf %mul3A_606, %get3A_605 : vector<16xf32>
      %add3A_608 = arith.addf %add3A_504, %mul3A_607 : vector<16xf32>
      %get3A_609 = arith.constant 0 : i32
      %get3A_610 = arith.constant 16 : i32
      %get3A_611 = arith.constant 0 : i32
      %get3A_612 = arith.constant 0 : i32
      %get3A_613 = tpu.memref_slice %arg7[%get3A_609, %get3A_611, %get3A_612] : memref<2x280x128xf32, #tpu.memory_space<vmem>> -> memref<1x280x128xf32, #tpu.memory_space<vmem>>
      %get3A_614 = tpu.memref_squeeze %get3A_613 : memref<1x280x128xf32, #tpu.memory_space<vmem>> -> memref<280x128xf32, #tpu.memory_space<vmem>>
      %get3A_615 = arith.index_cast %get3A_610 : i32 to index
      %get3A_616 = arith.constant 16 : index
      %get3A_617 = tpu.vector_load %get3A_614[%get3A_615, %get3A_616] {strides = array<i32>} : memref<280x128xf32, #tpu.memory_space<vmem>>, vector<16xf32>,
      %mul3A_618 = vector.broadcast %squeeze3A_596 : f32 to vector<16xf32>
      %mul3A_619 = arith.mulf %mul3A_618, %get3A_617 : vector<16xf32>
      %add3A_620 = arith.addf %add3A_516, %mul3A_619 : vector<16xf32>
      %add3A_621 = arith.addf %add3A_530, %add3A_556 : vector<16xf32>
      %add3A_622 = arith.addf %add3A_582, %add3A_608 : vector<16xf32>
      %add3A_623 = arith.addf %add3A_621, %add3A_622 : vector<16xf32>
      %add3A_624 = arith.addf %add3A_542, %add3A_568 : vector<16xf32>
      %add3A_625 = arith.addf %add3A_594, %add3A_620 : vector<16xf32>
      %add3A_626 = arith.addf %add3A_624, %add3A_625 : vector<16xf32>
      %get3A_627 = arith.constant 0 : i32
      %get3A_628 = arith.constant 0 : i32
      %get3A_629 = arith.constant 0 : i32
      %get3A_630 = arith.constant 0 : i32
      %get3A_631 = tpu.memref_slice %arg7[%get3A_627, %get3A_629, %get3A_630] : memref<2x280x128xf32, #tpu.memory_space<vmem>> -> memref<1x280x128xf32, #tpu.memory_space<vmem>>
      %get3A_632 = tpu.memref_squeeze %get3A_631 : memref<1x280x128xf32, #tpu.memory_space<vmem>> -> memref<280x128xf32, #tpu.memory_space<vmem>>
      %get3A_633 = arith.index_cast %get3A_628 : i32 to index
      %get3A_634 = arith.constant 0 : index
      %get3A_635 = tpu.vector_load %get3A_632[%get3A_633, %get3A_634] {strides = array<i32>} : memref<280x128xf32, #tpu.memory_space<vmem>>, vector<16xf32>,
      %swap3A = arith.constant 0 : i32
      %swap3A_636 = arith.index_cast %swap3A : i32 to index
      %swap3A_637 = arith.constant 0 : index
      %swap3A_638 = tpu.vector_load %arg9[%swap3A_636, %swap3A_637] {strides = array<i32>} : memref<2x128xf32, #tpu.memory_space<vmem>>, vector<16xf32>,
      tpu.vector_store %arg9[%swap3A_636, %swap3A_637], %get3A_635 {strides = array<i32>} : memref<2x128xf32, #tpu.memory_space<vmem>>, vector<16xf32>,
      %get3A_639 = arith.constant 0 : i32
      %get3A_640 = arith.constant 0 : i32
      %get3A_641 = arith.constant 0 : i32
      %get3A_642 = arith.constant 0 : i32
      %get3A_643 = tpu.memref_slice %arg7[%get3A_639, %get3A_641, %get3A_642] : memref<2x280x128xf32, #tpu.memory_space<vmem>> -> memref<1x280x128xf32, #tpu.memory_space<vmem>>
      %get3A_644 = tpu.memref_squeeze %get3A_643 : memref<1x280x128xf32, #tpu.memory_space<vmem>> -> memref<280x128xf32, #tpu.memory_space<vmem>>
      %get3A_645 = arith.index_cast %get3A_640 : i32 to index
      %get3A_646 = arith.constant 16 : index
      %get3A_647 = tpu.vector_load %get3A_644[%get3A_645, %get3A_646] {strides = array<i32>} : memref<280x128xf32, #tpu.memory_space<vmem>>, vector<16xf32>,
      %swap3A_648 = arith.constant 0 : i32
      %swap3A_649 = arith.index_cast %swap3A_648 : i32 to index
      %swap3A_650 = arith.constant 16 : index
      %swap3A_651 = tpu.vector_load %arg9[%swap3A_649, %swap3A_650] {strides = array<i32>} : memref<2x128xf32, #tpu.memory_space<vmem>>, vector<16xf32>,
      tpu.vector_store %arg9[%swap3A_649, %swap3A_650], %get3A_647 {strides = array<i32>} : memref<2x128xf32, #tpu.memory_space<vmem>>, vector<16xf32>,
      %swap3A_652 = arith.constant 0 : i32
      %swap3A_653 = arith.index_cast %swap3A_652 : i32 to index
      %swap3A_654 = arith.constant 32 : index
      %swap3A_655 = tpu.vector_load %arg9[%swap3A_653, %swap3A_654] {strides = array<i32>} : memref<2x128xf32, #tpu.memory_space<vmem>>, vector<16xf32>,
      tpu.vector_store %arg9[%swap3A_653, %swap3A_654], %add3A_623 {strides = array<i32>} : memref<2x128xf32, #tpu.memory_space<vmem>>, vector<16xf32>,
      %swap3A_656 = arith.constant 0 : i32
      %swap3A_657 = arith.index_cast %swap3A_656 : i32 to index
      %swap3A_658 = arith.constant 48 : index
      %swap3A_659 = tpu.vector_load %arg9[%swap3A_657, %swap3A_658] {strides = array<i32>} : memref<2x128xf32, #tpu.memory_space<vmem>>, vector<16xf32>,
      tpu.vector_store %arg9[%swap3A_657, %swap3A_658], %add3A_626 {strides = array<i32>} : memref<2x128xf32, #tpu.memory_space<vmem>>, vector<16xf32>,
      %scan3A_660 = arith.constant 0 : i32
      %scan3A_661 = arith.constant 0 : i32
      %scan3A_662 = arith.constant 0 : i32
      %scan3A_663 = arith.constant 16 : i32
      %scan3A_664 = arith.addi %scan3A_662, %scan3A_663 : i32
      %scan3A_665 = arith.constant 1 : i32
      scf.for %scan3A_1280 = %scan3A_662 to %scan3A_664 step %scan3A_665  : i32 {
        %add3A_1281 = arith.constant 1 : i32
        %add3A_1282 = arith.addi %add3A_1281, %scan3A_1280 : i32
        %get3A_1283 = arith.constant 0 : i32
        %get3A_1284 = arith.constant 0 : i32
        %get3A_1285 = tpu.memref_slice %arg7[%scan3A_661, %get3A_1283, %get3A_1284] : memref<2x280x128xf32, #tpu.memory_space<vmem>> -> memref<1x280x128xf32, #tpu.memory_space<vmem>>
        %get3A_1286 = tpu.memref_squeeze %get3A_1285 : memref<1x280x128xf32, #tpu.memory_space<vmem>> -> memref<280x128xf32, #tpu.memory_space<vmem>>
        %get3A_1287 = arith.index_cast %add3A_1282 : i32 to index
        %get3A_1288 = arith.constant 32 : index
        %get3A_1289 = tpu.vector_load %get3A_1286[%get3A_1287, %get3A_1288] {strides = array<i32>} : memref<280x128xf32, #tpu.memory_space<vmem>>, vector<16xf32>,
        %slice3A_1290 = vector.extract_strided_slice %get3A_1289 {offsets = [0], sizes = [1], strides = [1]} : vector<16xf32> to vector<1xf32>
        %squeeze3A_1291 = vector.extract %slice3A_1290[0] : f32 from vector<1xf32>
        %mul3A_1292 = arith.constant 16 : i32
        %mul3A_1293 = arith.muli %mul3A_1292, %scan3A_1280 : i32
        %add3A_1294 = arith.constant 17 : i32
        %add3A_1295 = arith.addi %add3A_1294, %mul3A_1293 : i32
        %add3A_1296 = vector.broadcast %add3A_1295 : i32 to vector<16xi32>
        %add3A_1297 = arith.addi %add3A_1296, %iota3A : vector<16xi32>
        %gather3A_1298 = arith.constant 0 : i32
        %gather3A_1299 = arith.constant 0 : i32
        %gather3A_1300 = tpu.memref_slice %arg7[%scan3A_661, %gather3A_1298, %gather3A_1299] : memref<2x280x128xf32, #tpu.memory_space<vmem>> -> memref<1x280x128xf32, #tpu.memory_space<vmem>>
        %gather3A_1301 = tpu.memref_squeeze %gather3A_1300 : memref<1x280x128xf32, #tpu.memory_space<vmem>> -> memref<280x128xf32, #tpu.memory_space<vmem>>
        %gather3A_1302 = tpu.vector_load_idx %gather3A_1301[%add3A_1297, %broadcast_in_dim3A_3] : memref<280x128xf32, #tpu.memory_space<vmem>>[vector<16xi32>, vector<16xi32>], vector<16xf32>,
        %add3A_1303 = vector.broadcast %squeeze3A_1291 : f32 to vector<16xf32>
        %add3A_1304 = arith.addf %add3A_1303, %gather3A_1302 : vector<16xf32>
        %ge3A_1305 = arith.constant 0.000000e+00 : f32
        %ge3A_1306 = vector.broadcast %ge3A_1305 : f32 to vector<16xf32>
        %ge3A_1307 = arith.cmpf oge, %add3A_1304, %ge3A_1306 : vector<16xf32>
        %mul3A_1308 = arith.constant 0.00999999977 : f32
        %mul3A_1309 = vector.broadcast %mul3A_1308 : f32 to vector<16xf32>
        %mul3A_1310 = arith.mulf %mul3A_1309, %add3A_1304 : vector<16xf32>
        %select_n3A_1311 = arith.select %ge3A_1307, %add3A_1304, %mul3A_1310 : vector<16xi1>, vector<16xf32>
        %reduce_max3A_1312 = arith.constant true
        %reduce_max3A_1313 = vector.broadcast %reduce_max3A_1312 : i1 to vector<16xi1>
        %reduce_max3A_1314 = tpu.scan <max>, %select_n3A_1311 masked %reduce_max3A_1313 : vector<16xf32>, vector<16xi1> -> vector<16xf32>
        %reduce_max3A_1315 = vector.extract %reduce_max3A_1314[15] : f32 from vector<16xf32>
        %sub3A_1316 = vector.broadcast %reduce_max3A_1315 : f32 to vector<16xf32>
        %sub3A_1317 = arith.subf %select_n3A_1311, %sub3A_1316 : vector<16xf32>
        %exp3A_1318 = math.exp %sub3A_1317 : vector<16xf32>
        %reduce_sum3A_1319 = arith.constant true
        %reduce_sum3A_1320 = vector.broadcast %reduce_sum3A_1319 : i1 to vector<16xi1>
        %reduce_sum3A_1321 = tpu.scan <sum>, %exp3A_1318 masked %reduce_sum3A_1320 : vector<16xf32>, vector<16xi1> -> vector<16xf32>
        %reduce_sum3A_1322 = vector.extract %reduce_sum3A_1321[15] : f32 from vector<16xf32>
        %div3A_1323 = vector.broadcast %reduce_sum3A_1322 : f32 to vector<16xf32>
        %div3A_1324 = arith.divf %exp3A_1318, %div3A_1323 : vector<16xf32>
        %swap3A_1325 = arith.constant 0 : i32
        %swap3A_1326 = arith.index_cast %swap3A_1325 : i32 to index
        %swap3A_1327 = arith.index_cast %scan3A_1280 : i32 to index
        %swap3A_1328 = arith.constant 64 : index
        %swap3A_1329 = tpu.vector_load %arg8[%swap3A_1326, %swap3A_1327, %swap3A_1328] {strides = array<i32>} : memref<2x16x128xf32, #tpu.memory_space<vmem>>, vector<16xf32>,
        tpu.vector_store %arg8[%swap3A_1326, %swap3A_1327, %swap3A_1328], %div3A_1324 {strides = array<i32>} : memref<2x16x128xf32, #tpu.memory_space<vmem>>, vector<16xf32>,
        %broadcast_in_dim3A_1330 = arith.constant 0.000000e+00 : f32
        %broadcast_in_dim3A_1331 = vector.broadcast %broadcast_in_dim3A_1330 : f32 to vector<16xf32>
        %broadcast_in_dim3A_1332 = arith.constant 0.000000e+00 : f32
        %broadcast_in_dim3A_1333 = vector.broadcast %broadcast_in_dim3A_1332 : f32 to vector<16xf32>
        %broadcast_in_dim3A_1334 = arith.constant 0.000000e+00 : f32
        %broadcast_in_dim3A_1335 = vector.broadcast %broadcast_in_dim3A_1334 : f32 to vector<16xf32>
        %broadcast_in_dim3A_1336 = arith.constant 0.000000e+00 : f32
        %broadcast_in_dim3A_1337 = vector.broadcast %broadcast_in_dim3A_1336 : f32 to vector<16xf32>
        %broadcast_in_dim3A_1338 = arith.constant 0.000000e+00 : f32
        %broadcast_in_dim3A_1339 = vector.broadcast %broadcast_in_dim3A_1338 : f32 to vector<16xf32>
        %broadcast_in_dim3A_1340 = arith.constant 0.000000e+00 : f32
        %broadcast_in_dim3A_1341 = vector.broadcast %broadcast_in_dim3A_1340 : f32 to vector<16xf32>
        %broadcast_in_dim3A_1342 = arith.constant 0.000000e+00 : f32
        %broadcast_in_dim3A_1343 = vector.broadcast %broadcast_in_dim3A_1342 : f32 to vector<16xf32>
        %broadcast_in_dim3A_1344 = arith.constant 0.000000e+00 : f32
        %broadcast_in_dim3A_1345 = vector.broadcast %broadcast_in_dim3A_1344 : f32 to vector<16xf32>
        %slice3A_1346 = vector.extract_strided_slice %div3A_1324 {offsets = [0], sizes = [1], strides = [1]} : vector<16xf32> to vector<1xf32>
        %squeeze3A_1347 = vector.extract %slice3A_1346[0] : f32 from vector<1xf32>
        %add3A_1348 = arith.constant 0 : i32
        %add3A_1349 = arith.addi %add3A_1295, %add3A_1348 : i32
        %get3A_1350 = arith.constant 0 : i32
        %get3A_1351 = arith.constant 0 : i32
        %get3A_1352 = tpu.memref_slice %arg7[%scan3A_661, %get3A_1350, %get3A_1351] : memref<2x280x128xf32, #tpu.memory_space<vmem>> -> memref<1x280x128xf32, #tpu.memory_space<vmem>>
        %get3A_1353 = tpu.memref_squeeze %get3A_1352 : memref<1x280x128xf32, #tpu.memory_space<vmem>> -> memref<280x128xf32, #tpu.memory_space<vmem>>
        %get3A_1354 = arith.index_cast %add3A_1349 : i32 to index
        %get3A_1355 = arith.constant 0 : index
        %get3A_1356 = tpu.vector_load %get3A_1353[%get3A_1354, %get3A_1355] {strides = array<i32>} : memref<280x128xf32, #tpu.memory_space<vmem>>, vector<16xf32>,
        %mul3A_1357 = vector.broadcast %squeeze3A_1347 : f32 to vector<16xf32>
        %mul3A_1358 = arith.mulf %mul3A_1357, %get3A_1356 : vector<16xf32>
        %add3A_1359 = arith.addf %broadcast_in_dim3A_1331, %mul3A_1358 : vector<16xf32>
        %add3A_1360 = arith.constant 0 : i32
        %add3A_1361 = arith.addi %add3A_1295, %add3A_1360 : i32
        %get3A_1362 = arith.constant 0 : i32
        %get3A_1363 = arith.constant 0 : i32
        %get3A_1364 = tpu.memref_slice %arg7[%scan3A_661, %get3A_1362, %get3A_1363] : memref<2x280x128xf32, #tpu.memory_space<vmem>> -> memref<1x280x128xf32, #tpu.memory_space<vmem>>
        %get3A_1365 = tpu.memref_squeeze %get3A_1364 : memref<1x280x128xf32, #tpu.memory_space<vmem>> -> memref<280x128xf32, #tpu.memory_space<vmem>>
        %get3A_1366 = arith.index_cast %add3A_1361 : i32 to index
        %get3A_1367 = arith.constant 16 : index
        %get3A_1368 = tpu.vector_load %get3A_1365[%get3A_1366, %get3A_1367] {strides = array<i32>} : memref<280x128xf32, #tpu.memory_space<vmem>>, vector<16xf32>,
        %mul3A_1369 = vector.broadcast %squeeze3A_1347 : f32 to vector<16xf32>
        %mul3A_1370 = arith.mulf %mul3A_1369, %get3A_1368 : vector<16xf32>
        %add3A_1371 = arith.addf %broadcast_in_dim3A_1339, %mul3A_1370 : vector<16xf32>
        %slice3A_1372 = vector.extract_strided_slice %div3A_1324 {offsets = [1], sizes = [1], strides = [1]} : vector<16xf32> to vector<1xf32>
        %squeeze3A_1373 = vector.extract %slice3A_1372[0] : f32 from vector<1xf32>
        %add3A_1374 = arith.constant 1 : i32
        %add3A_1375 = arith.addi %add3A_1295, %add3A_1374 : i32
        %get3A_1376 = arith.constant 0 : i32
        %get3A_1377 = arith.constant 0 : i32
        %get3A_1378 = tpu.memref_slice %arg7[%scan3A_661, %get3A_1376, %get3A_1377] : memref<2x280x128xf32, #tpu.memory_space<vmem>> -> memref<1x280x128xf32, #tpu.memory_space<vmem>>
        %get3A_1379 = tpu.memref_squeeze %get3A_1378 : memref<1x280x128xf32, #tpu.memory_space<vmem>> -> memref<280x128xf32, #tpu.memory_space<vmem>>
        %get3A_1380 = arith.index_cast %add3A_1375 : i32 to index
        %get3A_1381 = arith.constant 0 : index
        %get3A_1382 = tpu.vector_load %get3A_1379[%get3A_1380, %get3A_1381] {strides = array<i32>} : memref<280x128xf32, #tpu.memory_space<vmem>>, vector<16xf32>,
        %mul3A_1383 = vector.broadcast %squeeze3A_1373 : f32 to vector<16xf32>
        %mul3A_1384 = arith.mulf %mul3A_1383, %get3A_1382 : vector<16xf32>
        %add3A_1385 = arith.addf %broadcast_in_dim3A_1333, %mul3A_1384 : vector<16xf32>
        %add3A_1386 = arith.constant 1 : i32
        %add3A_1387 = arith.addi %add3A_1295, %add3A_1386 : i32
        %get3A_1388 = arith.constant 0 : i32
        %get3A_1389 = arith.constant 0 : i32
        %get3A_1390 = tpu.memref_slice %arg7[%scan3A_661, %get3A_1388, %get3A_1389] : memref<2x280x128xf32, #tpu.memory_space<vmem>> -> memref<1x280x128xf32, #tpu.memory_space<vmem>>
        %get3A_1391 = tpu.memref_squeeze %get3A_1390 : memref<1x280x128xf32, #tpu.memory_space<vmem>> -> memref<280x128xf32, #tpu.memory_space<vmem>>
        %get3A_1392 = arith.index_cast %add3A_1387 : i32 to index
        %get3A_1393 = arith.constant 16 : index
        %get3A_1394 = tpu.vector_load %get3A_1391[%get3A_1392, %get3A_1393] {strides = array<i32>} : memref<280x128xf32, #tpu.memory_space<vmem>>, vector<16xf32>,
        %mul3A_1395 = vector.broadcast %squeeze3A_1373 : f32 to vector<16xf32>
        %mul3A_1396 = arith.mulf %mul3A_1395, %get3A_1394 : vector<16xf32>
        %add3A_1397 = arith.addf %broadcast_in_dim3A_1341, %mul3A_1396 : vector<16xf32>
        %slice3A_1398 = vector.extract_strided_slice %div3A_1324 {offsets = [2], sizes = [1], strides = [1]} : vector<16xf32> to vector<1xf32>
        %squeeze3A_1399 = vector.extract %slice3A_1398[0] : f32 from vector<1xf32>
        %add3A_1400 = arith.constant 2 : i32
        %add3A_1401 = arith.addi %add3A_1295, %add3A_1400 : i32
        %get3A_1402 = arith.constant 0 : i32
        %get3A_1403 = arith.constant 0 : i32
        %get3A_1404 = tpu.memref_slice %arg7[%scan3A_661, %get3A_1402, %get3A_1403] : memref<2x280x128xf32, #tpu.memory_space<vmem>> -> memref<1x280x128xf32, #tpu.memory_space<vmem>>
        %get3A_1405 = tpu.memref_squeeze %get3A_1404 : memref<1x280x128xf32, #tpu.memory_space<vmem>> -> memref<280x128xf32, #tpu.memory_space<vmem>>
        %get3A_1406 = arith.index_cast %add3A_1401 : i32 to index
        %get3A_1407 = arith.constant 0 : index
        %get3A_1408 = tpu.vector_load %get3A_1405[%get3A_1406, %get3A_1407] {strides = array<i32>} : memref<280x128xf32, #tpu.memory_space<vmem>>, vector<16xf32>,
        %mul3A_1409 = vector.broadcast %squeeze3A_1399 : f32 to vector<16xf32>
        %mul3A_1410 = arith.mulf %mul3A_1409, %get3A_1408 : vector<16xf32>
        %add3A_1411 = arith.addf %broadcast_in_dim3A_1335, %mul3A_1410 : vector<16xf32>
        %add3A_1412 = arith.constant 2 : i32
        %add3A_1413 = arith.addi %add3A_1295, %add3A_1412 : i32
        %get3A_1414 = arith.constant 0 : i32
        %get3A_1415 = arith.constant 0 : i32
        %get3A_1416 = tpu.memref_slice %arg7[%scan3A_661, %get3A_1414, %get3A_1415] : memref<2x280x128xf32, #tpu.memory_space<vmem>> -> memref<1x280x128xf32, #tpu.memory_space<vmem>>
        %get3A_1417 = tpu.memref_squeeze %get3A_1416 : memref<1x280x128xf32, #tpu.memory_space<vmem>> -> memref<280x128xf32, #tpu.memory_space<vmem>>
        %get3A_1418 = arith.index_cast %add3A_1413 : i32 to index
        %get3A_1419 = arith.constant 16 : index
        %get3A_1420 = tpu.vector_load %get3A_1417[%get3A_1418, %get3A_1419] {strides = array<i32>} : memref<280x128xf32, #tpu.memory_space<vmem>>, vector<16xf32>,
        %mul3A_1421 = vector.broadcast %squeeze3A_1399 : f32 to vector<16xf32>
        %mul3A_1422 = arith.mulf %mul3A_1421, %get3A_1420 : vector<16xf32>
        %add3A_1423 = arith.addf %broadcast_in_dim3A_1343, %mul3A_1422 : vector<16xf32>
        %slice3A_1424 = vector.extract_strided_slice %div3A_1324 {offsets = [3], sizes = [1], strides = [1]} : vector<16xf32> to vector<1xf32>
        %squeeze3A_1425 = vector.extract %slice3A_1424[0] : f32 from vector<1xf32>
        %add3A_1426 = arith.constant 3 : i32
        %add3A_1427 = arith.addi %add3A_1295, %add3A_1426 : i32
        %get3A_1428 = arith.constant 0 : i32
        %get3A_1429 = arith.constant 0 : i32
        %get3A_1430 = tpu.memref_slice %arg7[%scan3A_661, %get3A_1428, %get3A_1429] : memref<2x280x128xf32, #tpu.memory_space<vmem>> -> memref<1x280x128xf32, #tpu.memory_space<vmem>>
        %get3A_1431 = tpu.memref_squeeze %get3A_1430 : memref<1x280x128xf32, #tpu.memory_space<vmem>> -> memref<280x128xf32, #tpu.memory_space<vmem>>
        %get3A_1432 = arith.index_cast %add3A_1427 : i32 to index
        %get3A_1433 = arith.constant 0 : index
        %get3A_1434 = tpu.vector_load %get3A_1431[%get3A_1432, %get3A_1433] {strides = array<i32>} : memref<280x128xf32, #tpu.memory_space<vmem>>, vector<16xf32>,
        %mul3A_1435 = vector.broadcast %squeeze3A_1425 : f32 to vector<16xf32>
        %mul3A_1436 = arith.mulf %mul3A_1435, %get3A_1434 : vector<16xf32>
        %add3A_1437 = arith.addf %broadcast_in_dim3A_1337, %mul3A_1436 : vector<16xf32>
        %add3A_1438 = arith.constant 3 : i32
        %add3A_1439 = arith.addi %add3A_1295, %add3A_1438 : i32
        %get3A_1440 = arith.constant 0 : i32
        %get3A_1441 = arith.constant 0 : i32
        %get3A_1442 = tpu.memref_slice %arg7[%scan3A_661, %get3A_1440, %get3A_1441] : memref<2x280x128xf32, #tpu.memory_space<vmem>> -> memref<1x280x128xf32, #tpu.memory_space<vmem>>
        %get3A_1443 = tpu.memref_squeeze %get3A_1442 : memref<1x280x128xf32, #tpu.memory_space<vmem>> -> memref<280x128xf32, #tpu.memory_space<vmem>>
        %get3A_1444 = arith.index_cast %add3A_1439 : i32 to index
        %get3A_1445 = arith.constant 16 : index
        %get3A_1446 = tpu.vector_load %get3A_1443[%get3A_1444, %get3A_1445] {strides = array<i32>} : memref<280x128xf32, #tpu.memory_space<vmem>>, vector<16xf32>,
        %mul3A_1447 = vector.broadcast %squeeze3A_1425 : f32 to vector<16xf32>
        %mul3A_1448 = arith.mulf %mul3A_1447, %get3A_1446 : vector<16xf32>
        %add3A_1449 = arith.addf %broadcast_in_dim3A_1345, %mul3A_1448 : vector<16xf32>
        %slice3A_1450 = vector.extract_strided_slice %div3A_1324 {offsets = [4], sizes = [1], strides = [1]} : vector<16xf32> to vector<1xf32>
        %squeeze3A_1451 = vector.extract %slice3A_1450[0] : f32 from vector<1xf32>
        %add3A_1452 = arith.constant 4 : i32
        %add3A_1453 = arith.addi %add3A_1295, %add3A_1452 : i32
        %get3A_1454 = arith.constant 0 : i32
        %get3A_1455 = arith.constant 0 : i32
        %get3A_1456 = tpu.memref_slice %arg7[%scan3A_661, %get3A_1454, %get3A_1455] : memref<2x280x128xf32, #tpu.memory_space<vmem>> -> memref<1x280x128xf32, #tpu.memory_space<vmem>>
        %get3A_1457 = tpu.memref_squeeze %get3A_1456 : memref<1x280x128xf32, #tpu.memory_space<vmem>> -> memref<280x128xf32, #tpu.memory_space<vmem>>
        %get3A_1458 = arith.index_cast %add3A_1453 : i32 to index
        %get3A_1459 = arith.constant 0 : index
        %get3A_1460 = tpu.vector_load %get3A_1457[%get3A_1458, %get3A_1459] {strides = array<i32>} : memref<280x128xf32, #tpu.memory_space<vmem>>, vector<16xf32>,
        %mul3A_1461 = vector.broadcast %squeeze3A_1451 : f32 to vector<16xf32>
        %mul3A_1462 = arith.mulf %mul3A_1461, %get3A_1460 : vector<16xf32>
        %add3A_1463 = arith.addf %add3A_1359, %mul3A_1462 : vector<16xf32>
        %add3A_1464 = arith.constant 4 : i32
        %add3A_1465 = arith.addi %add3A_1295, %add3A_1464 : i32
        %get3A_1466 = arith.constant 0 : i32
        %get3A_1467 = arith.constant 0 : i32
        %get3A_1468 = tpu.memref_slice %arg7[%scan3A_661, %get3A_1466, %get3A_1467] : memref<2x280x128xf32, #tpu.memory_space<vmem>> -> memref<1x280x128xf32, #tpu.memory_space<vmem>>
        %get3A_1469 = tpu.memref_squeeze %get3A_1468 : memref<1x280x128xf32, #tpu.memory_space<vmem>> -> memref<280x128xf32, #tpu.memory_space<vmem>>
        %get3A_1470 = arith.index_cast %add3A_1465 : i32 to index
        %get3A_1471 = arith.constant 16 : index
        %get3A_1472 = tpu.vector_load %get3A_1469[%get3A_1470, %get3A_1471] {strides = array<i32>} : memref<280x128xf32, #tpu.memory_space<vmem>>, vector<16xf32>,
        %mul3A_1473 = vector.broadcast %squeeze3A_1451 : f32 to vector<16xf32>
        %mul3A_1474 = arith.mulf %mul3A_1473, %get3A_1472 : vector<16xf32>
        %add3A_1475 = arith.addf %add3A_1371, %mul3A_1474 : vector<16xf32>
        %slice3A_1476 = vector.extract_strided_slice %div3A_1324 {offsets = [5], sizes = [1], strides = [1]} : vector<16xf32> to vector<1xf32>
        %squeeze3A_1477 = vector.extract %slice3A_1476[0] : f32 from vector<1xf32>
        %add3A_1478 = arith.constant 5 : i32
        %add3A_1479 = arith.addi %add3A_1295, %add3A_1478 : i32
        %get3A_1480 = arith.constant 0 : i32
        %get3A_1481 = arith.constant 0 : i32
        %get3A_1482 = tpu.memref_slice %arg7[%scan3A_661, %get3A_1480, %get3A_1481] : memref<2x280x128xf32, #tpu.memory_space<vmem>> -> memref<1x280x128xf32, #tpu.memory_space<vmem>>
        %get3A_1483 = tpu.memref_squeeze %get3A_1482 : memref<1x280x128xf32, #tpu.memory_space<vmem>> -> memref<280x128xf32, #tpu.memory_space<vmem>>
        %get3A_1484 = arith.index_cast %add3A_1479 : i32 to index
        %get3A_1485 = arith.constant 0 : index
        %get3A_1486 = tpu.vector_load %get3A_1483[%get3A_1484, %get3A_1485] {strides = array<i32>} : memref<280x128xf32, #tpu.memory_space<vmem>>, vector<16xf32>,
        %mul3A_1487 = vector.broadcast %squeeze3A_1477 : f32 to vector<16xf32>
        %mul3A_1488 = arith.mulf %mul3A_1487, %get3A_1486 : vector<16xf32>
        %add3A_1489 = arith.addf %add3A_1385, %mul3A_1488 : vector<16xf32>
        %add3A_1490 = arith.constant 5 : i32
        %add3A_1491 = arith.addi %add3A_1295, %add3A_1490 : i32
        %get3A_1492 = arith.constant 0 : i32
        %get3A_1493 = arith.constant 0 : i32
        %get3A_1494 = tpu.memref_slice %arg7[%scan3A_661, %get3A_1492, %get3A_1493] : memref<2x280x128xf32, #tpu.memory_space<vmem>> -> memref<1x280x128xf32, #tpu.memory_space<vmem>>
        %get3A_1495 = tpu.memref_squeeze %get3A_1494 : memref<1x280x128xf32, #tpu.memory_space<vmem>> -> memref<280x128xf32, #tpu.memory_space<vmem>>
        %get3A_1496 = arith.index_cast %add3A_1491 : i32 to index
        %get3A_1497 = arith.constant 16 : index
        %get3A_1498 = tpu.vector_load %get3A_1495[%get3A_1496, %get3A_1497] {strides = array<i32>} : memref<280x128xf32, #tpu.memory_space<vmem>>, vector<16xf32>,
        %mul3A_1499 = vector.broadcast %squeeze3A_1477 : f32 to vector<16xf32>
        %mul3A_1500 = arith.mulf %mul3A_1499, %get3A_1498 : vector<16xf32>
        %add3A_1501 = arith.addf %add3A_1397, %mul3A_1500 : vector<16xf32>
        %slice3A_1502 = vector.extract_strided_slice %div3A_1324 {offsets = [6], sizes = [1], strides = [1]} : vector<16xf32> to vector<1xf32>
        %squeeze3A_1503 = vector.extract %slice3A_1502[0] : f32 from vector<1xf32>
        %add3A_1504 = arith.constant 6 : i32
        %add3A_1505 = arith.addi %add3A_1295, %add3A_1504 : i32
        %get3A_1506 = arith.constant 0 : i32
        %get3A_1507 = arith.constant 0 : i32
        %get3A_1508 = tpu.memref_slice %arg7[%scan3A_661, %get3A_1506, %get3A_1507] : memref<2x280x128xf32, #tpu.memory_space<vmem>> -> memref<1x280x128xf32, #tpu.memory_space<vmem>>
        %get3A_1509 = tpu.memref_squeeze %get3A_1508 : memref<1x280x128xf32, #tpu.memory_space<vmem>> -> memref<280x128xf32, #tpu.memory_space<vmem>>
        %get3A_1510 = arith.index_cast %add3A_1505 : i32 to index
        %get3A_1511 = arith.constant 0 : index
        %get3A_1512 = tpu.vector_load %get3A_1509[%get3A_1510, %get3A_1511] {strides = array<i32>} : memref<280x128xf32, #tpu.memory_space<vmem>>, vector<16xf32>,
        %mul3A_1513 = vector.broadcast %squeeze3A_1503 : f32 to vector<16xf32>
        %mul3A_1514 = arith.mulf %mul3A_1513, %get3A_1512 : vector<16xf32>
        %add3A_1515 = arith.addf %add3A_1411, %mul3A_1514 : vector<16xf32>
        %add3A_1516 = arith.constant 6 : i32
        %add3A_1517 = arith.addi %add3A_1295, %add3A_1516 : i32
        %get3A_1518 = arith.constant 0 : i32
        %get3A_1519 = arith.constant 0 : i32
        %get3A_1520 = tpu.memref_slice %arg7[%scan3A_661, %get3A_1518, %get3A_1519] : memref<2x280x128xf32, #tpu.memory_space<vmem>> -> memref<1x280x128xf32, #tpu.memory_space<vmem>>
        %get3A_1521 = tpu.memref_squeeze %get3A_1520 : memref<1x280x128xf32, #tpu.memory_space<vmem>> -> memref<280x128xf32, #tpu.memory_space<vmem>>
        %get3A_1522 = arith.index_cast %add3A_1517 : i32 to index
        %get3A_1523 = arith.constant 16 : index
        %get3A_1524 = tpu.vector_load %get3A_1521[%get3A_1522, %get3A_1523] {strides = array<i32>} : memref<280x128xf32, #tpu.memory_space<vmem>>, vector<16xf32>,
        %mul3A_1525 = vector.broadcast %squeeze3A_1503 : f32 to vector<16xf32>
        %mul3A_1526 = arith.mulf %mul3A_1525, %get3A_1524 : vector<16xf32>
        %add3A_1527 = arith.addf %add3A_1423, %mul3A_1526 : vector<16xf32>
        %slice3A_1528 = vector.extract_strided_slice %div3A_1324 {offsets = [7], sizes = [1], strides = [1]} : vector<16xf32> to vector<1xf32>
        %squeeze3A_1529 = vector.extract %slice3A_1528[0] : f32 from vector<1xf32>
        %add3A_1530 = arith.constant 7 : i32
        %add3A_1531 = arith.addi %add3A_1295, %add3A_1530 : i32
        %get3A_1532 = arith.constant 0 : i32
        %get3A_1533 = arith.constant 0 : i32
        %get3A_1534 = tpu.memref_slice %arg7[%scan3A_661, %get3A_1532, %get3A_1533] : memref<2x280x128xf32, #tpu.memory_space<vmem>> -> memref<1x280x128xf32, #tpu.memory_space<vmem>>
        %get3A_1535 = tpu.memref_squeeze %get3A_1534 : memref<1x280x128xf32, #tpu.memory_space<vmem>> -> memref<280x128xf32, #tpu.memory_space<vmem>>
        %get3A_1536 = arith.index_cast %add3A_1531 : i32 to index
        %get3A_1537 = arith.constant 0 : index
        %get3A_1538 = tpu.vector_load %get3A_1535[%get3A_1536, %get3A_1537] {strides = array<i32>} : memref<280x128xf32, #tpu.memory_space<vmem>>, vector<16xf32>,
        %mul3A_1539 = vector.broadcast %squeeze3A_1529 : f32 to vector<16xf32>
        %mul3A_1540 = arith.mulf %mul3A_1539, %get3A_1538 : vector<16xf32>
        %add3A_1541 = arith.addf %add3A_1437, %mul3A_1540 : vector<16xf32>
        %add3A_1542 = arith.constant 7 : i32
        %add3A_1543 = arith.addi %add3A_1295, %add3A_1542 : i32
        %get3A_1544 = arith.constant 0 : i32
        %get3A_1545 = arith.constant 0 : i32
        %get3A_1546 = tpu.memref_slice %arg7[%scan3A_661, %get3A_1544, %get3A_1545] : memref<2x280x128xf32, #tpu.memory_space<vmem>> -> memref<1x280x128xf32, #tpu.memory_space<vmem>>
        %get3A_1547 = tpu.memref_squeeze %get3A_1546 : memref<1x280x128xf32, #tpu.memory_space<vmem>> -> memref<280x128xf32, #tpu.memory_space<vmem>>
        %get3A_1548 = arith.index_cast %add3A_1543 : i32 to index
        %get3A_1549 = arith.constant 16 : index
        %get3A_1550 = tpu.vector_load %get3A_1547[%get3A_1548, %get3A_1549] {strides = array<i32>} : memref<280x128xf32, #tpu.memory_space<vmem>>, vector<16xf32>,
        %mul3A_1551 = vector.broadcast %squeeze3A_1529 : f32 to vector<16xf32>
        %mul3A_1552 = arith.mulf %mul3A_1551, %get3A_1550 : vector<16xf32>
        %add3A_1553 = arith.addf %add3A_1449, %mul3A_1552 : vector<16xf32>
        %slice3A_1554 = vector.extract_strided_slice %div3A_1324 {offsets = [8], sizes = [1], strides = [1]} : vector<16xf32> to vector<1xf32>
        %squeeze3A_1555 = vector.extract %slice3A_1554[0] : f32 from vector<1xf32>
        %add3A_1556 = arith.constant 8 : i32
        %add3A_1557 = arith.addi %add3A_1295, %add3A_1556 : i32
        %get3A_1558 = arith.constant 0 : i32
        %get3A_1559 = arith.constant 0 : i32
        %get3A_1560 = tpu.memref_slice %arg7[%scan3A_661, %get3A_1558, %get3A_1559] : memref<2x280x128xf32, #tpu.memory_space<vmem>> -> memref<1x280x128xf32, #tpu.memory_space<vmem>>
        %get3A_1561 = tpu.memref_squeeze %get3A_1560 : memref<1x280x128xf32, #tpu.memory_space<vmem>> -> memref<280x128xf32, #tpu.memory_space<vmem>>
        %get3A_1562 = arith.index_cast %add3A_1557 : i32 to index
        %get3A_1563 = arith.constant 0 : index
        %get3A_1564 = tpu.vector_load %get3A_1561[%get3A_1562, %get3A_1563] {strides = array<i32>} : memref<280x128xf32, #tpu.memory_space<vmem>>, vector<16xf32>,
        %mul3A_1565 = vector.broadcast %squeeze3A_1555 : f32 to vector<16xf32>
        %mul3A_1566 = arith.mulf %mul3A_1565, %get3A_1564 : vector<16xf32>
        %add3A_1567 = arith.addf %add3A_1463, %mul3A_1566 : vector<16xf32>
        %add3A_1568 = arith.constant 8 : i32
        %add3A_1569 = arith.addi %add3A_1295, %add3A_1568 : i32
        %get3A_1570 = arith.constant 0 : i32
        %get3A_1571 = arith.constant 0 : i32
        %get3A_1572 = tpu.memref_slice %arg7[%scan3A_661, %get3A_1570, %get3A_1571] : memref<2x280x128xf32, #tpu.memory_space<vmem>> -> memref<1x280x128xf32, #tpu.memory_space<vmem>>
        %get3A_1573 = tpu.memref_squeeze %get3A_1572 : memref<1x280x128xf32, #tpu.memory_space<vmem>> -> memref<280x128xf32, #tpu.memory_space<vmem>>
        %get3A_1574 = arith.index_cast %add3A_1569 : i32 to index
        %get3A_1575 = arith.constant 16 : index
        %get3A_1576 = tpu.vector_load %get3A_1573[%get3A_1574, %get3A_1575] {strides = array<i32>} : memref<280x128xf32, #tpu.memory_space<vmem>>, vector<16xf32>,
        %mul3A_1577 = vector.broadcast %squeeze3A_1555 : f32 to vector<16xf32>
        %mul3A_1578 = arith.mulf %mul3A_1577, %get3A_1576 : vector<16xf32>
        %add3A_1579 = arith.addf %add3A_1475, %mul3A_1578 : vector<16xf32>
        %slice3A_1580 = vector.extract_strided_slice %div3A_1324 {offsets = [9], sizes = [1], strides = [1]} : vector<16xf32> to vector<1xf32>
        %squeeze3A_1581 = vector.extract %slice3A_1580[0] : f32 from vector<1xf32>
        %add3A_1582 = arith.constant 9 : i32
        %add3A_1583 = arith.addi %add3A_1295, %add3A_1582 : i32
        %get3A_1584 = arith.constant 0 : i32
        %get3A_1585 = arith.constant 0 : i32
        %get3A_1586 = tpu.memref_slice %arg7[%scan3A_661, %get3A_1584, %get3A_1585] : memref<2x280x128xf32, #tpu.memory_space<vmem>> -> memref<1x280x128xf32, #tpu.memory_space<vmem>>
        %get3A_1587 = tpu.memref_squeeze %get3A_1586 : memref<1x280x128xf32, #tpu.memory_space<vmem>> -> memref<280x128xf32, #tpu.memory_space<vmem>>
        %get3A_1588 = arith.index_cast %add3A_1583 : i32 to index
        %get3A_1589 = arith.constant 0 : index
        %get3A_1590 = tpu.vector_load %get3A_1587[%get3A_1588, %get3A_1589] {strides = array<i32>} : memref<280x128xf32, #tpu.memory_space<vmem>>, vector<16xf32>,
        %mul3A_1591 = vector.broadcast %squeeze3A_1581 : f32 to vector<16xf32>
        %mul3A_1592 = arith.mulf %mul3A_1591, %get3A_1590 : vector<16xf32>
        %add3A_1593 = arith.addf %add3A_1489, %mul3A_1592 : vector<16xf32>
        %add3A_1594 = arith.constant 9 : i32
        %add3A_1595 = arith.addi %add3A_1295, %add3A_1594 : i32
        %get3A_1596 = arith.constant 0 : i32
        %get3A_1597 = arith.constant 0 : i32
        %get3A_1598 = tpu.memref_slice %arg7[%scan3A_661, %get3A_1596, %get3A_1597] : memref<2x280x128xf32, #tpu.memory_space<vmem>> -> memref<1x280x128xf32, #tpu.memory_space<vmem>>
        %get3A_1599 = tpu.memref_squeeze %get3A_1598 : memref<1x280x128xf32, #tpu.memory_space<vmem>> -> memref<280x128xf32, #tpu.memory_space<vmem>>
        %get3A_1600 = arith.index_cast %add3A_1595 : i32 to index
        %get3A_1601 = arith.constant 16 : index
        %get3A_1602 = tpu.vector_load %get3A_1599[%get3A_1600, %get3A_1601] {strides = array<i32>} : memref<280x128xf32, #tpu.memory_space<vmem>>, vector<16xf32>,
        %mul3A_1603 = vector.broadcast %squeeze3A_1581 : f32 to vector<16xf32>
        %mul3A_1604 = arith.mulf %mul3A_1603, %get3A_1602 : vector<16xf32>
        %add3A_1605 = arith.addf %add3A_1501, %mul3A_1604 : vector<16xf32>
        %slice3A_1606 = vector.extract_strided_slice %div3A_1324 {offsets = [10], sizes = [1], strides = [1]} : vector<16xf32> to vector<1xf32>
        %squeeze3A_1607 = vector.extract %slice3A_1606[0] : f32 from vector<1xf32>
        %add3A_1608 = arith.constant 10 : i32
        %add3A_1609 = arith.addi %add3A_1295, %add3A_1608 : i32
        %get3A_1610 = arith.constant 0 : i32
        %get3A_1611 = arith.constant 0 : i32
        %get3A_1612 = tpu.memref_slice %arg7[%scan3A_661, %get3A_1610, %get3A_1611] : memref<2x280x128xf32, #tpu.memory_space<vmem>> -> memref<1x280x128xf32, #tpu.memory_space<vmem>>
        %get3A_1613 = tpu.memref_squeeze %get3A_1612 : memref<1x280x128xf32, #tpu.memory_space<vmem>> -> memref<280x128xf32, #tpu.memory_space<vmem>>
        %get3A_1614 = arith.index_cast %add3A_1609 : i32 to index
        %get3A_1615 = arith.constant 0 : index
        %get3A_1616 = tpu.vector_load %get3A_1613[%get3A_1614, %get3A_1615] {strides = array<i32>} : memref<280x128xf32, #tpu.memory_space<vmem>>, vector<16xf32>,
        %mul3A_1617 = vector.broadcast %squeeze3A_1607 : f32 to vector<16xf32>
        %mul3A_1618 = arith.mulf %mul3A_1617, %get3A_1616 : vector<16xf32>
        %add3A_1619 = arith.addf %add3A_1515, %mul3A_1618 : vector<16xf32>
        %add3A_1620 = arith.constant 10 : i32
        %add3A_1621 = arith.addi %add3A_1295, %add3A_1620 : i32
        %get3A_1622 = arith.constant 0 : i32
        %get3A_1623 = arith.constant 0 : i32
        %get3A_1624 = tpu.memref_slice %arg7[%scan3A_661, %get3A_1622, %get3A_1623] : memref<2x280x128xf32, #tpu.memory_space<vmem>> -> memref<1x280x128xf32, #tpu.memory_space<vmem>>
        %get3A_1625 = tpu.memref_squeeze %get3A_1624 : memref<1x280x128xf32, #tpu.memory_space<vmem>> -> memref<280x128xf32, #tpu.memory_space<vmem>>
        %get3A_1626 = arith.index_cast %add3A_1621 : i32 to index
        %get3A_1627 = arith.constant 16 : index
        %get3A_1628 = tpu.vector_load %get3A_1625[%get3A_1626, %get3A_1627] {strides = array<i32>} : memref<280x128xf32, #tpu.memory_space<vmem>>, vector<16xf32>,
        %mul3A_1629 = vector.broadcast %squeeze3A_1607 : f32 to vector<16xf32>
        %mul3A_1630 = arith.mulf %mul3A_1629, %get3A_1628 : vector<16xf32>
        %add3A_1631 = arith.addf %add3A_1527, %mul3A_1630 : vector<16xf32>
        %slice3A_1632 = vector.extract_strided_slice %div3A_1324 {offsets = [11], sizes = [1], strides = [1]} : vector<16xf32> to vector<1xf32>
        %squeeze3A_1633 = vector.extract %slice3A_1632[0] : f32 from vector<1xf32>
        %add3A_1634 = arith.constant 11 : i32
        %add3A_1635 = arith.addi %add3A_1295, %add3A_1634 : i32
        %get3A_1636 = arith.constant 0 : i32
        %get3A_1637 = arith.constant 0 : i32
        %get3A_1638 = tpu.memref_slice %arg7[%scan3A_661, %get3A_1636, %get3A_1637] : memref<2x280x128xf32, #tpu.memory_space<vmem>> -> memref<1x280x128xf32, #tpu.memory_space<vmem>>
        %get3A_1639 = tpu.memref_squeeze %get3A_1638 : memref<1x280x128xf32, #tpu.memory_space<vmem>> -> memref<280x128xf32, #tpu.memory_space<vmem>>
        %get3A_1640 = arith.index_cast %add3A_1635 : i32 to index
        %get3A_1641 = arith.constant 0 : index
        %get3A_1642 = tpu.vector_load %get3A_1639[%get3A_1640, %get3A_1641] {strides = array<i32>} : memref<280x128xf32, #tpu.memory_space<vmem>>, vector<16xf32>,
        %mul3A_1643 = vector.broadcast %squeeze3A_1633 : f32 to vector<16xf32>
        %mul3A_1644 = arith.mulf %mul3A_1643, %get3A_1642 : vector<16xf32>
        %add3A_1645 = arith.addf %add3A_1541, %mul3A_1644 : vector<16xf32>
        %add3A_1646 = arith.constant 11 : i32
        %add3A_1647 = arith.addi %add3A_1295, %add3A_1646 : i32
        %get3A_1648 = arith.constant 0 : i32
        %get3A_1649 = arith.constant 0 : i32
        %get3A_1650 = tpu.memref_slice %arg7[%scan3A_661, %get3A_1648, %get3A_1649] : memref<2x280x128xf32, #tpu.memory_space<vmem>> -> memref<1x280x128xf32, #tpu.memory_space<vmem>>
        %get3A_1651 = tpu.memref_squeeze %get3A_1650 : memref<1x280x128xf32, #tpu.memory_space<vmem>> -> memref<280x128xf32, #tpu.memory_space<vmem>>
        %get3A_1652 = arith.index_cast %add3A_1647 : i32 to index
        %get3A_1653 = arith.constant 16 : index
        %get3A_1654 = tpu.vector_load %get3A_1651[%get3A_1652, %get3A_1653] {strides = array<i32>} : memref<280x128xf32, #tpu.memory_space<vmem>>, vector<16xf32>,
        %mul3A_1655 = vector.broadcast %squeeze3A_1633 : f32 to vector<16xf32>
        %mul3A_1656 = arith.mulf %mul3A_1655, %get3A_1654 : vector<16xf32>
        %add3A_1657 = arith.addf %add3A_1553, %mul3A_1656 : vector<16xf32>
        %slice3A_1658 = vector.extract_strided_slice %div3A_1324 {offsets = [12], sizes = [1], strides = [1]} : vector<16xf32> to vector<1xf32>
        %squeeze3A_1659 = vector.extract %slice3A_1658[0] : f32 from vector<1xf32>
        %add3A_1660 = arith.constant 12 : i32
        %add3A_1661 = arith.addi %add3A_1295, %add3A_1660 : i32
        %get3A_1662 = arith.constant 0 : i32
        %get3A_1663 = arith.constant 0 : i32
        %get3A_1664 = tpu.memref_slice %arg7[%scan3A_661, %get3A_1662, %get3A_1663] : memref<2x280x128xf32, #tpu.memory_space<vmem>> -> memref<1x280x128xf32, #tpu.memory_space<vmem>>
        %get3A_1665 = tpu.memref_squeeze %get3A_1664 : memref<1x280x128xf32, #tpu.memory_space<vmem>> -> memref<280x128xf32, #tpu.memory_space<vmem>>
        %get3A_1666 = arith.index_cast %add3A_1661 : i32 to index
        %get3A_1667 = arith.constant 0 : index
        %get3A_1668 = tpu.vector_load %get3A_1665[%get3A_1666, %get3A_1667] {strides = array<i32>} : memref<280x128xf32, #tpu.memory_space<vmem>>, vector<16xf32>,
        %mul3A_1669 = vector.broadcast %squeeze3A_1659 : f32 to vector<16xf32>
        %mul3A_1670 = arith.mulf %mul3A_1669, %get3A_1668 : vector<16xf32>
        %add3A_1671 = arith.addf %add3A_1567, %mul3A_1670 : vector<16xf32>
        %add3A_1672 = arith.constant 12 : i32
        %add3A_1673 = arith.addi %add3A_1295, %add3A_1672 : i32
        %get3A_1674 = arith.constant 0 : i32
        %get3A_1675 = arith.constant 0 : i32
        %get3A_1676 = tpu.memref_slice %arg7[%scan3A_661, %get3A_1674, %get3A_1675] : memref<2x280x128xf32, #tpu.memory_space<vmem>> -> memref<1x280x128xf32, #tpu.memory_space<vmem>>
        %get3A_1677 = tpu.memref_squeeze %get3A_1676 : memref<1x280x128xf32, #tpu.memory_space<vmem>> -> memref<280x128xf32, #tpu.memory_space<vmem>>
        %get3A_1678 = arith.index_cast %add3A_1673 : i32 to index
        %get3A_1679 = arith.constant 16 : index
        %get3A_1680 = tpu.vector_load %get3A_1677[%get3A_1678, %get3A_1679] {strides = array<i32>} : memref<280x128xf32, #tpu.memory_space<vmem>>, vector<16xf32>,
        %mul3A_1681 = vector.broadcast %squeeze3A_1659 : f32 to vector<16xf32>
        %mul3A_1682 = arith.mulf %mul3A_1681, %get3A_1680 : vector<16xf32>
        %add3A_1683 = arith.addf %add3A_1579, %mul3A_1682 : vector<16xf32>
        %slice3A_1684 = vector.extract_strided_slice %div3A_1324 {offsets = [13], sizes = [1], strides = [1]} : vector<16xf32> to vector<1xf32>
        %squeeze3A_1685 = vector.extract %slice3A_1684[0] : f32 from vector<1xf32>
        %add3A_1686 = arith.constant 13 : i32
        %add3A_1687 = arith.addi %add3A_1295, %add3A_1686 : i32
        %get3A_1688 = arith.constant 0 : i32
        %get3A_1689 = arith.constant 0 : i32
        %get3A_1690 = tpu.memref_slice %arg7[%scan3A_661, %get3A_1688, %get3A_1689] : memref<2x280x128xf32, #tpu.memory_space<vmem>> -> memref<1x280x128xf32, #tpu.memory_space<vmem>>
        %get3A_1691 = tpu.memref_squeeze %get3A_1690 : memref<1x280x128xf32, #tpu.memory_space<vmem>> -> memref<280x128xf32, #tpu.memory_space<vmem>>
        %get3A_1692 = arith.index_cast %add3A_1687 : i32 to index
        %get3A_1693 = arith.constant 0 : index
        %get3A_1694 = tpu.vector_load %get3A_1691[%get3A_1692, %get3A_1693] {strides = array<i32>} : memref<280x128xf32, #tpu.memory_space<vmem>>, vector<16xf32>,
        %mul3A_1695 = vector.broadcast %squeeze3A_1685 : f32 to vector<16xf32>
        %mul3A_1696 = arith.mulf %mul3A_1695, %get3A_1694 : vector<16xf32>
        %add3A_1697 = arith.addf %add3A_1593, %mul3A_1696 : vector<16xf32>
        %add3A_1698 = arith.constant 13 : i32
        %add3A_1699 = arith.addi %add3A_1295, %add3A_1698 : i32
        %get3A_1700 = arith.constant 0 : i32
        %get3A_1701 = arith.constant 0 : i32
        %get3A_1702 = tpu.memref_slice %arg7[%scan3A_661, %get3A_1700, %get3A_1701] : memref<2x280x128xf32, #tpu.memory_space<vmem>> -> memref<1x280x128xf32, #tpu.memory_space<vmem>>
        %get3A_1703 = tpu.memref_squeeze %get3A_1702 : memref<1x280x128xf32, #tpu.memory_space<vmem>> -> memref<280x128xf32, #tpu.memory_space<vmem>>
        %get3A_1704 = arith.index_cast %add3A_1699 : i32 to index
        %get3A_1705 = arith.constant 16 : index
        %get3A_1706 = tpu.vector_load %get3A_1703[%get3A_1704, %get3A_1705] {strides = array<i32>} : memref<280x128xf32, #tpu.memory_space<vmem>>, vector<16xf32>,
        %mul3A_1707 = vector.broadcast %squeeze3A_1685 : f32 to vector<16xf32>
        %mul3A_1708 = arith.mulf %mul3A_1707, %get3A_1706 : vector<16xf32>
        %add3A_1709 = arith.addf %add3A_1605, %mul3A_1708 : vector<16xf32>
        %slice3A_1710 = vector.extract_strided_slice %div3A_1324 {offsets = [14], sizes = [1], strides = [1]} : vector<16xf32> to vector<1xf32>
        %squeeze3A_1711 = vector.extract %slice3A_1710[0] : f32 from vector<1xf32>
        %add3A_1712 = arith.constant 14 : i32
        %add3A_1713 = arith.addi %add3A_1295, %add3A_1712 : i32
        %get3A_1714 = arith.constant 0 : i32
        %get3A_1715 = arith.constant 0 : i32
        %get3A_1716 = tpu.memref_slice %arg7[%scan3A_661, %get3A_1714, %get3A_1715] : memref<2x280x128xf32, #tpu.memory_space<vmem>> -> memref<1x280x128xf32, #tpu.memory_space<vmem>>
        %get3A_1717 = tpu.memref_squeeze %get3A_1716 : memref<1x280x128xf32, #tpu.memory_space<vmem>> -> memref<280x128xf32, #tpu.memory_space<vmem>>
        %get3A_1718 = arith.index_cast %add3A_1713 : i32 to index
        %get3A_1719 = arith.constant 0 : index
        %get3A_1720 = tpu.vector_load %get3A_1717[%get3A_1718, %get3A_1719] {strides = array<i32>} : memref<280x128xf32, #tpu.memory_space<vmem>>, vector<16xf32>,
        %mul3A_1721 = vector.broadcast %squeeze3A_1711 : f32 to vector<16xf32>
        %mul3A_1722 = arith.mulf %mul3A_1721, %get3A_1720 : vector<16xf32>
        %add3A_1723 = arith.addf %add3A_1619, %mul3A_1722 : vector<16xf32>
        %add3A_1724 = arith.constant 14 : i32
        %add3A_1725 = arith.addi %add3A_1295, %add3A_1724 : i32
        %get3A_1726 = arith.constant 0 : i32
        %get3A_1727 = arith.constant 0 : i32
        %get3A_1728 = tpu.memref_slice %arg7[%scan3A_661, %get3A_1726, %get3A_1727] : memref<2x280x128xf32, #tpu.memory_space<vmem>> -> memref<1x280x128xf32, #tpu.memory_space<vmem>>
        %get3A_1729 = tpu.memref_squeeze %get3A_1728 : memref<1x280x128xf32, #tpu.memory_space<vmem>> -> memref<280x128xf32, #tpu.memory_space<vmem>>
        %get3A_1730 = arith.index_cast %add3A_1725 : i32 to index
        %get3A_1731 = arith.constant 16 : index
        %get3A_1732 = tpu.vector_load %get3A_1729[%get3A_1730, %get3A_1731] {strides = array<i32>} : memref<280x128xf32, #tpu.memory_space<vmem>>, vector<16xf32>,
        %mul3A_1733 = vector.broadcast %squeeze3A_1711 : f32 to vector<16xf32>
        %mul3A_1734 = arith.mulf %mul3A_1733, %get3A_1732 : vector<16xf32>
        %add3A_1735 = arith.addf %add3A_1631, %mul3A_1734 : vector<16xf32>
        %slice3A_1736 = vector.extract_strided_slice %div3A_1324 {offsets = [15], sizes = [1], strides = [1]} : vector<16xf32> to vector<1xf32>
        %squeeze3A_1737 = vector.extract %slice3A_1736[0] : f32 from vector<1xf32>
        %add3A_1738 = arith.constant 15 : i32
        %add3A_1739 = arith.addi %add3A_1295, %add3A_1738 : i32
        %get3A_1740 = arith.constant 0 : i32
        %get3A_1741 = arith.constant 0 : i32
        %get3A_1742 = tpu.memref_slice %arg7[%scan3A_661, %get3A_1740, %get3A_1741] : memref<2x280x128xf32, #tpu.memory_space<vmem>> -> memref<1x280x128xf32, #tpu.memory_space<vmem>>
        %get3A_1743 = tpu.memref_squeeze %get3A_1742 : memref<1x280x128xf32, #tpu.memory_space<vmem>> -> memref<280x128xf32, #tpu.memory_space<vmem>>
        %get3A_1744 = arith.index_cast %add3A_1739 : i32 to index
        %get3A_1745 = arith.constant 0 : index
        %get3A_1746 = tpu.vector_load %get3A_1743[%get3A_1744, %get3A_1745] {strides = array<i32>} : memref<280x128xf32, #tpu.memory_space<vmem>>, vector<16xf32>,
        %mul3A_1747 = vector.broadcast %squeeze3A_1737 : f32 to vector<16xf32>
        %mul3A_1748 = arith.mulf %mul3A_1747, %get3A_1746 : vector<16xf32>
        %add3A_1749 = arith.addf %add3A_1645, %mul3A_1748 : vector<16xf32>
        %add3A_1750 = arith.constant 15 : i32
        %add3A_1751 = arith.addi %add3A_1295, %add3A_1750 : i32
        %get3A_1752 = arith.constant 0 : i32
        %get3A_1753 = arith.constant 0 : i32
        %get3A_1754 = tpu.memref_slice %arg7[%scan3A_661, %get3A_1752, %get3A_1753] : memref<2x280x128xf32, #tpu.memory_space<vmem>> -> memref<1x280x128xf32, #tpu.memory_space<vmem>>
        %get3A_1755 = tpu.memref_squeeze %get3A_1754 : memref<1x280x128xf32, #tpu.memory_space<vmem>> -> memref<280x128xf32, #tpu.memory_space<vmem>>
        %get3A_1756 = arith.index_cast %add3A_1751 : i32 to index
        %get3A_1757 = arith.constant 16 : index
        %get3A_1758 = tpu.vector_load %get3A_1755[%get3A_1756, %get3A_1757] {strides = array<i32>} : memref<280x128xf32, #tpu.memory_space<vmem>>, vector<16xf32>,
        %mul3A_1759 = vector.broadcast %squeeze3A_1737 : f32 to vector<16xf32>
        %mul3A_1760 = arith.mulf %mul3A_1759, %get3A_1758 : vector<16xf32>
        %add3A_1761 = arith.addf %add3A_1657, %mul3A_1760 : vector<16xf32>
        %add3A_1762 = arith.addf %add3A_1671, %add3A_1697 : vector<16xf32>
        %add3A_1763 = arith.addf %add3A_1723, %add3A_1749 : vector<16xf32>
        %add3A_1764 = arith.addf %add3A_1762, %add3A_1763 : vector<16xf32>
        %add3A_1765 = arith.addf %add3A_1683, %add3A_1709 : vector<16xf32>
        %add3A_1766 = arith.addf %add3A_1735, %add3A_1761 : vector<16xf32>
        %add3A_1767 = arith.addf %add3A_1765, %add3A_1766 : vector<16xf32>
        %add3A_1768 = arith.constant 1 : i32
        %add3A_1769 = arith.addi %add3A_1768, %scan3A_1280 : i32
        %get3A_1770 = arith.constant 0 : i32
        %get3A_1771 = arith.constant 0 : i32
        %get3A_1772 = tpu.memref_slice %arg7[%scan3A_661, %get3A_1770, %get3A_1771] : memref<2x280x128xf32, #tpu.memory_space<vmem>> -> memref<1x280x128xf32, #tpu.memory_space<vmem>>
        %get3A_1773 = tpu.memref_squeeze %get3A_1772 : memref<1x280x128xf32, #tpu.memory_space<vmem>> -> memref<280x128xf32, #tpu.memory_space<vmem>>
        %get3A_1774 = arith.index_cast %add3A_1769 : i32 to index
        %get3A_1775 = arith.constant 0 : index
        %get3A_1776 = tpu.vector_load %get3A_1773[%get3A_1774, %get3A_1775] {strides = array<i32>} : memref<280x128xf32, #tpu.memory_space<vmem>>, vector<16xf32>,
        %swap3A_1777 = arith.constant 0 : i32
        %swap3A_1778 = arith.index_cast %swap3A_1777 : i32 to index
        %swap3A_1779 = arith.index_cast %scan3A_1280 : i32 to index
        %swap3A_1780 = arith.constant 0 : index
        %swap3A_1781 = tpu.vector_load %arg8[%swap3A_1778, %swap3A_1779, %swap3A_1780] {strides = array<i32>} : memref<2x16x128xf32, #tpu.memory_space<vmem>>, vector<16xf32>,
        tpu.vector_store %arg8[%swap3A_1778, %swap3A_1779, %swap3A_1780], %get3A_1776 {strides = array<i32>} : memref<2x16x128xf32, #tpu.memory_space<vmem>>, vector<16xf32>,
        %add3A_1782 = arith.constant 1 : i32
        %add3A_1783 = arith.addi %add3A_1782, %scan3A_1280 : i32
        %get3A_1784 = arith.constant 0 : i32
        %get3A_1785 = arith.constant 0 : i32
        %get3A_1786 = tpu.memref_slice %arg7[%scan3A_661, %get3A_1784, %get3A_1785] : memref<2x280x128xf32, #tpu.memory_space<vmem>> -> memref<1x280x128xf32, #tpu.memory_space<vmem>>
        %get3A_1787 = tpu.memref_squeeze %get3A_1786 : memref<1x280x128xf32, #tpu.memory_space<vmem>> -> memref<280x128xf32, #tpu.memory_space<vmem>>
        %get3A_1788 = arith.index_cast %add3A_1783 : i32 to index
        %get3A_1789 = arith.constant 16 : index
        %get3A_1790 = tpu.vector_load %get3A_1787[%get3A_1788, %get3A_1789] {strides = array<i32>} : memref<280x128xf32, #tpu.memory_space<vmem>>, vector<16xf32>,
        %swap3A_1791 = arith.constant 0 : i32
        %swap3A_1792 = arith.index_cast %swap3A_1791 : i32 to index
        %swap3A_1793 = arith.index_cast %scan3A_1280 : i32 to index
        %swap3A_1794 = arith.constant 16 : index
        %swap3A_1795 = tpu.vector_load %arg8[%swap3A_1792, %swap3A_1793, %swap3A_1794] {strides = array<i32>} : memref<2x16x128xf32, #tpu.memory_space<vmem>>, vector<16xf32>,
        tpu.vector_store %arg8[%swap3A_1792, %swap3A_1793, %swap3A_1794], %get3A_1790 {strides = array<i32>} : memref<2x16x128xf32, #tpu.memory_space<vmem>>, vector<16xf32>,
        %swap3A_1796 = arith.constant 0 : i32
        %swap3A_1797 = arith.index_cast %swap3A_1796 : i32 to index
        %swap3A_1798 = arith.index_cast %scan3A_1280 : i32 to index
        %swap3A_1799 = arith.constant 32 : index
        %swap3A_1800 = tpu.vector_load %arg8[%swap3A_1797, %swap3A_1798, %swap3A_1799] {strides = array<i32>} : memref<2x16x128xf32, #tpu.memory_space<vmem>>, vector<16xf32>,
        tpu.vector_store %arg8[%swap3A_1797, %swap3A_1798, %swap3A_1799], %add3A_1764 {strides = array<i32>} : memref<2x16x128xf32, #tpu.memory_space<vmem>>, vector<16xf32>,
        %swap3A_1801 = arith.constant 0 : i32
        %swap3A_1802 = arith.index_cast %swap3A_1801 : i32 to index
        %swap3A_1803 = arith.index_cast %scan3A_1280 : i32 to index
        %swap3A_1804 = arith.constant 48 : index
        %swap3A_1805 = tpu.vector_load %arg8[%swap3A_1802, %swap3A_1803, %swap3A_1804] {strides = array<i32>} : memref<2x16x128xf32, #tpu.memory_space<vmem>>, vector<16xf32>,
        tpu.vector_store %arg8[%swap3A_1802, %swap3A_1803, %swap3A_1804], %add3A_1767 {strides = array<i32>} : memref<2x16x128xf32, #tpu.memory_space<vmem>>, vector<16xf32>,
      }
      %scan3A_666 = arith.constant 16 : i32
      %add3A_667 = arith.addi %mul3A_2, %mul3A_105 : i32
      %dma_start3A_668 = arith.constant 0 : i32
      %dma_start3A_669 = arith.constant 0 : i32
      %dma_start3A_670 = tpu.memref_slice %arg9[%dma_start3A_668, %dma_start3A_669] : memref<2x128xf32, #tpu.memory_space<vmem>> -> memref<1x128xf32, #tpu.memory_space<vmem>>
      %dma_start3A_671 = tpu.memref_squeeze %dma_start3A_670 : memref<1x128xf32, #tpu.memory_space<vmem>> -> memref<128xf32, #tpu.memory_space<vmem>>
      %dma_start3A_672 = arith.constant 0 : i32
      %dma_start3A_673 = tpu.memref_slice %arg5[%add3A_667, %dma_start3A_672] : memref<2048x128xf32, #tpu.memory_space<hbm>> -> memref<1x128xf32, #tpu.memory_space<hbm>>
      %dma_start3A_674 = tpu.memref_squeeze %dma_start3A_673 : memref<1x128xf32, #tpu.memory_space<hbm>> -> memref<128xf32, #tpu.memory_space<hbm>>
      %dma_start3A_675 = arith.constant 0 : i32
      %dma_start3A_676 = tpu.memref_slice %arg5[%add3A_667, %dma_start3A_675] : memref<2048x128xf32, #tpu.memory_space<hbm>> -> memref<1x128xf32, #tpu.memory_space<hbm>>
      %dma_start3A_677 = tpu.memref_squeeze %dma_start3A_676 : memref<1x128xf32, #tpu.memory_space<hbm>> -> memref<128xf32, #tpu.memory_space<hbm>>
      %dma_start3A_678 = arith.constant 0 : i32
      %dma_start3A_679 = tpu.memref_slice %arg9[%dma_start3A_668, %dma_start3A_678] : memref<2x128xf32, #tpu.memory_space<vmem>> -> memref<1x128xf32, #tpu.memory_space<vmem>>
      %dma_start3A_680 = tpu.memref_squeeze %dma_start3A_679 : memref<1x128xf32, #tpu.memory_space<vmem>> -> memref<128xf32, #tpu.memory_space<vmem>>
      tpu.enqueue_dma source(%dma_start3A_680 : memref<128xf32, #tpu.memory_space<vmem>>) target(%dma_start3A_677 : memref<128xf32, #tpu.memory_space<hbm>>) target_semaphore(%arg12 : memref<!tpu.dma_semaphore, #tpu.memory_space<semaphore_mem>>)
      %add3A_681 = arith.addi %mul3A_2, %mul3A_105 : i32
      %dma_start3A_682 = arith.constant 0 : i32
      %dma_start3A_683 = arith.constant 0 : i32
      %dma_start3A_684 = arith.constant 0 : i32
      %dma_start3A_685 = tpu.memref_slice %arg8[%dma_start3A_682, %dma_start3A_683, %dma_start3A_684] : memref<2x16x128xf32, #tpu.memory_space<vmem>> -> memref<1x16x128xf32, #tpu.memory_space<vmem>>
      %dma_start3A_686 = tpu.memref_squeeze %dma_start3A_685 : memref<1x16x128xf32, #tpu.memory_space<vmem>> -> memref<16x128xf32, #tpu.memory_space<vmem>>
      %dma_start3A_687 = arith.constant 0 : i32
      %dma_start3A_688 = arith.constant 0 : i32
      %dma_start3A_689 = tpu.memref_slice %arg4[%add3A_681, %dma_start3A_687, %dma_start3A_688] : memref<2048x16x128xf32, #tpu.memory_space<hbm>> -> memref<1x16x128xf32, #tpu.memory_space<hbm>>
      %dma_start3A_690 = tpu.memref_squeeze %dma_start3A_689 : memref<1x16x128xf32, #tpu.memory_space<hbm>> -> memref<16x128xf32, #tpu.memory_space<hbm>>
      %dma_start3A_691 = arith.constant 0 : i32
      %dma_start3A_692 = arith.constant 0 : i32
      %dma_start3A_693 = tpu.memref_slice %arg4[%add3A_681, %dma_start3A_691, %dma_start3A_692] : memref<2048x16x128xf32, #tpu.memory_space<hbm>> -> memref<1x16x128xf32, #tpu.memory_space<hbm>>
      %dma_start3A_694 = tpu.memref_squeeze %dma_start3A_693 : memref<1x16x128xf32, #tpu.memory_space<hbm>> -> memref<16x128xf32, #tpu.memory_space<hbm>>
      %dma_start3A_695 = arith.constant 0 : i32
      %dma_start3A_696 = arith.constant 0 : i32
      %dma_start3A_697 = tpu.memref_slice %arg8[%dma_start3A_682, %dma_start3A_695, %dma_start3A_696] : memref<2x16x128xf32, #tpu.memory_space<vmem>> -> memref<1x16x128xf32, #tpu.memory_space<vmem>>
      %dma_start3A_698 = tpu.memref_squeeze %dma_start3A_697 : memref<1x16x128xf32, #tpu.memory_space<vmem>> -> memref<16x128xf32, #tpu.memory_space<vmem>>
      tpu.enqueue_dma source(%dma_start3A_698 : memref<16x128xf32, #tpu.memory_space<vmem>>) target(%dma_start3A_694 : memref<16x128xf32, #tpu.memory_space<hbm>>) target_semaphore(%arg12 : memref<!tpu.dma_semaphore, #tpu.memory_space<semaphore_mem>>)
      %add3A_699 = arith.constant 2 : i32
      %add3A_700 = arith.addi %mul3A_105, %add3A_699 : i32
      %lt3A = arith.constant 64 : i32
      %lt3A_701 = arith.cmpi slt, %add3A_700, %lt3A : i32
      %convert_element_type3A_702 = arith.extui %lt3A_701 : i1 to i32
      %cond3A_703 = arith.constant 0 : i32
      %cond3A_704 = arith.cmpi ne, %convert_element_type3A_702, %cond3A_703 : i32
      scf.if %cond3A_704 {
        %add3A_1280 = arith.constant 2 : i32
        %add3A_1281 = arith.addi %mul3A_105, %add3A_1280 : i32
        %dma_start3A_1282 = arith.constant 0 : i32
        %dma_start3A_1283 = arith.constant 0 : i32
        %dma_start3A_1284 = arith.constant 0 : i32
        %dma_start3A_1285 = tpu.memref_slice %arg7[%dma_start3A_1282, %dma_start3A_1283, %dma_start3A_1284] : memref<2x280x128xf32, #tpu.memory_space<vmem>> -> memref<1x128x128xf32, #tpu.memory_space<vmem>>
        %dma_start3A_1286 = tpu.memref_squeeze %dma_start3A_1285 : memref<1x128x128xf32, #tpu.memory_space<vmem>> -> memref<128x128xf32, #tpu.memory_space<vmem>>
        %dma_start3A_1287 = arith.constant 0 : i32
        %dma_start3A_1288 = tpu.memref_slice %arg6[%add3A_1281, %dma_start3A_1287] : memref<64x273xi32, #tpu.memory_space<vmem>> -> memref<1x128xi32, #tpu.memory_space<vmem>>
        %dma_start3A_1289 = tpu.memref_squeeze %dma_start3A_1288 : memref<1x128xi32, #tpu.memory_space<vmem>> -> memref<128xi32, #tpu.memory_space<vmem>>
        %dma_start3A_1290 = arith.constant 0 : i32
        %dma_start3A_1291 = arith.constant 0 : i32
        %dma_start3A_1292 = tpu.memref_slice %arg2[%dma_start3A_1290, %dma_start3A_1291] : memref<100000x128xf32, #tpu.memory_space<hbm>> -> memref<100000x128xf32, #tpu.memory_space<hbm>>
        tpu.enqueue_indirect_dma source(%dma_start3A_1292 : memref<100000x128xf32, #tpu.memory_space<hbm>>) target(%dma_start3A_1286 : memref<128x128xf32, #tpu.memory_space<vmem>>) offsets(%dma_start3A_1289 : memref<128xi32, #tpu.memory_space<vmem>>) semaphore(%arg10 : memref<!tpu.dma_semaphore, #tpu.memory_space<semaphore_mem>>)
        %dma_start3A_1293 = arith.constant 0 : i32
        %dma_start3A_1294 = arith.constant 128 : i32
        %dma_start3A_1295 = arith.constant 0 : i32
        %dma_start3A_1296 = tpu.memref_slice %arg7[%dma_start3A_1293, %dma_start3A_1294, %dma_start3A_1295] : memref<2x280x128xf32, #tpu.memory_space<vmem>> -> memref<1x128x128xf32, #tpu.memory_space<vmem>>
        %dma_start3A_1297 = tpu.memref_squeeze %dma_start3A_1296 : memref<1x128x128xf32, #tpu.memory_space<vmem>> -> memref<128x128xf32, #tpu.memory_space<vmem>>
        %dma_start3A_1298 = arith.constant 128 : i32
        %dma_start3A_1299 = tpu.memref_slice %arg6[%add3A_1281, %dma_start3A_1298] : memref<64x273xi32, #tpu.memory_space<vmem>> -> memref<1x128xi32, #tpu.memory_space<vmem>>
        %dma_start3A_1300 = tpu.memref_squeeze %dma_start3A_1299 : memref<1x128xi32, #tpu.memory_space<vmem>> -> memref<128xi32, #tpu.memory_space<vmem>>
        %dma_start3A_1301 = arith.constant 0 : i32
        %dma_start3A_1302 = arith.constant 0 : i32
        %dma_start3A_1303 = tpu.memref_slice %arg2[%dma_start3A_1301, %dma_start3A_1302] : memref<100000x128xf32, #tpu.memory_space<hbm>> -> memref<100000x128xf32, #tpu.memory_space<hbm>>
        tpu.enqueue_indirect_dma source(%dma_start3A_1303 : memref<100000x128xf32, #tpu.memory_space<hbm>>) target(%dma_start3A_1297 : memref<128x128xf32, #tpu.memory_space<vmem>>) offsets(%dma_start3A_1300 : memref<128xi32, #tpu.memory_space<vmem>>) semaphore(%arg10 : memref<!tpu.dma_semaphore, #tpu.memory_space<semaphore_mem>>)
        %dma_start3A_1304 = arith.constant 0 : i32
        %dma_start3A_1305 = arith.constant 256 : i32
        %dma_start3A_1306 = arith.constant 0 : i32
        %dma_start3A_1307 = tpu.memref_slice %arg7[%dma_start3A_1304, %dma_start3A_1305, %dma_start3A_1306] : memref<2x280x128xf32, #tpu.memory_space<vmem>> -> memref<1x17x128xf32, #tpu.memory_space<vmem>>
        %dma_start3A_1308 = tpu.memref_squeeze %dma_start3A_1307 : memref<1x17x128xf32, #tpu.memory_space<vmem>> -> memref<17x128xf32, #tpu.memory_space<vmem>>
        %dma_start3A_1309 = arith.constant 256 : i32
        %dma_start3A_1310 = tpu.memref_slice %arg6[%add3A_1281, %dma_start3A_1309] : memref<64x273xi32, #tpu.memory_space<vmem>> -> memref<1x17xi32, #tpu.memory_space<vmem>>
        %dma_start3A_1311 = tpu.memref_squeeze %dma_start3A_1310 : memref<1x17xi32, #tpu.memory_space<vmem>> -> memref<17xi32, #tpu.memory_space<vmem>>
        %dma_start3A_1312 = arith.constant 0 : i32
        %dma_start3A_1313 = arith.constant 0 : i32
        %dma_start3A_1314 = tpu.memref_slice %arg2[%dma_start3A_1312, %dma_start3A_1313] : memref<100000x128xf32, #tpu.memory_space<hbm>> -> memref<100000x128xf32, #tpu.memory_space<hbm>>
        tpu.enqueue_indirect_dma source(%dma_start3A_1314 : memref<100000x128xf32, #tpu.memory_space<hbm>>) target(%dma_start3A_1308 : memref<17x128xf32, #tpu.memory_space<vmem>>) offsets(%dma_start3A_1311 : memref<17xi32, #tpu.memory_space<vmem>>) semaphore(%arg10 : memref<!tpu.dma_semaphore, #tpu.memory_space<semaphore_mem>>)
      } else {
      }
      %dma_wait3A_705 = arith.constant 1 : i32
      %dma_wait3A_706 = arith.constant 0 : i32
      %dma_wait3A_707 = arith.constant 0 : i32
      %dma_wait3A_708 = tpu.memref_slice %arg7[%dma_wait3A_705, %dma_wait3A_706, %dma_wait3A_707] : memref<2x280x128xf32, #tpu.memory_space<vmem>> -> memref<1x273x128xf32, #tpu.memory_space<vmem>>
      %dma_wait3A_709 = tpu.memref_squeeze %dma_wait3A_708 : memref<1x273x128xf32, #tpu.memory_space<vmem>> -> memref<273x128xf32, #tpu.memory_space<vmem>>
      %dma_wait3A_710 = arith.constant 0 : i32
      %dma_wait3A_711 = arith.constant 0 : i32
      %dma_wait3A_712 = tpu.memref_slice %arg2[%dma_wait3A_710, %dma_wait3A_711] : memref<100000x128xf32, #tpu.memory_space<hbm>> -> memref<273x128xf32, #tpu.memory_space<hbm>>
      %dma_wait3A_713 = arith.constant 0 : i32
      %dma_wait3A_714 = arith.constant 0 : i32
      %dma_wait3A_715 = tpu.memref_slice %arg7[%dma_wait3A_705, %dma_wait3A_713, %dma_wait3A_714] : memref<2x280x128xf32, #tpu.memory_space<vmem>> -> memref<1x273x128xf32, #tpu.memory_space<vmem>>
      %dma_wait3A_716 = tpu.memref_squeeze %dma_wait3A_715 : memref<1x273x128xf32, #tpu.memory_space<vmem>> -> memref<273x128xf32, #tpu.memory_space<vmem>>
      %dma_wait3A_717 = arith.constant 0 : i32
      %dma_wait3A_718 = arith.constant 0 : i32
      %dma_wait3A_719 = tpu.memref_slice %arg2[%dma_wait3A_717, %dma_wait3A_718] : memref<100000x128xf32, #tpu.memory_space<hbm>> -> memref<273x128xf32, #tpu.memory_space<hbm>>
      tpu.wait_dma2 semaphore(%arg11 : memref<!tpu.dma_semaphore, #tpu.memory_space<semaphore_mem>>) src(%dma_wait3A_719 : memref<273x128xf32, #tpu.memory_space<hbm>>) dst(%dma_wait3A_716 : memref<273x128xf32, #tpu.memory_space<vmem>>)
      %gt3A_720 = arith.constant 0 : i32
      %gt3A_721 = arith.cmpi sgt, %scan3A_103, %gt3A_720 : i32
      %convert_element_type3A_722 = arith.extui %gt3A_721 : i1 to i32
      %cond3A_723 = arith.constant 0 : i32
      %cond3A_724 = arith.cmpi ne, %convert_element_type3A_722, %cond3A_723 : i32
      scf.if %cond3A_724 {
        %dma_wait3A_1280 = arith.constant 1 : i32
        %dma_wait3A_1281 = arith.constant 0 : i32
        %dma_wait3A_1282 = tpu.memref_slice %arg9[%dma_wait3A_1280, %dma_wait3A_1281] : memref<2x128xf32, #tpu.memory_space<vmem>> -> memref<1x128xf32, #tpu.memory_space<vmem>>
        %dma_wait3A_1283 = tpu.memref_squeeze %dma_wait3A_1282 : memref<1x128xf32, #tpu.memory_space<vmem>> -> memref<128xf32, #tpu.memory_space<vmem>>
        %dma_wait3A_1284 = arith.constant 0 : i32
        %dma_wait3A_1285 = tpu.memref_slice %arg5[%mul3A_2, %dma_wait3A_1284] : memref<2048x128xf32, #tpu.memory_space<hbm>> -> memref<1x128xf32, #tpu.memory_space<hbm>>
        %dma_wait3A_1286 = tpu.memref_squeeze %dma_wait3A_1285 : memref<1x128xf32, #tpu.memory_space<hbm>> -> memref<128xf32, #tpu.memory_space<hbm>>
        %dma_wait3A_1287 = arith.constant 0 : i32
        %dma_wait3A_1288 = tpu.memref_slice %arg5[%mul3A_2, %dma_wait3A_1287] : memref<2048x128xf32, #tpu.memory_space<hbm>> -> memref<1x128xf32, #tpu.memory_space<hbm>>
        %dma_wait3A_1289 = tpu.memref_squeeze %dma_wait3A_1288 : memref<1x128xf32, #tpu.memory_space<hbm>> -> memref<128xf32, #tpu.memory_space<hbm>>
        %dma_wait3A_1290 = arith.constant 0 : i32
        %dma_wait3A_1291 = tpu.memref_slice %arg9[%dma_wait3A_1280, %dma_wait3A_1290] : memref<2x128xf32, #tpu.memory_space<vmem>> -> memref<1x128xf32, #tpu.memory_space<vmem>>
        %dma_wait3A_1292 = tpu.memref_squeeze %dma_wait3A_1291 : memref<1x128xf32, #tpu.memory_space<vmem>> -> memref<128xf32, #tpu.memory_space<vmem>>
        tpu.wait_dma2 semaphore(%arg13 : memref<!tpu.dma_semaphore, #tpu.memory_space<semaphore_mem>>) src(%dma_wait3A_1292 : memref<128xf32, #tpu.memory_space<vmem>>) dst(%dma_wait3A_1289 : memref<128xf32, #tpu.memory_space<hbm>>)
        %dma_wait3A_1293 = arith.constant 1 : i32
        %dma_wait3A_1294 = arith.constant 0 : i32
        %dma_wait3A_1295 = arith.constant 0 : i32
        %dma_wait3A_1296 = tpu.memref_slice %arg8[%dma_wait3A_1293, %dma_wait3A_1294, %dma_wait3A_1295] : memref<2x16x128xf32, #tpu.memory_space<vmem>> -> memref<1x16x128xf32, #tpu.memory_space<vmem>>
        %dma_wait3A_1297 = tpu.memref_squeeze %dma_wait3A_1296 : memref<1x16x128xf32, #tpu.memory_space<vmem>> -> memref<16x128xf32, #tpu.memory_space<vmem>>
        %dma_wait3A_1298 = arith.constant 0 : i32
        %dma_wait3A_1299 = arith.constant 0 : i32
        %dma_wait3A_1300 = tpu.memref_slice %arg4[%mul3A_2, %dma_wait3A_1298, %dma_wait3A_1299] : memref<2048x16x128xf32, #tpu.memory_space<hbm>> -> memref<1x16x128xf32, #tpu.memory_space<hbm>>
        %dma_wait3A_1301 = tpu.memref_squeeze %dma_wait3A_1300 : memref<1x16x128xf32, #tpu.memory_space<hbm>> -> memref<16x128xf32, #tpu.memory_space<hbm>>
        %dma_wait3A_1302 = arith.constant 0 : i32
        %dma_wait3A_1303 = arith.constant 0 : i32
        %dma_wait3A_1304 = tpu.memref_slice %arg4[%mul3A_2, %dma_wait3A_1302, %dma_wait3A_1303] : memref<2048x16x128xf32, #tpu.memory_space<hbm>> -> memref<1x16x128xf32, #tpu.memory_space<hbm>>
        %dma_wait3A_1305 = tpu.memref_squeeze %dma_wait3A_1304 : memref<1x16x128xf32, #tpu.memory_space<hbm>> -> memref<16x128xf32, #tpu.memory_space<hbm>>
        %dma_wait3A_1306 = arith.constant 0 : i32
        %dma_wait3A_1307 = arith.constant 0 : i32
        %dma_wait3A_1308 = tpu.memref_slice %arg8[%dma_wait3A_1293, %dma_wait3A_1306, %dma_wait3A_1307] : memref<2x16x128xf32, #tpu.memory_space<vmem>> -> memref<1x16x128xf32, #tpu.memory_space<vmem>>
        %dma_wait3A_1309 = tpu.memref_squeeze %dma_wait3A_1308 : memref<1x16x128xf32, #tpu.memory_space<vmem>> -> memref<16x128xf32, #tpu.memory_space<vmem>>
        tpu.wait_dma2 semaphore(%arg13 : memref<!tpu.dma_semaphore, #tpu.memory_space<semaphore_mem>>) src(%dma_wait3A_1309 : memref<16x128xf32, #tpu.memory_space<vmem>>) dst(%dma_wait3A_1305 : memref<16x128xf32, #tpu.memory_space<hbm>>)
      } else {
      }
      %add3A_725 = arith.constant 1 : i32
      %add3A_726 = arith.addi %mul3A_105, %add3A_725 : i32
      %get3A_727 = arith.constant 1 : i32
      %get3A_728 = arith.constant 0 : i32
      %get3A_729 = arith.constant 0 : i32
      %get3A_730 = arith.constant 0 : i32
      %get3A_731 = tpu.memref_slice %arg7[%get3A_727, %get3A_729, %get3A_730] : memref<2x280x128xf32, #tpu.memory_space<vmem>> -> memref<1x280x128xf32, #tpu.memory_space<vmem>>
      %get3A_732 = tpu.memref_squeeze %get3A_731 : memref<1x280x128xf32, #tpu.memory_space<vmem>> -> memref<280x128xf32, #tpu.memory_space<vmem>>
      %get3A_733 = arith.index_cast %get3A_728 : i32 to index
      %get3A_734 = arith.constant 32 : index
      %get3A_735 = tpu.vector_load %get3A_732[%get3A_733, %get3A_734] {strides = array<i32>} : memref<280x128xf32, #tpu.memory_space<vmem>>, vector<16xf32>,
      %slice3A_736 = vector.extract_strided_slice %get3A_735 {offsets = [0], sizes = [1], strides = [1]} : vector<16xf32> to vector<1xf32>
      %squeeze3A_737 = vector.extract %slice3A_736[0] : f32 from vector<1xf32>
      %add3A_738 = arith.constant 1 : i32
      %add3A_739 = vector.broadcast %add3A_738 : i32 to vector<16xi32>
      %add3A_740 = arith.addi %add3A_739, %iota3A : vector<16xi32>
      %gather3A_741 = arith.constant 1 : i32
      %gather3A_742 = arith.constant 0 : i32
      %gather3A_743 = arith.constant 0 : i32
      %gather3A_744 = tpu.memref_slice %arg7[%gather3A_741, %gather3A_742, %gather3A_743] : memref<2x280x128xf32, #tpu.memory_space<vmem>> -> memref<1x280x128xf32, #tpu.memory_space<vmem>>
      %gather3A_745 = tpu.memref_squeeze %gather3A_744 : memref<1x280x128xf32, #tpu.memory_space<vmem>> -> memref<280x128xf32, #tpu.memory_space<vmem>>
      %gather3A_746 = tpu.vector_load_idx %gather3A_745[%add3A_740, %broadcast_in_dim3A_3] : memref<280x128xf32, #tpu.memory_space<vmem>>[vector<16xi32>, vector<16xi32>], vector<16xf32>,
      %add3A_747 = vector.broadcast %squeeze3A_737 : f32 to vector<16xf32>
      %add3A_748 = arith.addf %add3A_747, %gather3A_746 : vector<16xf32>
      %ge3A_749 = arith.constant 0.000000e+00 : f32
      %ge3A_750 = vector.broadcast %ge3A_749 : f32 to vector<16xf32>
      %ge3A_751 = arith.cmpf oge, %add3A_748, %ge3A_750 : vector<16xf32>
      %mul3A_752 = arith.constant 0.00999999977 : f32
      %mul3A_753 = vector.broadcast %mul3A_752 : f32 to vector<16xf32>
      %mul3A_754 = arith.mulf %mul3A_753, %add3A_748 : vector<16xf32>
      %select_n3A_755 = arith.select %ge3A_751, %add3A_748, %mul3A_754 : vector<16xi1>, vector<16xf32>
      %reduce_max3A_756 = arith.constant true
      %reduce_max3A_757 = vector.broadcast %reduce_max3A_756 : i1 to vector<16xi1>
      %reduce_max3A_758 = tpu.scan <max>, %select_n3A_755 masked %reduce_max3A_757 : vector<16xf32>, vector<16xi1> -> vector<16xf32>
      %reduce_max3A_759 = vector.extract %reduce_max3A_758[15] : f32 from vector<16xf32>
      %sub3A_760 = vector.broadcast %reduce_max3A_759 : f32 to vector<16xf32>
      %sub3A_761 = arith.subf %select_n3A_755, %sub3A_760 : vector<16xf32>
      %exp3A_762 = math.exp %sub3A_761 : vector<16xf32>
      %reduce_sum3A_763 = arith.constant true
      %reduce_sum3A_764 = vector.broadcast %reduce_sum3A_763 : i1 to vector<16xi1>
      %reduce_sum3A_765 = tpu.scan <sum>, %exp3A_762 masked %reduce_sum3A_764 : vector<16xf32>, vector<16xi1> -> vector<16xf32>
      %reduce_sum3A_766 = vector.extract %reduce_sum3A_765[15] : f32 from vector<16xf32>
      %div3A_767 = vector.broadcast %reduce_sum3A_766 : f32 to vector<16xf32>
      %div3A_768 = arith.divf %exp3A_762, %div3A_767 : vector<16xf32>
      %broadcast_in_dim3A_769 = arith.constant 0.000000e+00 : f32
      %broadcast_in_dim3A_770 = vector.broadcast %broadcast_in_dim3A_769 : f32 to vector<16xf32>
      %broadcast_in_dim3A_771 = arith.constant 0.000000e+00 : f32
      %broadcast_in_dim3A_772 = vector.broadcast %broadcast_in_dim3A_771 : f32 to vector<16xf32>
      %broadcast_in_dim3A_773 = arith.constant 0.000000e+00 : f32
      %broadcast_in_dim3A_774 = vector.broadcast %broadcast_in_dim3A_773 : f32 to vector<16xf32>
      %broadcast_in_dim3A_775 = arith.constant 0.000000e+00 : f32
      %broadcast_in_dim3A_776 = vector.broadcast %broadcast_in_dim3A_775 : f32 to vector<16xf32>
      %broadcast_in_dim3A_777 = arith.constant 0.000000e+00 : f32
      %broadcast_in_dim3A_778 = vector.broadcast %broadcast_in_dim3A_777 : f32 to vector<16xf32>
      %broadcast_in_dim3A_779 = arith.constant 0.000000e+00 : f32
      %broadcast_in_dim3A_780 = vector.broadcast %broadcast_in_dim3A_779 : f32 to vector<16xf32>
      %broadcast_in_dim3A_781 = arith.constant 0.000000e+00 : f32
      %broadcast_in_dim3A_782 = vector.broadcast %broadcast_in_dim3A_781 : f32 to vector<16xf32>
      %broadcast_in_dim3A_783 = arith.constant 0.000000e+00 : f32
      %broadcast_in_dim3A_784 = vector.broadcast %broadcast_in_dim3A_783 : f32 to vector<16xf32>
      %slice3A_785 = vector.extract_strided_slice %div3A_768 {offsets = [0], sizes = [1], strides = [1]} : vector<16xf32> to vector<1xf32>
      %squeeze3A_786 = vector.extract %slice3A_785[0] : f32 from vector<1xf32>
      %get3A_787 = arith.constant 1 : i32
      %get3A_788 = arith.constant 1 : i32
      %get3A_789 = arith.constant 0 : i32
      %get3A_790 = arith.constant 0 : i32
      %get3A_791 = tpu.memref_slice %arg7[%get3A_787, %get3A_789, %get3A_790] : memref<2x280x128xf32, #tpu.memory_space<vmem>> -> memref<1x280x128xf32, #tpu.memory_space<vmem>>
      %get3A_792 = tpu.memref_squeeze %get3A_791 : memref<1x280x128xf32, #tpu.memory_space<vmem>> -> memref<280x128xf32, #tpu.memory_space<vmem>>
      %get3A_793 = arith.index_cast %get3A_788 : i32 to index
      %get3A_794 = arith.constant 0 : index
      %get3A_795 = tpu.vector_load %get3A_792[%get3A_793, %get3A_794] {strides = array<i32>} : memref<280x128xf32, #tpu.memory_space<vmem>>, vector<16xf32>,
      %mul3A_796 = vector.broadcast %squeeze3A_786 : f32 to vector<16xf32>
      %mul3A_797 = arith.mulf %mul3A_796, %get3A_795 : vector<16xf32>
      %add3A_798 = arith.addf %broadcast_in_dim3A_770, %mul3A_797 : vector<16xf32>
      %get3A_799 = arith.constant 1 : i32
      %get3A_800 = arith.constant 1 : i32
      %get3A_801 = arith.constant 0 : i32
      %get3A_802 = arith.constant 0 : i32
      %get3A_803 = tpu.memref_slice %arg7[%get3A_799, %get3A_801, %get3A_802] : memref<2x280x128xf32, #tpu.memory_space<vmem>> -> memref<1x280x128xf32, #tpu.memory_space<vmem>>
      %get3A_804 = tpu.memref_squeeze %get3A_803 : memref<1x280x128xf32, #tpu.memory_space<vmem>> -> memref<280x128xf32, #tpu.memory_space<vmem>>
      %get3A_805 = arith.index_cast %get3A_800 : i32 to index
      %get3A_806 = arith.constant 16 : index
      %get3A_807 = tpu.vector_load %get3A_804[%get3A_805, %get3A_806] {strides = array<i32>} : memref<280x128xf32, #tpu.memory_space<vmem>>, vector<16xf32>,
      %mul3A_808 = vector.broadcast %squeeze3A_786 : f32 to vector<16xf32>
      %mul3A_809 = arith.mulf %mul3A_808, %get3A_807 : vector<16xf32>
      %add3A_810 = arith.addf %broadcast_in_dim3A_778, %mul3A_809 : vector<16xf32>
      %slice3A_811 = vector.extract_strided_slice %div3A_768 {offsets = [1], sizes = [1], strides = [1]} : vector<16xf32> to vector<1xf32>
      %squeeze3A_812 = vector.extract %slice3A_811[0] : f32 from vector<1xf32>
      %get3A_813 = arith.constant 1 : i32
      %get3A_814 = arith.constant 2 : i32
      %get3A_815 = arith.constant 0 : i32
      %get3A_816 = arith.constant 0 : i32
      %get3A_817 = tpu.memref_slice %arg7[%get3A_813, %get3A_815, %get3A_816] : memref<2x280x128xf32, #tpu.memory_space<vmem>> -> memref<1x280x128xf32, #tpu.memory_space<vmem>>
      %get3A_818 = tpu.memref_squeeze %get3A_817 : memref<1x280x128xf32, #tpu.memory_space<vmem>> -> memref<280x128xf32, #tpu.memory_space<vmem>>
      %get3A_819 = arith.index_cast %get3A_814 : i32 to index
      %get3A_820 = arith.constant 0 : index
      %get3A_821 = tpu.vector_load %get3A_818[%get3A_819, %get3A_820] {strides = array<i32>} : memref<280x128xf32, #tpu.memory_space<vmem>>, vector<16xf32>,
      %mul3A_822 = vector.broadcast %squeeze3A_812 : f32 to vector<16xf32>
      %mul3A_823 = arith.mulf %mul3A_822, %get3A_821 : vector<16xf32>
      %add3A_824 = arith.addf %broadcast_in_dim3A_772, %mul3A_823 : vector<16xf32>
      %get3A_825 = arith.constant 1 : i32
      %get3A_826 = arith.constant 2 : i32
      %get3A_827 = arith.constant 0 : i32
      %get3A_828 = arith.constant 0 : i32
      %get3A_829 = tpu.memref_slice %arg7[%get3A_825, %get3A_827, %get3A_828] : memref<2x280x128xf32, #tpu.memory_space<vmem>> -> memref<1x280x128xf32, #tpu.memory_space<vmem>>
      %get3A_830 = tpu.memref_squeeze %get3A_829 : memref<1x280x128xf32, #tpu.memory_space<vmem>> -> memref<280x128xf32, #tpu.memory_space<vmem>>
      %get3A_831 = arith.index_cast %get3A_826 : i32 to index
      %get3A_832 = arith.constant 16 : index
      %get3A_833 = tpu.vector_load %get3A_830[%get3A_831, %get3A_832] {strides = array<i32>} : memref<280x128xf32, #tpu.memory_space<vmem>>, vector<16xf32>,
      %mul3A_834 = vector.broadcast %squeeze3A_812 : f32 to vector<16xf32>
      %mul3A_835 = arith.mulf %mul3A_834, %get3A_833 : vector<16xf32>
      %add3A_836 = arith.addf %broadcast_in_dim3A_780, %mul3A_835 : vector<16xf32>
      %slice3A_837 = vector.extract_strided_slice %div3A_768 {offsets = [2], sizes = [1], strides = [1]} : vector<16xf32> to vector<1xf32>
      %squeeze3A_838 = vector.extract %slice3A_837[0] : f32 from vector<1xf32>
      %get3A_839 = arith.constant 1 : i32
      %get3A_840 = arith.constant 3 : i32
      %get3A_841 = arith.constant 0 : i32
      %get3A_842 = arith.constant 0 : i32
      %get3A_843 = tpu.memref_slice %arg7[%get3A_839, %get3A_841, %get3A_842] : memref<2x280x128xf32, #tpu.memory_space<vmem>> -> memref<1x280x128xf32, #tpu.memory_space<vmem>>
      %get3A_844 = tpu.memref_squeeze %get3A_843 : memref<1x280x128xf32, #tpu.memory_space<vmem>> -> memref<280x128xf32, #tpu.memory_space<vmem>>
      %get3A_845 = arith.index_cast %get3A_840 : i32 to index
      %get3A_846 = arith.constant 0 : index
      %get3A_847 = tpu.vector_load %get3A_844[%get3A_845, %get3A_846] {strides = array<i32>} : memref<280x128xf32, #tpu.memory_space<vmem>>, vector<16xf32>,
      %mul3A_848 = vector.broadcast %squeeze3A_838 : f32 to vector<16xf32>
      %mul3A_849 = arith.mulf %mul3A_848, %get3A_847 : vector<16xf32>
      %add3A_850 = arith.addf %broadcast_in_dim3A_774, %mul3A_849 : vector<16xf32>
      %get3A_851 = arith.constant 1 : i32
      %get3A_852 = arith.constant 3 : i32
      %get3A_853 = arith.constant 0 : i32
      %get3A_854 = arith.constant 0 : i32
      %get3A_855 = tpu.memref_slice %arg7[%get3A_851, %get3A_853, %get3A_854] : memref<2x280x128xf32, #tpu.memory_space<vmem>> -> memref<1x280x128xf32, #tpu.memory_space<vmem>>
      %get3A_856 = tpu.memref_squeeze %get3A_855 : memref<1x280x128xf32, #tpu.memory_space<vmem>> -> memref<280x128xf32, #tpu.memory_space<vmem>>
      %get3A_857 = arith.index_cast %get3A_852 : i32 to index
      %get3A_858 = arith.constant 16 : index
      %get3A_859 = tpu.vector_load %get3A_856[%get3A_857, %get3A_858] {strides = array<i32>} : memref<280x128xf32, #tpu.memory_space<vmem>>, vector<16xf32>,
      %mul3A_860 = vector.broadcast %squeeze3A_838 : f32 to vector<16xf32>
      %mul3A_861 = arith.mulf %mul3A_860, %get3A_859 : vector<16xf32>
      %add3A_862 = arith.addf %broadcast_in_dim3A_782, %mul3A_861 : vector<16xf32>
      %slice3A_863 = vector.extract_strided_slice %div3A_768 {offsets = [3], sizes = [1], strides = [1]} : vector<16xf32> to vector<1xf32>
      %squeeze3A_864 = vector.extract %slice3A_863[0] : f32 from vector<1xf32>
      %get3A_865 = arith.constant 1 : i32
      %get3A_866 = arith.constant 4 : i32
      %get3A_867 = arith.constant 0 : i32
      %get3A_868 = arith.constant 0 : i32
      %get3A_869 = tpu.memref_slice %arg7[%get3A_865, %get3A_867, %get3A_868] : memref<2x280x128xf32, #tpu.memory_space<vmem>> -> memref<1x280x128xf32, #tpu.memory_space<vmem>>
      %get3A_870 = tpu.memref_squeeze %get3A_869 : memref<1x280x128xf32, #tpu.memory_space<vmem>> -> memref<280x128xf32, #tpu.memory_space<vmem>>
      %get3A_871 = arith.index_cast %get3A_866 : i32 to index
      %get3A_872 = arith.constant 0 : index
      %get3A_873 = tpu.vector_load %get3A_870[%get3A_871, %get3A_872] {strides = array<i32>} : memref<280x128xf32, #tpu.memory_space<vmem>>, vector<16xf32>,
      %mul3A_874 = vector.broadcast %squeeze3A_864 : f32 to vector<16xf32>
      %mul3A_875 = arith.mulf %mul3A_874, %get3A_873 : vector<16xf32>
      %add3A_876 = arith.addf %broadcast_in_dim3A_776, %mul3A_875 : vector<16xf32>
      %get3A_877 = arith.constant 1 : i32
      %get3A_878 = arith.constant 4 : i32
      %get3A_879 = arith.constant 0 : i32
      %get3A_880 = arith.constant 0 : i32
      %get3A_881 = tpu.memref_slice %arg7[%get3A_877, %get3A_879, %get3A_880] : memref<2x280x128xf32, #tpu.memory_space<vmem>> -> memref<1x280x128xf32, #tpu.memory_space<vmem>>
      %get3A_882 = tpu.memref_squeeze %get3A_881 : memref<1x280x128xf32, #tpu.memory_space<vmem>> -> memref<280x128xf32, #tpu.memory_space<vmem>>
      %get3A_883 = arith.index_cast %get3A_878 : i32 to index
      %get3A_884 = arith.constant 16 : index
      %get3A_885 = tpu.vector_load %get3A_882[%get3A_883, %get3A_884] {strides = array<i32>} : memref<280x128xf32, #tpu.memory_space<vmem>>, vector<16xf32>,
      %mul3A_886 = vector.broadcast %squeeze3A_864 : f32 to vector<16xf32>
      %mul3A_887 = arith.mulf %mul3A_886, %get3A_885 : vector<16xf32>
      %add3A_888 = arith.addf %broadcast_in_dim3A_784, %mul3A_887 : vector<16xf32>
      %slice3A_889 = vector.extract_strided_slice %div3A_768 {offsets = [4], sizes = [1], strides = [1]} : vector<16xf32> to vector<1xf32>
      %squeeze3A_890 = vector.extract %slice3A_889[0] : f32 from vector<1xf32>
      %get3A_891 = arith.constant 1 : i32
      %get3A_892 = arith.constant 5 : i32
      %get3A_893 = arith.constant 0 : i32
      %get3A_894 = arith.constant 0 : i32
      %get3A_895 = tpu.memref_slice %arg7[%get3A_891, %get3A_893, %get3A_894] : memref<2x280x128xf32, #tpu.memory_space<vmem>> -> memref<1x280x128xf32, #tpu.memory_space<vmem>>
      %get3A_896 = tpu.memref_squeeze %get3A_895 : memref<1x280x128xf32, #tpu.memory_space<vmem>> -> memref<280x128xf32, #tpu.memory_space<vmem>>
      %get3A_897 = arith.index_cast %get3A_892 : i32 to index
      %get3A_898 = arith.constant 0 : index
      %get3A_899 = tpu.vector_load %get3A_896[%get3A_897, %get3A_898] {strides = array<i32>} : memref<280x128xf32, #tpu.memory_space<vmem>>, vector<16xf32>,
      %mul3A_900 = vector.broadcast %squeeze3A_890 : f32 to vector<16xf32>
      %mul3A_901 = arith.mulf %mul3A_900, %get3A_899 : vector<16xf32>
      %add3A_902 = arith.addf %add3A_798, %mul3A_901 : vector<16xf32>
      %get3A_903 = arith.constant 1 : i32
      %get3A_904 = arith.constant 5 : i32
      %get3A_905 = arith.constant 0 : i32
      %get3A_906 = arith.constant 0 : i32
      %get3A_907 = tpu.memref_slice %arg7[%get3A_903, %get3A_905, %get3A_906] : memref<2x280x128xf32, #tpu.memory_space<vmem>> -> memref<1x280x128xf32, #tpu.memory_space<vmem>>
      %get3A_908 = tpu.memref_squeeze %get3A_907 : memref<1x280x128xf32, #tpu.memory_space<vmem>> -> memref<280x128xf32, #tpu.memory_space<vmem>>
      %get3A_909 = arith.index_cast %get3A_904 : i32 to index
      %get3A_910 = arith.constant 16 : index
      %get3A_911 = tpu.vector_load %get3A_908[%get3A_909, %get3A_910] {strides = array<i32>} : memref<280x128xf32, #tpu.memory_space<vmem>>, vector<16xf32>,
      %mul3A_912 = vector.broadcast %squeeze3A_890 : f32 to vector<16xf32>
      %mul3A_913 = arith.mulf %mul3A_912, %get3A_911 : vector<16xf32>
      %add3A_914 = arith.addf %add3A_810, %mul3A_913 : vector<16xf32>
      %slice3A_915 = vector.extract_strided_slice %div3A_768 {offsets = [5], sizes = [1], strides = [1]} : vector<16xf32> to vector<1xf32>
      %squeeze3A_916 = vector.extract %slice3A_915[0] : f32 from vector<1xf32>
      %get3A_917 = arith.constant 1 : i32
      %get3A_918 = arith.constant 6 : i32
      %get3A_919 = arith.constant 0 : i32
      %get3A_920 = arith.constant 0 : i32
      %get3A_921 = tpu.memref_slice %arg7[%get3A_917, %get3A_919, %get3A_920] : memref<2x280x128xf32, #tpu.memory_space<vmem>> -> memref<1x280x128xf32, #tpu.memory_space<vmem>>
      %get3A_922 = tpu.memref_squeeze %get3A_921 : memref<1x280x128xf32, #tpu.memory_space<vmem>> -> memref<280x128xf32, #tpu.memory_space<vmem>>
      %get3A_923 = arith.index_cast %get3A_918 : i32 to index
      %get3A_924 = arith.constant 0 : index
      %get3A_925 = tpu.vector_load %get3A_922[%get3A_923, %get3A_924] {strides = array<i32>} : memref<280x128xf32, #tpu.memory_space<vmem>>, vector<16xf32>,
      %mul3A_926 = vector.broadcast %squeeze3A_916 : f32 to vector<16xf32>
      %mul3A_927 = arith.mulf %mul3A_926, %get3A_925 : vector<16xf32>
      %add3A_928 = arith.addf %add3A_824, %mul3A_927 : vector<16xf32>
      %get3A_929 = arith.constant 1 : i32
      %get3A_930 = arith.constant 6 : i32
      %get3A_931 = arith.constant 0 : i32
      %get3A_932 = arith.constant 0 : i32
      %get3A_933 = tpu.memref_slice %arg7[%get3A_929, %get3A_931, %get3A_932] : memref<2x280x128xf32, #tpu.memory_space<vmem>> -> memref<1x280x128xf32, #tpu.memory_space<vmem>>
      %get3A_934 = tpu.memref_squeeze %get3A_933 : memref<1x280x128xf32, #tpu.memory_space<vmem>> -> memref<280x128xf32, #tpu.memory_space<vmem>>
      %get3A_935 = arith.index_cast %get3A_930 : i32 to index
      %get3A_936 = arith.constant 16 : index
      %get3A_937 = tpu.vector_load %get3A_934[%get3A_935, %get3A_936] {strides = array<i32>} : memref<280x128xf32, #tpu.memory_space<vmem>>, vector<16xf32>,
      %mul3A_938 = vector.broadcast %squeeze3A_916 : f32 to vector<16xf32>
      %mul3A_939 = arith.mulf %mul3A_938, %get3A_937 : vector<16xf32>
      %add3A_940 = arith.addf %add3A_836, %mul3A_939 : vector<16xf32>
      %slice3A_941 = vector.extract_strided_slice %div3A_768 {offsets = [6], sizes = [1], strides = [1]} : vector<16xf32> to vector<1xf32>
      %squeeze3A_942 = vector.extract %slice3A_941[0] : f32 from vector<1xf32>
      %get3A_943 = arith.constant 1 : i32
      %get3A_944 = arith.constant 7 : i32
      %get3A_945 = arith.constant 0 : i32
      %get3A_946 = arith.constant 0 : i32
      %get3A_947 = tpu.memref_slice %arg7[%get3A_943, %get3A_945, %get3A_946] : memref<2x280x128xf32, #tpu.memory_space<vmem>> -> memref<1x280x128xf32, #tpu.memory_space<vmem>>
      %get3A_948 = tpu.memref_squeeze %get3A_947 : memref<1x280x128xf32, #tpu.memory_space<vmem>> -> memref<280x128xf32, #tpu.memory_space<vmem>>
      %get3A_949 = arith.index_cast %get3A_944 : i32 to index
      %get3A_950 = arith.constant 0 : index
      %get3A_951 = tpu.vector_load %get3A_948[%get3A_949, %get3A_950] {strides = array<i32>} : memref<280x128xf32, #tpu.memory_space<vmem>>, vector<16xf32>,
      %mul3A_952 = vector.broadcast %squeeze3A_942 : f32 to vector<16xf32>
      %mul3A_953 = arith.mulf %mul3A_952, %get3A_951 : vector<16xf32>
      %add3A_954 = arith.addf %add3A_850, %mul3A_953 : vector<16xf32>
      %get3A_955 = arith.constant 1 : i32
      %get3A_956 = arith.constant 7 : i32
      %get3A_957 = arith.constant 0 : i32
      %get3A_958 = arith.constant 0 : i32
      %get3A_959 = tpu.memref_slice %arg7[%get3A_955, %get3A_957, %get3A_958] : memref<2x280x128xf32, #tpu.memory_space<vmem>> -> memref<1x280x128xf32, #tpu.memory_space<vmem>>
      %get3A_960 = tpu.memref_squeeze %get3A_959 : memref<1x280x128xf32, #tpu.memory_space<vmem>> -> memref<280x128xf32, #tpu.memory_space<vmem>>
      %get3A_961 = arith.index_cast %get3A_956 : i32 to index
      %get3A_962 = arith.constant 16 : index
      %get3A_963 = tpu.vector_load %get3A_960[%get3A_961, %get3A_962] {strides = array<i32>} : memref<280x128xf32, #tpu.memory_space<vmem>>, vector<16xf32>,
      %mul3A_964 = vector.broadcast %squeeze3A_942 : f32 to vector<16xf32>
      %mul3A_965 = arith.mulf %mul3A_964, %get3A_963 : vector<16xf32>
      %add3A_966 = arith.addf %add3A_862, %mul3A_965 : vector<16xf32>
      %slice3A_967 = vector.extract_strided_slice %div3A_768 {offsets = [7], sizes = [1], strides = [1]} : vector<16xf32> to vector<1xf32>
      %squeeze3A_968 = vector.extract %slice3A_967[0] : f32 from vector<1xf32>
      %get3A_969 = arith.constant 1 : i32
      %get3A_970 = arith.constant 8 : i32
      %get3A_971 = arith.constant 0 : i32
      %get3A_972 = arith.constant 0 : i32
      %get3A_973 = tpu.memref_slice %arg7[%get3A_969, %get3A_971, %get3A_972] : memref<2x280x128xf32, #tpu.memory_space<vmem>> -> memref<1x280x128xf32, #tpu.memory_space<vmem>>
      %get3A_974 = tpu.memref_squeeze %get3A_973 : memref<1x280x128xf32, #tpu.memory_space<vmem>> -> memref<280x128xf32, #tpu.memory_space<vmem>>
      %get3A_975 = arith.index_cast %get3A_970 : i32 to index
      %get3A_976 = arith.constant 0 : index
      %get3A_977 = tpu.vector_load %get3A_974[%get3A_975, %get3A_976] {strides = array<i32>} : memref<280x128xf32, #tpu.memory_space<vmem>>, vector<16xf32>,
      %mul3A_978 = vector.broadcast %squeeze3A_968 : f32 to vector<16xf32>
      %mul3A_979 = arith.mulf %mul3A_978, %get3A_977 : vector<16xf32>
      %add3A_980 = arith.addf %add3A_876, %mul3A_979 : vector<16xf32>
      %get3A_981 = arith.constant 1 : i32
      %get3A_982 = arith.constant 8 : i32
      %get3A_983 = arith.constant 0 : i32
      %get3A_984 = arith.constant 0 : i32
      %get3A_985 = tpu.memref_slice %arg7[%get3A_981, %get3A_983, %get3A_984] : memref<2x280x128xf32, #tpu.memory_space<vmem>> -> memref<1x280x128xf32, #tpu.memory_space<vmem>>
      %get3A_986 = tpu.memref_squeeze %get3A_985 : memref<1x280x128xf32, #tpu.memory_space<vmem>> -> memref<280x128xf32, #tpu.memory_space<vmem>>
      %get3A_987 = arith.index_cast %get3A_982 : i32 to index
      %get3A_988 = arith.constant 16 : index
      %get3A_989 = tpu.vector_load %get3A_986[%get3A_987, %get3A_988] {strides = array<i32>} : memref<280x128xf32, #tpu.memory_space<vmem>>, vector<16xf32>,
      %mul3A_990 = vector.broadcast %squeeze3A_968 : f32 to vector<16xf32>
      %mul3A_991 = arith.mulf %mul3A_990, %get3A_989 : vector<16xf32>
      %add3A_992 = arith.addf %add3A_888, %mul3A_991 : vector<16xf32>
      %slice3A_993 = vector.extract_strided_slice %div3A_768 {offsets = [8], sizes = [1], strides = [1]} : vector<16xf32> to vector<1xf32>
      %squeeze3A_994 = vector.extract %slice3A_993[0] : f32 from vector<1xf32>
      %get3A_995 = arith.constant 1 : i32
      %get3A_996 = arith.constant 9 : i32
      %get3A_997 = arith.constant 0 : i32
      %get3A_998 = arith.constant 0 : i32
      %get3A_999 = tpu.memref_slice %arg7[%get3A_995, %get3A_997, %get3A_998] : memref<2x280x128xf32, #tpu.memory_space<vmem>> -> memref<1x280x128xf32, #tpu.memory_space<vmem>>
      %get3A_1000 = tpu.memref_squeeze %get3A_999 : memref<1x280x128xf32, #tpu.memory_space<vmem>> -> memref<280x128xf32, #tpu.memory_space<vmem>>
      %get3A_1001 = arith.index_cast %get3A_996 : i32 to index
      %get3A_1002 = arith.constant 0 : index
      %get3A_1003 = tpu.vector_load %get3A_1000[%get3A_1001, %get3A_1002] {strides = array<i32>} : memref<280x128xf32, #tpu.memory_space<vmem>>, vector<16xf32>,
      %mul3A_1004 = vector.broadcast %squeeze3A_994 : f32 to vector<16xf32>
      %mul3A_1005 = arith.mulf %mul3A_1004, %get3A_1003 : vector<16xf32>
      %add3A_1006 = arith.addf %add3A_902, %mul3A_1005 : vector<16xf32>
      %get3A_1007 = arith.constant 1 : i32
      %get3A_1008 = arith.constant 9 : i32
      %get3A_1009 = arith.constant 0 : i32
      %get3A_1010 = arith.constant 0 : i32
      %get3A_1011 = tpu.memref_slice %arg7[%get3A_1007, %get3A_1009, %get3A_1010] : memref<2x280x128xf32, #tpu.memory_space<vmem>> -> memref<1x280x128xf32, #tpu.memory_space<vmem>>
      %get3A_1012 = tpu.memref_squeeze %get3A_1011 : memref<1x280x128xf32, #tpu.memory_space<vmem>> -> memref<280x128xf32, #tpu.memory_space<vmem>>
      %get3A_1013 = arith.index_cast %get3A_1008 : i32 to index
      %get3A_1014 = arith.constant 16 : index
      %get3A_1015 = tpu.vector_load %get3A_1012[%get3A_1013, %get3A_1014] {strides = array<i32>} : memref<280x128xf32, #tpu.memory_space<vmem>>, vector<16xf32>,
      %mul3A_1016 = vector.broadcast %squeeze3A_994 : f32 to vector<16xf32>
      %mul3A_1017 = arith.mulf %mul3A_1016, %get3A_1015 : vector<16xf32>
      %add3A_1018 = arith.addf %add3A_914, %mul3A_1017 : vector<16xf32>
      %slice3A_1019 = vector.extract_strided_slice %div3A_768 {offsets = [9], sizes = [1], strides = [1]} : vector<16xf32> to vector<1xf32>
      %squeeze3A_1020 = vector.extract %slice3A_1019[0] : f32 from vector<1xf32>
      %get3A_1021 = arith.constant 1 : i32
      %get3A_1022 = arith.constant 10 : i32
      %get3A_1023 = arith.constant 0 : i32
      %get3A_1024 = arith.constant 0 : i32
      %get3A_1025 = tpu.memref_slice %arg7[%get3A_1021, %get3A_1023, %get3A_1024] : memref<2x280x128xf32, #tpu.memory_space<vmem>> -> memref<1x280x128xf32, #tpu.memory_space<vmem>>
      %get3A_1026 = tpu.memref_squeeze %get3A_1025 : memref<1x280x128xf32, #tpu.memory_space<vmem>> -> memref<280x128xf32, #tpu.memory_space<vmem>>
      %get3A_1027 = arith.index_cast %get3A_1022 : i32 to index
      %get3A_1028 = arith.constant 0 : index
      %get3A_1029 = tpu.vector_load %get3A_1026[%get3A_1027, %get3A_1028] {strides = array<i32>} : memref<280x128xf32, #tpu.memory_space<vmem>>, vector<16xf32>,
      %mul3A_1030 = vector.broadcast %squeeze3A_1020 : f32 to vector<16xf32>
      %mul3A_1031 = arith.mulf %mul3A_1030, %get3A_1029 : vector<16xf32>
      %add3A_1032 = arith.addf %add3A_928, %mul3A_1031 : vector<16xf32>
      %get3A_1033 = arith.constant 1 : i32
      %get3A_1034 = arith.constant 10 : i32
      %get3A_1035 = arith.constant 0 : i32
      %get3A_1036 = arith.constant 0 : i32
      %get3A_1037 = tpu.memref_slice %arg7[%get3A_1033, %get3A_1035, %get3A_1036] : memref<2x280x128xf32, #tpu.memory_space<vmem>> -> memref<1x280x128xf32, #tpu.memory_space<vmem>>
      %get3A_1038 = tpu.memref_squeeze %get3A_1037 : memref<1x280x128xf32, #tpu.memory_space<vmem>> -> memref<280x128xf32, #tpu.memory_space<vmem>>
      %get3A_1039 = arith.index_cast %get3A_1034 : i32 to index
      %get3A_1040 = arith.constant 16 : index
      %get3A_1041 = tpu.vector_load %get3A_1038[%get3A_1039, %get3A_1040] {strides = array<i32>} : memref<280x128xf32, #tpu.memory_space<vmem>>, vector<16xf32>,
      %mul3A_1042 = vector.broadcast %squeeze3A_1020 : f32 to vector<16xf32>
      %mul3A_1043 = arith.mulf %mul3A_1042, %get3A_1041 : vector<16xf32>
      %add3A_1044 = arith.addf %add3A_940, %mul3A_1043 : vector<16xf32>
      %slice3A_1045 = vector.extract_strided_slice %div3A_768 {offsets = [10], sizes = [1], strides = [1]} : vector<16xf32> to vector<1xf32>
      %squeeze3A_1046 = vector.extract %slice3A_1045[0] : f32 from vector<1xf32>
      %get3A_1047 = arith.constant 1 : i32
      %get3A_1048 = arith.constant 11 : i32
      %get3A_1049 = arith.constant 0 : i32
      %get3A_1050 = arith.constant 0 : i32
      %get3A_1051 = tpu.memref_slice %arg7[%get3A_1047, %get3A_1049, %get3A_1050] : memref<2x280x128xf32, #tpu.memory_space<vmem>> -> memref<1x280x128xf32, #tpu.memory_space<vmem>>
      %get3A_1052 = tpu.memref_squeeze %get3A_1051 : memref<1x280x128xf32, #tpu.memory_space<vmem>> -> memref<280x128xf32, #tpu.memory_space<vmem>>
      %get3A_1053 = arith.index_cast %get3A_1048 : i32 to index
      %get3A_1054 = arith.constant 0 : index
      %get3A_1055 = tpu.vector_load %get3A_1052[%get3A_1053, %get3A_1054] {strides = array<i32>} : memref<280x128xf32, #tpu.memory_space<vmem>>, vector<16xf32>,
      %mul3A_1056 = vector.broadcast %squeeze3A_1046 : f32 to vector<16xf32>
      %mul3A_1057 = arith.mulf %mul3A_1056, %get3A_1055 : vector<16xf32>
      %add3A_1058 = arith.addf %add3A_954, %mul3A_1057 : vector<16xf32>
      %get3A_1059 = arith.constant 1 : i32
      %get3A_1060 = arith.constant 11 : i32
      %get3A_1061 = arith.constant 0 : i32
      %get3A_1062 = arith.constant 0 : i32
      %get3A_1063 = tpu.memref_slice %arg7[%get3A_1059, %get3A_1061, %get3A_1062] : memref<2x280x128xf32, #tpu.memory_space<vmem>> -> memref<1x280x128xf32, #tpu.memory_space<vmem>>
      %get3A_1064 = tpu.memref_squeeze %get3A_1063 : memref<1x280x128xf32, #tpu.memory_space<vmem>> -> memref<280x128xf32, #tpu.memory_space<vmem>>
      %get3A_1065 = arith.index_cast %get3A_1060 : i32 to index
      %get3A_1066 = arith.constant 16 : index
      %get3A_1067 = tpu.vector_load %get3A_1064[%get3A_1065, %get3A_1066] {strides = array<i32>} : memref<280x128xf32, #tpu.memory_space<vmem>>, vector<16xf32>,
      %mul3A_1068 = vector.broadcast %squeeze3A_1046 : f32 to vector<16xf32>
      %mul3A_1069 = arith.mulf %mul3A_1068, %get3A_1067 : vector<16xf32>
      %add3A_1070 = arith.addf %add3A_966, %mul3A_1069 : vector<16xf32>
      %slice3A_1071 = vector.extract_strided_slice %div3A_768 {offsets = [11], sizes = [1], strides = [1]} : vector<16xf32> to vector<1xf32>
      %squeeze3A_1072 = vector.extract %slice3A_1071[0] : f32 from vector<1xf32>
      %get3A_1073 = arith.constant 1 : i32
      %get3A_1074 = arith.constant 12 : i32
      %get3A_1075 = arith.constant 0 : i32
      %get3A_1076 = arith.constant 0 : i32
      %get3A_1077 = tpu.memref_slice %arg7[%get3A_1073, %get3A_1075, %get3A_1076] : memref<2x280x128xf32, #tpu.memory_space<vmem>> -> memref<1x280x128xf32, #tpu.memory_space<vmem>>
      %get3A_1078 = tpu.memref_squeeze %get3A_1077 : memref<1x280x128xf32, #tpu.memory_space<vmem>> -> memref<280x128xf32, #tpu.memory_space<vmem>>
      %get3A_1079 = arith.index_cast %get3A_1074 : i32 to index
      %get3A_1080 = arith.constant 0 : index
      %get3A_1081 = tpu.vector_load %get3A_1078[%get3A_1079, %get3A_1080] {strides = array<i32>} : memref<280x128xf32, #tpu.memory_space<vmem>>, vector<16xf32>,
      %mul3A_1082 = vector.broadcast %squeeze3A_1072 : f32 to vector<16xf32>
      %mul3A_1083 = arith.mulf %mul3A_1082, %get3A_1081 : vector<16xf32>
      %add3A_1084 = arith.addf %add3A_980, %mul3A_1083 : vector<16xf32>
      %get3A_1085 = arith.constant 1 : i32
      %get3A_1086 = arith.constant 12 : i32
      %get3A_1087 = arith.constant 0 : i32
      %get3A_1088 = arith.constant 0 : i32
      %get3A_1089 = tpu.memref_slice %arg7[%get3A_1085, %get3A_1087, %get3A_1088] : memref<2x280x128xf32, #tpu.memory_space<vmem>> -> memref<1x280x128xf32, #tpu.memory_space<vmem>>
      %get3A_1090 = tpu.memref_squeeze %get3A_1089 : memref<1x280x128xf32, #tpu.memory_space<vmem>> -> memref<280x128xf32, #tpu.memory_space<vmem>>
      %get3A_1091 = arith.index_cast %get3A_1086 : i32 to index
      %get3A_1092 = arith.constant 16 : index
      %get3A_1093 = tpu.vector_load %get3A_1090[%get3A_1091, %get3A_1092] {strides = array<i32>} : memref<280x128xf32, #tpu.memory_space<vmem>>, vector<16xf32>,
      %mul3A_1094 = vector.broadcast %squeeze3A_1072 : f32 to vector<16xf32>
      %mul3A_1095 = arith.mulf %mul3A_1094, %get3A_1093 : vector<16xf32>
      %add3A_1096 = arith.addf %add3A_992, %mul3A_1095 : vector<16xf32>
      %slice3A_1097 = vector.extract_strided_slice %div3A_768 {offsets = [12], sizes = [1], strides = [1]} : vector<16xf32> to vector<1xf32>
      %squeeze3A_1098 = vector.extract %slice3A_1097[0] : f32 from vector<1xf32>
      %get3A_1099 = arith.constant 1 : i32
      %get3A_1100 = arith.constant 13 : i32
      %get3A_1101 = arith.constant 0 : i32
      %get3A_1102 = arith.constant 0 : i32
      %get3A_1103 = tpu.memref_slice %arg7[%get3A_1099, %get3A_1101, %get3A_1102] : memref<2x280x128xf32, #tpu.memory_space<vmem>> -> memref<1x280x128xf32, #tpu.memory_space<vmem>>
      %get3A_1104 = tpu.memref_squeeze %get3A_1103 : memref<1x280x128xf32, #tpu.memory_space<vmem>> -> memref<280x128xf32, #tpu.memory_space<vmem>>
      %get3A_1105 = arith.index_cast %get3A_1100 : i32 to index
      %get3A_1106 = arith.constant 0 : index
      %get3A_1107 = tpu.vector_load %get3A_1104[%get3A_1105, %get3A_1106] {strides = array<i32>} : memref<280x128xf32, #tpu.memory_space<vmem>>, vector<16xf32>,
      %mul3A_1108 = vector.broadcast %squeeze3A_1098 : f32 to vector<16xf32>
      %mul3A_1109 = arith.mulf %mul3A_1108, %get3A_1107 : vector<16xf32>
      %add3A_1110 = arith.addf %add3A_1006, %mul3A_1109 : vector<16xf32>
      %get3A_1111 = arith.constant 1 : i32
      %get3A_1112 = arith.constant 13 : i32
      %get3A_1113 = arith.constant 0 : i32
      %get3A_1114 = arith.constant 0 : i32
      %get3A_1115 = tpu.memref_slice %arg7[%get3A_1111, %get3A_1113, %get3A_1114] : memref<2x280x128xf32, #tpu.memory_space<vmem>> -> memref<1x280x128xf32, #tpu.memory_space<vmem>>
      %get3A_1116 = tpu.memref_squeeze %get3A_1115 : memref<1x280x128xf32, #tpu.memory_space<vmem>> -> memref<280x128xf32, #tpu.memory_space<vmem>>
      %get3A_1117 = arith.index_cast %get3A_1112 : i32 to index
      %get3A_1118 = arith.constant 16 : index
      %get3A_1119 = tpu.vector_load %get3A_1116[%get3A_1117, %get3A_1118] {strides = array<i32>} : memref<280x128xf32, #tpu.memory_space<vmem>>, vector<16xf32>,
      %mul3A_1120 = vector.broadcast %squeeze3A_1098 : f32 to vector<16xf32>
      %mul3A_1121 = arith.mulf %mul3A_1120, %get3A_1119 : vector<16xf32>
      %add3A_1122 = arith.addf %add3A_1018, %mul3A_1121 : vector<16xf32>
      %slice3A_1123 = vector.extract_strided_slice %div3A_768 {offsets = [13], sizes = [1], strides = [1]} : vector<16xf32> to vector<1xf32>
      %squeeze3A_1124 = vector.extract %slice3A_1123[0] : f32 from vector<1xf32>
      %get3A_1125 = arith.constant 1 : i32
      %get3A_1126 = arith.constant 14 : i32
      %get3A_1127 = arith.constant 0 : i32
      %get3A_1128 = arith.constant 0 : i32
      %get3A_1129 = tpu.memref_slice %arg7[%get3A_1125, %get3A_1127, %get3A_1128] : memref<2x280x128xf32, #tpu.memory_space<vmem>> -> memref<1x280x128xf32, #tpu.memory_space<vmem>>
      %get3A_1130 = tpu.memref_squeeze %get3A_1129 : memref<1x280x128xf32, #tpu.memory_space<vmem>> -> memref<280x128xf32, #tpu.memory_space<vmem>>
      %get3A_1131 = arith.index_cast %get3A_1126 : i32 to index
      %get3A_1132 = arith.constant 0 : index
      %get3A_1133 = tpu.vector_load %get3A_1130[%get3A_1131, %get3A_1132] {strides = array<i32>} : memref<280x128xf32, #tpu.memory_space<vmem>>, vector<16xf32>,
      %mul3A_1134 = vector.broadcast %squeeze3A_1124 : f32 to vector<16xf32>
      %mul3A_1135 = arith.mulf %mul3A_1134, %get3A_1133 : vector<16xf32>
      %add3A_1136 = arith.addf %add3A_1032, %mul3A_1135 : vector<16xf32>
      %get3A_1137 = arith.constant 1 : i32
      %get3A_1138 = arith.constant 14 : i32
      %get3A_1139 = arith.constant 0 : i32
      %get3A_1140 = arith.constant 0 : i32
      %get3A_1141 = tpu.memref_slice %arg7[%get3A_1137, %get3A_1139, %get3A_1140] : memref<2x280x128xf32, #tpu.memory_space<vmem>> -> memref<1x280x128xf32, #tpu.memory_space<vmem>>
      %get3A_1142 = tpu.memref_squeeze %get3A_1141 : memref<1x280x128xf32, #tpu.memory_space<vmem>> -> memref<280x128xf32, #tpu.memory_space<vmem>>
      %get3A_1143 = arith.index_cast %get3A_1138 : i32 to index
      %get3A_1144 = arith.constant 16 : index
      %get3A_1145 = tpu.vector_load %get3A_1142[%get3A_1143, %get3A_1144] {strides = array<i32>} : memref<280x128xf32, #tpu.memory_space<vmem>>, vector<16xf32>,
      %mul3A_1146 = vector.broadcast %squeeze3A_1124 : f32 to vector<16xf32>
      %mul3A_1147 = arith.mulf %mul3A_1146, %get3A_1145 : vector<16xf32>
      %add3A_1148 = arith.addf %add3A_1044, %mul3A_1147 : vector<16xf32>
      %slice3A_1149 = vector.extract_strided_slice %div3A_768 {offsets = [14], sizes = [1], strides = [1]} : vector<16xf32> to vector<1xf32>
      %squeeze3A_1150 = vector.extract %slice3A_1149[0] : f32 from vector<1xf32>
      %get3A_1151 = arith.constant 1 : i32
      %get3A_1152 = arith.constant 15 : i32
      %get3A_1153 = arith.constant 0 : i32
      %get3A_1154 = arith.constant 0 : i32
      %get3A_1155 = tpu.memref_slice %arg7[%get3A_1151, %get3A_1153, %get3A_1154] : memref<2x280x128xf32, #tpu.memory_space<vmem>> -> memref<1x280x128xf32, #tpu.memory_space<vmem>>
      %get3A_1156 = tpu.memref_squeeze %get3A_1155 : memref<1x280x128xf32, #tpu.memory_space<vmem>> -> memref<280x128xf32, #tpu.memory_space<vmem>>
      %get3A_1157 = arith.index_cast %get3A_1152 : i32 to index
      %get3A_1158 = arith.constant 0 : index
      %get3A_1159 = tpu.vector_load %get3A_1156[%get3A_1157, %get3A_1158] {strides = array<i32>} : memref<280x128xf32, #tpu.memory_space<vmem>>, vector<16xf32>,
      %mul3A_1160 = vector.broadcast %squeeze3A_1150 : f32 to vector<16xf32>
      %mul3A_1161 = arith.mulf %mul3A_1160, %get3A_1159 : vector<16xf32>
      %add3A_1162 = arith.addf %add3A_1058, %mul3A_1161 : vector<16xf32>
      %get3A_1163 = arith.constant 1 : i32
      %get3A_1164 = arith.constant 15 : i32
      %get3A_1165 = arith.constant 0 : i32
      %get3A_1166 = arith.constant 0 : i32
      %get3A_1167 = tpu.memref_slice %arg7[%get3A_1163, %get3A_1165, %get3A_1166] : memref<2x280x128xf32, #tpu.memory_space<vmem>> -> memref<1x280x128xf32, #tpu.memory_space<vmem>>
      %get3A_1168 = tpu.memref_squeeze %get3A_1167 : memref<1x280x128xf32, #tpu.memory_space<vmem>> -> memref<280x128xf32, #tpu.memory_space<vmem>>
      %get3A_1169 = arith.index_cast %get3A_1164 : i32 to index
      %get3A_1170 = arith.constant 16 : index
      %get3A_1171 = tpu.vector_load %get3A_1168[%get3A_1169, %get3A_1170] {strides = array<i32>} : memref<280x128xf32, #tpu.memory_space<vmem>>, vector<16xf32>,
      %mul3A_1172 = vector.broadcast %squeeze3A_1150 : f32 to vector<16xf32>
      %mul3A_1173 = arith.mulf %mul3A_1172, %get3A_1171 : vector<16xf32>
      %add3A_1174 = arith.addf %add3A_1070, %mul3A_1173 : vector<16xf32>
      %slice3A_1175 = vector.extract_strided_slice %div3A_768 {offsets = [15], sizes = [1], strides = [1]} : vector<16xf32> to vector<1xf32>
      %squeeze3A_1176 = vector.extract %slice3A_1175[0] : f32 from vector<1xf32>
      %get3A_1177 = arith.constant 1 : i32
      %get3A_1178 = arith.constant 16 : i32
      %get3A_1179 = arith.constant 0 : i32
      %get3A_1180 = arith.constant 0 : i32
      %get3A_1181 = tpu.memref_slice %arg7[%get3A_1177, %get3A_1179, %get3A_1180] : memref<2x280x128xf32, #tpu.memory_space<vmem>> -> memref<1x280x128xf32, #tpu.memory_space<vmem>>
      %get3A_1182 = tpu.memref_squeeze %get3A_1181 : memref<1x280x128xf32, #tpu.memory_space<vmem>> -> memref<280x128xf32, #tpu.memory_space<vmem>>
      %get3A_1183 = arith.index_cast %get3A_1178 : i32 to index
      %get3A_1184 = arith.constant 0 : index
      %get3A_1185 = tpu.vector_load %get3A_1182[%get3A_1183, %get3A_1184] {strides = array<i32>} : memref<280x128xf32, #tpu.memory_space<vmem>>, vector<16xf32>,
      %mul3A_1186 = vector.broadcast %squeeze3A_1176 : f32 to vector<16xf32>
      %mul3A_1187 = arith.mulf %mul3A_1186, %get3A_1185 : vector<16xf32>
      %add3A_1188 = arith.addf %add3A_1084, %mul3A_1187 : vector<16xf32>
      %get3A_1189 = arith.constant 1 : i32
      %get3A_1190 = arith.constant 16 : i32
      %get3A_1191 = arith.constant 0 : i32
      %get3A_1192 = arith.constant 0 : i32
      %get3A_1193 = tpu.memref_slice %arg7[%get3A_1189, %get3A_1191, %get3A_1192] : memref<2x280x128xf32, #tpu.memory_space<vmem>> -> memref<1x280x128xf32, #tpu.memory_space<vmem>>
      %get3A_1194 = tpu.memref_squeeze %get3A_1193 : memref<1x280x128xf32, #tpu.memory_space<vmem>> -> memref<280x128xf32, #tpu.memory_space<vmem>>
      %get3A_1195 = arith.index_cast %get3A_1190 : i32 to index
      %get3A_1196 = arith.constant 16 : index
      %get3A_1197 = tpu.vector_load %get3A_1194[%get3A_1195, %get3A_1196] {strides = array<i32>} : memref<280x128xf32, #tpu.memory_space<vmem>>, vector<16xf32>,
      %mul3A_1198 = vector.broadcast %squeeze3A_1176 : f32 to vector<16xf32>
      %mul3A_1199 = arith.mulf %mul3A_1198, %get3A_1197 : vector<16xf32>
      %add3A_1200 = arith.addf %add3A_1096, %mul3A_1199 : vector<16xf32>
      %add3A_1201 = arith.addf %add3A_1110, %add3A_1136 : vector<16xf32>
      %add3A_1202 = arith.addf %add3A_1162, %add3A_1188 : vector<16xf32>
      %add3A_1203 = arith.addf %add3A_1201, %add3A_1202 : vector<16xf32>
      %add3A_1204 = arith.addf %add3A_1122, %add3A_1148 : vector<16xf32>
      %add3A_1205 = arith.addf %add3A_1174, %add3A_1200 : vector<16xf32>
      %add3A_1206 = arith.addf %add3A_1204, %add3A_1205 : vector<16xf32>
      %get3A_1207 = arith.constant 1 : i32
      %get3A_1208 = arith.constant 0 : i32
      %get3A_1209 = arith.constant 0 : i32
      %get3A_1210 = arith.constant 0 : i32
      %get3A_1211 = tpu.memref_slice %arg7[%get3A_1207, %get3A_1209, %get3A_1210] : memref<2x280x128xf32, #tpu.memory_space<vmem>> -> memref<1x280x128xf32, #tpu.memory_space<vmem>>
      %get3A_1212 = tpu.memref_squeeze %get3A_1211 : memref<1x280x128xf32, #tpu.memory_space<vmem>> -> memref<280x128xf32, #tpu.memory_space<vmem>>
      %get3A_1213 = arith.index_cast %get3A_1208 : i32 to index
      %get3A_1214 = arith.constant 0 : index
      %get3A_1215 = tpu.vector_load %get3A_1212[%get3A_1213, %get3A_1214] {strides = array<i32>} : memref<280x128xf32, #tpu.memory_space<vmem>>, vector<16xf32>,
      %swap3A_1216 = arith.constant 1 : i32
      %swap3A_1217 = arith.index_cast %swap3A_1216 : i32 to index
      %swap3A_1218 = arith.constant 0 : index
      %swap3A_1219 = tpu.vector_load %arg9[%swap3A_1217, %swap3A_1218] {strides = array<i32>} : memref<2x128xf32, #tpu.memory_space<vmem>>, vector<16xf32>,
      tpu.vector_store %arg9[%swap3A_1217, %swap3A_1218], %get3A_1215 {strides = array<i32>} : memref<2x128xf32, #tpu.memory_space<vmem>>, vector<16xf32>,
      %get3A_1220 = arith.constant 1 : i32
      %get3A_1221 = arith.constant 0 : i32
      %get3A_1222 = arith.constant 0 : i32
      %get3A_1223 = arith.constant 0 : i32
      %get3A_1224 = tpu.memref_slice %arg7[%get3A_1220, %get3A_1222, %get3A_1223] : memref<2x280x128xf32, #tpu.memory_space<vmem>> -> memref<1x280x128xf32, #tpu.memory_space<vmem>>
      %get3A_1225 = tpu.memref_squeeze %get3A_1224 : memref<1x280x128xf32, #tpu.memory_space<vmem>> -> memref<280x128xf32, #tpu.memory_space<vmem>>
      %get3A_1226 = arith.index_cast %get3A_1221 : i32 to index
      %get3A_1227 = arith.constant 16 : index
      %get3A_1228 = tpu.vector_load %get3A_1225[%get3A_1226, %get3A_1227] {strides = array<i32>} : memref<280x128xf32, #tpu.memory_space<vmem>>, vector<16xf32>,
      %swap3A_1229 = arith.constant 1 : i32
      %swap3A_1230 = arith.index_cast %swap3A_1229 : i32 to index
      %swap3A_1231 = arith.constant 16 : index
      %swap3A_1232 = tpu.vector_load %arg9[%swap3A_1230, %swap3A_1231] {strides = array<i32>} : memref<2x128xf32, #tpu.memory_space<vmem>>, vector<16xf32>,
      tpu.vector_store %arg9[%swap3A_1230, %swap3A_1231], %get3A_1228 {strides = array<i32>} : memref<2x128xf32, #tpu.memory_space<vmem>>, vector<16xf32>,
      %swap3A_1233 = arith.constant 1 : i32
      %swap3A_1234 = arith.index_cast %swap3A_1233 : i32 to index
      %swap3A_1235 = arith.constant 32 : index
      %swap3A_1236 = tpu.vector_load %arg9[%swap3A_1234, %swap3A_1235] {strides = array<i32>} : memref<2x128xf32, #tpu.memory_space<vmem>>, vector<16xf32>,
      tpu.vector_store %arg9[%swap3A_1234, %swap3A_1235], %add3A_1203 {strides = array<i32>} : memref<2x128xf32, #tpu.memory_space<vmem>>, vector<16xf32>,
      %swap3A_1237 = arith.constant 1 : i32
      %swap3A_1238 = arith.index_cast %swap3A_1237 : i32 to index
      %swap3A_1239 = arith.constant 48 : index
      %swap3A_1240 = tpu.vector_load %arg9[%swap3A_1238, %swap3A_1239] {strides = array<i32>} : memref<2x128xf32, #tpu.memory_space<vmem>>, vector<16xf32>,
      tpu.vector_store %arg9[%swap3A_1238, %swap3A_1239], %add3A_1206 {strides = array<i32>} : memref<2x128xf32, #tpu.memory_space<vmem>>, vector<16xf32>,
      %scan3A_1241 = arith.constant 0 : i32
      %scan3A_1242 = arith.constant 1 : i32
      %scan3A_1243 = arith.constant 0 : i32
      %scan3A_1244 = arith.constant 16 : i32
      %scan3A_1245 = arith.addi %scan3A_1243, %scan3A_1244 : i32
      %scan3A_1246 = arith.constant 1 : i32
      scf.for %scan3A_1280 = %scan3A_1243 to %scan3A_1245 step %scan3A_1246  : i32 {
        %add3A_1281 = arith.constant 1 : i32
        %add3A_1282 = arith.addi %add3A_1281, %scan3A_1280 : i32
        %get3A_1283 = arith.constant 0 : i32
        %get3A_1284 = arith.constant 0 : i32
        %get3A_1285 = tpu.memref_slice %arg7[%scan3A_1242, %get3A_1283, %get3A_1284] : memref<2x280x128xf32, #tpu.memory_space<vmem>> -> memref<1x280x128xf32, #tpu.memory_space<vmem>>
        %get3A_1286 = tpu.memref_squeeze %get3A_1285 : memref<1x280x128xf32, #tpu.memory_space<vmem>> -> memref<280x128xf32, #tpu.memory_space<vmem>>
        %get3A_1287 = arith.index_cast %add3A_1282 : i32 to index
        %get3A_1288 = arith.constant 32 : index
        %get3A_1289 = tpu.vector_load %get3A_1286[%get3A_1287, %get3A_1288] {strides = array<i32>} : memref<280x128xf32, #tpu.memory_space<vmem>>, vector<16xf32>,
        %slice3A_1290 = vector.extract_strided_slice %get3A_1289 {offsets = [0], sizes = [1], strides = [1]} : vector<16xf32> to vector<1xf32>
        %squeeze3A_1291 = vector.extract %slice3A_1290[0] : f32 from vector<1xf32>
        %mul3A_1292 = arith.constant 16 : i32
        %mul3A_1293 = arith.muli %mul3A_1292, %scan3A_1280 : i32
        %add3A_1294 = arith.constant 17 : i32
        %add3A_1295 = arith.addi %add3A_1294, %mul3A_1293 : i32
        %add3A_1296 = vector.broadcast %add3A_1295 : i32 to vector<16xi32>
        %add3A_1297 = arith.addi %add3A_1296, %iota3A : vector<16xi32>
        %gather3A_1298 = arith.constant 0 : i32
        %gather3A_1299 = arith.constant 0 : i32
        %gather3A_1300 = tpu.memref_slice %arg7[%scan3A_1242, %gather3A_1298, %gather3A_1299] : memref<2x280x128xf32, #tpu.memory_space<vmem>> -> memref<1x280x128xf32, #tpu.memory_space<vmem>>
        %gather3A_1301 = tpu.memref_squeeze %gather3A_1300 : memref<1x280x128xf32, #tpu.memory_space<vmem>> -> memref<280x128xf32, #tpu.memory_space<vmem>>
        %gather3A_1302 = tpu.vector_load_idx %gather3A_1301[%add3A_1297, %broadcast_in_dim3A_3] : memref<280x128xf32, #tpu.memory_space<vmem>>[vector<16xi32>, vector<16xi32>], vector<16xf32>,
        %add3A_1303 = vector.broadcast %squeeze3A_1291 : f32 to vector<16xf32>
        %add3A_1304 = arith.addf %add3A_1303, %gather3A_1302 : vector<16xf32>
        %ge3A_1305 = arith.constant 0.000000e+00 : f32
        %ge3A_1306 = vector.broadcast %ge3A_1305 : f32 to vector<16xf32>
        %ge3A_1307 = arith.cmpf oge, %add3A_1304, %ge3A_1306 : vector<16xf32>
        %mul3A_1308 = arith.constant 0.00999999977 : f32
        %mul3A_1309 = vector.broadcast %mul3A_1308 : f32 to vector<16xf32>
        %mul3A_1310 = arith.mulf %mul3A_1309, %add3A_1304 : vector<16xf32>
        %select_n3A_1311 = arith.select %ge3A_1307, %add3A_1304, %mul3A_1310 : vector<16xi1>, vector<16xf32>
        %reduce_max3A_1312 = arith.constant true
        %reduce_max3A_1313 = vector.broadcast %reduce_max3A_1312 : i1 to vector<16xi1>
        %reduce_max3A_1314 = tpu.scan <max>, %select_n3A_1311 masked %reduce_max3A_1313 : vector<16xf32>, vector<16xi1> -> vector<16xf32>
        %reduce_max3A_1315 = vector.extract %reduce_max3A_1314[15] : f32 from vector<16xf32>
        %sub3A_1316 = vector.broadcast %reduce_max3A_1315 : f32 to vector<16xf32>
        %sub3A_1317 = arith.subf %select_n3A_1311, %sub3A_1316 : vector<16xf32>
        %exp3A_1318 = math.exp %sub3A_1317 : vector<16xf32>
        %reduce_sum3A_1319 = arith.constant true
        %reduce_sum3A_1320 = vector.broadcast %reduce_sum3A_1319 : i1 to vector<16xi1>
        %reduce_sum3A_1321 = tpu.scan <sum>, %exp3A_1318 masked %reduce_sum3A_1320 : vector<16xf32>, vector<16xi1> -> vector<16xf32>
        %reduce_sum3A_1322 = vector.extract %reduce_sum3A_1321[15] : f32 from vector<16xf32>
        %div3A_1323 = vector.broadcast %reduce_sum3A_1322 : f32 to vector<16xf32>
        %div3A_1324 = arith.divf %exp3A_1318, %div3A_1323 : vector<16xf32>
        %swap3A_1325 = arith.constant 1 : i32
        %swap3A_1326 = arith.index_cast %swap3A_1325 : i32 to index
        %swap3A_1327 = arith.index_cast %scan3A_1280 : i32 to index
        %swap3A_1328 = arith.constant 64 : index
        %swap3A_1329 = tpu.vector_load %arg8[%swap3A_1326, %swap3A_1327, %swap3A_1328] {strides = array<i32>} : memref<2x16x128xf32, #tpu.memory_space<vmem>>, vector<16xf32>,
        tpu.vector_store %arg8[%swap3A_1326, %swap3A_1327, %swap3A_1328], %div3A_1324 {strides = array<i32>} : memref<2x16x128xf32, #tpu.memory_space<vmem>>, vector<16xf32>,
        %broadcast_in_dim3A_1330 = arith.constant 0.000000e+00 : f32
        %broadcast_in_dim3A_1331 = vector.broadcast %broadcast_in_dim3A_1330 : f32 to vector<16xf32>
        %broadcast_in_dim3A_1332 = arith.constant 0.000000e+00 : f32
        %broadcast_in_dim3A_1333 = vector.broadcast %broadcast_in_dim3A_1332 : f32 to vector<16xf32>
        %broadcast_in_dim3A_1334 = arith.constant 0.000000e+00 : f32
        %broadcast_in_dim3A_1335 = vector.broadcast %broadcast_in_dim3A_1334 : f32 to vector<16xf32>
        %broadcast_in_dim3A_1336 = arith.constant 0.000000e+00 : f32
        %broadcast_in_dim3A_1337 = vector.broadcast %broadcast_in_dim3A_1336 : f32 to vector<16xf32>
        %broadcast_in_dim3A_1338 = arith.constant 0.000000e+00 : f32
        %broadcast_in_dim3A_1339 = vector.broadcast %broadcast_in_dim3A_1338 : f32 to vector<16xf32>
        %broadcast_in_dim3A_1340 = arith.constant 0.000000e+00 : f32
        %broadcast_in_dim3A_1341 = vector.broadcast %broadcast_in_dim3A_1340 : f32 to vector<16xf32>
        %broadcast_in_dim3A_1342 = arith.constant 0.000000e+00 : f32
        %broadcast_in_dim3A_1343 = vector.broadcast %broadcast_in_dim3A_1342 : f32 to vector<16xf32>
        %broadcast_in_dim3A_1344 = arith.constant 0.000000e+00 : f32
        %broadcast_in_dim3A_1345 = vector.broadcast %broadcast_in_dim3A_1344 : f32 to vector<16xf32>
        %slice3A_1346 = vector.extract_strided_slice %div3A_1324 {offsets = [0], sizes = [1], strides = [1]} : vector<16xf32> to vector<1xf32>
        %squeeze3A_1347 = vector.extract %slice3A_1346[0] : f32 from vector<1xf32>
        %add3A_1348 = arith.constant 0 : i32
        %add3A_1349 = arith.addi %add3A_1295, %add3A_1348 : i32
        %get3A_1350 = arith.constant 0 : i32
        %get3A_1351 = arith.constant 0 : i32
        %get3A_1352 = tpu.memref_slice %arg7[%scan3A_1242, %get3A_1350, %get3A_1351] : memref<2x280x128xf32, #tpu.memory_space<vmem>> -> memref<1x280x128xf32, #tpu.memory_space<vmem>>
        %get3A_1353 = tpu.memref_squeeze %get3A_1352 : memref<1x280x128xf32, #tpu.memory_space<vmem>> -> memref<280x128xf32, #tpu.memory_space<vmem>>
        %get3A_1354 = arith.index_cast %add3A_1349 : i32 to index
        %get3A_1355 = arith.constant 0 : index
        %get3A_1356 = tpu.vector_load %get3A_1353[%get3A_1354, %get3A_1355] {strides = array<i32>} : memref<280x128xf32, #tpu.memory_space<vmem>>, vector<16xf32>,
        %mul3A_1357 = vector.broadcast %squeeze3A_1347 : f32 to vector<16xf32>
        %mul3A_1358 = arith.mulf %mul3A_1357, %get3A_1356 : vector<16xf32>
        %add3A_1359 = arith.addf %broadcast_in_dim3A_1331, %mul3A_1358 : vector<16xf32>
        %add3A_1360 = arith.constant 0 : i32
        %add3A_1361 = arith.addi %add3A_1295, %add3A_1360 : i32
        %get3A_1362 = arith.constant 0 : i32
        %get3A_1363 = arith.constant 0 : i32
        %get3A_1364 = tpu.memref_slice %arg7[%scan3A_1242, %get3A_1362, %get3A_1363] : memref<2x280x128xf32, #tpu.memory_space<vmem>> -> memref<1x280x128xf32, #tpu.memory_space<vmem>>
        %get3A_1365 = tpu.memref_squeeze %get3A_1364 : memref<1x280x128xf32, #tpu.memory_space<vmem>> -> memref<280x128xf32, #tpu.memory_space<vmem>>
        %get3A_1366 = arith.index_cast %add3A_1361 : i32 to index
        %get3A_1367 = arith.constant 16 : index
        %get3A_1368 = tpu.vector_load %get3A_1365[%get3A_1366, %get3A_1367] {strides = array<i32>} : memref<280x128xf32, #tpu.memory_space<vmem>>, vector<16xf32>,
        %mul3A_1369 = vector.broadcast %squeeze3A_1347 : f32 to vector<16xf32>
        %mul3A_1370 = arith.mulf %mul3A_1369, %get3A_1368 : vector<16xf32>
        %add3A_1371 = arith.addf %broadcast_in_dim3A_1339, %mul3A_1370 : vector<16xf32>
        %slice3A_1372 = vector.extract_strided_slice %div3A_1324 {offsets = [1], sizes = [1], strides = [1]} : vector<16xf32> to vector<1xf32>
        %squeeze3A_1373 = vector.extract %slice3A_1372[0] : f32 from vector<1xf32>
        %add3A_1374 = arith.constant 1 : i32
        %add3A_1375 = arith.addi %add3A_1295, %add3A_1374 : i32
        %get3A_1376 = arith.constant 0 : i32
        %get3A_1377 = arith.constant 0 : i32
        %get3A_1378 = tpu.memref_slice %arg7[%scan3A_1242, %get3A_1376, %get3A_1377] : memref<2x280x128xf32, #tpu.memory_space<vmem>> -> memref<1x280x128xf32, #tpu.memory_space<vmem>>
        %get3A_1379 = tpu.memref_squeeze %get3A_1378 : memref<1x280x128xf32, #tpu.memory_space<vmem>> -> memref<280x128xf32, #tpu.memory_space<vmem>>
        %get3A_1380 = arith.index_cast %add3A_1375 : i32 to index
        %get3A_1381 = arith.constant 0 : index
        %get3A_1382 = tpu.vector_load %get3A_1379[%get3A_1380, %get3A_1381] {strides = array<i32>} : memref<280x128xf32, #tpu.memory_space<vmem>>, vector<16xf32>,
        %mul3A_1383 = vector.broadcast %squeeze3A_1373 : f32 to vector<16xf32>
        %mul3A_1384 = arith.mulf %mul3A_1383, %get3A_1382 : vector<16xf32>
        %add3A_1385 = arith.addf %broadcast_in_dim3A_1333, %mul3A_1384 : vector<16xf32>
        %add3A_1386 = arith.constant 1 : i32
        %add3A_1387 = arith.addi %add3A_1295, %add3A_1386 : i32
        %get3A_1388 = arith.constant 0 : i32
        %get3A_1389 = arith.constant 0 : i32
        %get3A_1390 = tpu.memref_slice %arg7[%scan3A_1242, %get3A_1388, %get3A_1389] : memref<2x280x128xf32, #tpu.memory_space<vmem>> -> memref<1x280x128xf32, #tpu.memory_space<vmem>>
        %get3A_1391 = tpu.memref_squeeze %get3A_1390 : memref<1x280x128xf32, #tpu.memory_space<vmem>> -> memref<280x128xf32, #tpu.memory_space<vmem>>
        %get3A_1392 = arith.index_cast %add3A_1387 : i32 to index
        %get3A_1393 = arith.constant 16 : index
        %get3A_1394 = tpu.vector_load %get3A_1391[%get3A_1392, %get3A_1393] {strides = array<i32>} : memref<280x128xf32, #tpu.memory_space<vmem>>, vector<16xf32>,
        %mul3A_1395 = vector.broadcast %squeeze3A_1373 : f32 to vector<16xf32>
        %mul3A_1396 = arith.mulf %mul3A_1395, %get3A_1394 : vector<16xf32>
        %add3A_1397 = arith.addf %broadcast_in_dim3A_1341, %mul3A_1396 : vector<16xf32>
        %slice3A_1398 = vector.extract_strided_slice %div3A_1324 {offsets = [2], sizes = [1], strides = [1]} : vector<16xf32> to vector<1xf32>
        %squeeze3A_1399 = vector.extract %slice3A_1398[0] : f32 from vector<1xf32>
        %add3A_1400 = arith.constant 2 : i32
        %add3A_1401 = arith.addi %add3A_1295, %add3A_1400 : i32
        %get3A_1402 = arith.constant 0 : i32
        %get3A_1403 = arith.constant 0 : i32
        %get3A_1404 = tpu.memref_slice %arg7[%scan3A_1242, %get3A_1402, %get3A_1403] : memref<2x280x128xf32, #tpu.memory_space<vmem>> -> memref<1x280x128xf32, #tpu.memory_space<vmem>>
        %get3A_1405 = tpu.memref_squeeze %get3A_1404 : memref<1x280x128xf32, #tpu.memory_space<vmem>> -> memref<280x128xf32, #tpu.memory_space<vmem>>
        %get3A_1406 = arith.index_cast %add3A_1401 : i32 to index
        %get3A_1407 = arith.constant 0 : index
        %get3A_1408 = tpu.vector_load %get3A_1405[%get3A_1406, %get3A_1407] {strides = array<i32>} : memref<280x128xf32, #tpu.memory_space<vmem>>, vector<16xf32>,
        %mul3A_1409 = vector.broadcast %squeeze3A_1399 : f32 to vector<16xf32>
        %mul3A_1410 = arith.mulf %mul3A_1409, %get3A_1408 : vector<16xf32>
        %add3A_1411 = arith.addf %broadcast_in_dim3A_1335, %mul3A_1410 : vector<16xf32>
        %add3A_1412 = arith.constant 2 : i32
        %add3A_1413 = arith.addi %add3A_1295, %add3A_1412 : i32
        %get3A_1414 = arith.constant 0 : i32
        %get3A_1415 = arith.constant 0 : i32
        %get3A_1416 = tpu.memref_slice %arg7[%scan3A_1242, %get3A_1414, %get3A_1415] : memref<2x280x128xf32, #tpu.memory_space<vmem>> -> memref<1x280x128xf32, #tpu.memory_space<vmem>>
        %get3A_1417 = tpu.memref_squeeze %get3A_1416 : memref<1x280x128xf32, #tpu.memory_space<vmem>> -> memref<280x128xf32, #tpu.memory_space<vmem>>
        %get3A_1418 = arith.index_cast %add3A_1413 : i32 to index
        %get3A_1419 = arith.constant 16 : index
        %get3A_1420 = tpu.vector_load %get3A_1417[%get3A_1418, %get3A_1419] {strides = array<i32>} : memref<280x128xf32, #tpu.memory_space<vmem>>, vector<16xf32>,
        %mul3A_1421 = vector.broadcast %squeeze3A_1399 : f32 to vector<16xf32>
        %mul3A_1422 = arith.mulf %mul3A_1421, %get3A_1420 : vector<16xf32>
        %add3A_1423 = arith.addf %broadcast_in_dim3A_1343, %mul3A_1422 : vector<16xf32>
        %slice3A_1424 = vector.extract_strided_slice %div3A_1324 {offsets = [3], sizes = [1], strides = [1]} : vector<16xf32> to vector<1xf32>
        %squeeze3A_1425 = vector.extract %slice3A_1424[0] : f32 from vector<1xf32>
        %add3A_1426 = arith.constant 3 : i32
        %add3A_1427 = arith.addi %add3A_1295, %add3A_1426 : i32
        %get3A_1428 = arith.constant 0 : i32
        %get3A_1429 = arith.constant 0 : i32
        %get3A_1430 = tpu.memref_slice %arg7[%scan3A_1242, %get3A_1428, %get3A_1429] : memref<2x280x128xf32, #tpu.memory_space<vmem>> -> memref<1x280x128xf32, #tpu.memory_space<vmem>>
        %get3A_1431 = tpu.memref_squeeze %get3A_1430 : memref<1x280x128xf32, #tpu.memory_space<vmem>> -> memref<280x128xf32, #tpu.memory_space<vmem>>
        %get3A_1432 = arith.index_cast %add3A_1427 : i32 to index
        %get3A_1433 = arith.constant 0 : index
        %get3A_1434 = tpu.vector_load %get3A_1431[%get3A_1432, %get3A_1433] {strides = array<i32>} : memref<280x128xf32, #tpu.memory_space<vmem>>, vector<16xf32>,
        %mul3A_1435 = vector.broadcast %squeeze3A_1425 : f32 to vector<16xf32>
        %mul3A_1436 = arith.mulf %mul3A_1435, %get3A_1434 : vector<16xf32>
        %add3A_1437 = arith.addf %broadcast_in_dim3A_1337, %mul3A_1436 : vector<16xf32>
        %add3A_1438 = arith.constant 3 : i32
        %add3A_1439 = arith.addi %add3A_1295, %add3A_1438 : i32
        %get3A_1440 = arith.constant 0 : i32
        %get3A_1441 = arith.constant 0 : i32
        %get3A_1442 = tpu.memref_slice %arg7[%scan3A_1242, %get3A_1440, %get3A_1441] : memref<2x280x128xf32, #tpu.memory_space<vmem>> -> memref<1x280x128xf32, #tpu.memory_space<vmem>>
        %get3A_1443 = tpu.memref_squeeze %get3A_1442 : memref<1x280x128xf32, #tpu.memory_space<vmem>> -> memref<280x128xf32, #tpu.memory_space<vmem>>
        %get3A_1444 = arith.index_cast %add3A_1439 : i32 to index
        %get3A_1445 = arith.constant 16 : index
        %get3A_1446 = tpu.vector_load %get3A_1443[%get3A_1444, %get3A_1445] {strides = array<i32>} : memref<280x128xf32, #tpu.memory_space<vmem>>, vector<16xf32>,
        %mul3A_1447 = vector.broadcast %squeeze3A_1425 : f32 to vector<16xf32>
        %mul3A_1448 = arith.mulf %mul3A_1447, %get3A_1446 : vector<16xf32>
        %add3A_1449 = arith.addf %broadcast_in_dim3A_1345, %mul3A_1448 : vector<16xf32>
        %slice3A_1450 = vector.extract_strided_slice %div3A_1324 {offsets = [4], sizes = [1], strides = [1]} : vector<16xf32> to vector<1xf32>
        %squeeze3A_1451 = vector.extract %slice3A_1450[0] : f32 from vector<1xf32>
        %add3A_1452 = arith.constant 4 : i32
        %add3A_1453 = arith.addi %add3A_1295, %add3A_1452 : i32
        %get3A_1454 = arith.constant 0 : i32
        %get3A_1455 = arith.constant 0 : i32
        %get3A_1456 = tpu.memref_slice %arg7[%scan3A_1242, %get3A_1454, %get3A_1455] : memref<2x280x128xf32, #tpu.memory_space<vmem>> -> memref<1x280x128xf32, #tpu.memory_space<vmem>>
        %get3A_1457 = tpu.memref_squeeze %get3A_1456 : memref<1x280x128xf32, #tpu.memory_space<vmem>> -> memref<280x128xf32, #tpu.memory_space<vmem>>
        %get3A_1458 = arith.index_cast %add3A_1453 : i32 to index
        %get3A_1459 = arith.constant 0 : index
        %get3A_1460 = tpu.vector_load %get3A_1457[%get3A_1458, %get3A_1459] {strides = array<i32>} : memref<280x128xf32, #tpu.memory_space<vmem>>, vector<16xf32>,
        %mul3A_1461 = vector.broadcast %squeeze3A_1451 : f32 to vector<16xf32>
        %mul3A_1462 = arith.mulf %mul3A_1461, %get3A_1460 : vector<16xf32>
        %add3A_1463 = arith.addf %add3A_1359, %mul3A_1462 : vector<16xf32>
        %add3A_1464 = arith.constant 4 : i32
        %add3A_1465 = arith.addi %add3A_1295, %add3A_1464 : i32
        %get3A_1466 = arith.constant 0 : i32
        %get3A_1467 = arith.constant 0 : i32
        %get3A_1468 = tpu.memref_slice %arg7[%scan3A_1242, %get3A_1466, %get3A_1467] : memref<2x280x128xf32, #tpu.memory_space<vmem>> -> memref<1x280x128xf32, #tpu.memory_space<vmem>>
        %get3A_1469 = tpu.memref_squeeze %get3A_1468 : memref<1x280x128xf32, #tpu.memory_space<vmem>> -> memref<280x128xf32, #tpu.memory_space<vmem>>
        %get3A_1470 = arith.index_cast %add3A_1465 : i32 to index
        %get3A_1471 = arith.constant 16 : index
        %get3A_1472 = tpu.vector_load %get3A_1469[%get3A_1470, %get3A_1471] {strides = array<i32>} : memref<280x128xf32, #tpu.memory_space<vmem>>, vector<16xf32>,
        %mul3A_1473 = vector.broadcast %squeeze3A_1451 : f32 to vector<16xf32>
        %mul3A_1474 = arith.mulf %mul3A_1473, %get3A_1472 : vector<16xf32>
        %add3A_1475 = arith.addf %add3A_1371, %mul3A_1474 : vector<16xf32>
        %slice3A_1476 = vector.extract_strided_slice %div3A_1324 {offsets = [5], sizes = [1], strides = [1]} : vector<16xf32> to vector<1xf32>
        %squeeze3A_1477 = vector.extract %slice3A_1476[0] : f32 from vector<1xf32>
        %add3A_1478 = arith.constant 5 : i32
        %add3A_1479 = arith.addi %add3A_1295, %add3A_1478 : i32
        %get3A_1480 = arith.constant 0 : i32
        %get3A_1481 = arith.constant 0 : i32
        %get3A_1482 = tpu.memref_slice %arg7[%scan3A_1242, %get3A_1480, %get3A_1481] : memref<2x280x128xf32, #tpu.memory_space<vmem>> -> memref<1x280x128xf32, #tpu.memory_space<vmem>>
        %get3A_1483 = tpu.memref_squeeze %get3A_1482 : memref<1x280x128xf32, #tpu.memory_space<vmem>> -> memref<280x128xf32, #tpu.memory_space<vmem>>
        %get3A_1484 = arith.index_cast %add3A_1479 : i32 to index
        %get3A_1485 = arith.constant 0 : index
        %get3A_1486 = tpu.vector_load %get3A_1483[%get3A_1484, %get3A_1485] {strides = array<i32>} : memref<280x128xf32, #tpu.memory_space<vmem>>, vector<16xf32>,
        %mul3A_1487 = vector.broadcast %squeeze3A_1477 : f32 to vector<16xf32>
        %mul3A_1488 = arith.mulf %mul3A_1487, %get3A_1486 : vector<16xf32>
        %add3A_1489 = arith.addf %add3A_1385, %mul3A_1488 : vector<16xf32>
        %add3A_1490 = arith.constant 5 : i32
        %add3A_1491 = arith.addi %add3A_1295, %add3A_1490 : i32
        %get3A_1492 = arith.constant 0 : i32
        %get3A_1493 = arith.constant 0 : i32
        %get3A_1494 = tpu.memref_slice %arg7[%scan3A_1242, %get3A_1492, %get3A_1493] : memref<2x280x128xf32, #tpu.memory_space<vmem>> -> memref<1x280x128xf32, #tpu.memory_space<vmem>>
        %get3A_1495 = tpu.memref_squeeze %get3A_1494 : memref<1x280x128xf32, #tpu.memory_space<vmem>> -> memref<280x128xf32, #tpu.memory_space<vmem>>
        %get3A_1496 = arith.index_cast %add3A_1491 : i32 to index
        %get3A_1497 = arith.constant 16 : index
        %get3A_1498 = tpu.vector_load %get3A_1495[%get3A_1496, %get3A_1497] {strides = array<i32>} : memref<280x128xf32, #tpu.memory_space<vmem>>, vector<16xf32>,
        %mul3A_1499 = vector.broadcast %squeeze3A_1477 : f32 to vector<16xf32>
        %mul3A_1500 = arith.mulf %mul3A_1499, %get3A_1498 : vector<16xf32>
        %add3A_1501 = arith.addf %add3A_1397, %mul3A_1500 : vector<16xf32>
        %slice3A_1502 = vector.extract_strided_slice %div3A_1324 {offsets = [6], sizes = [1], strides = [1]} : vector<16xf32> to vector<1xf32>
        %squeeze3A_1503 = vector.extract %slice3A_1502[0] : f32 from vector<1xf32>
        %add3A_1504 = arith.constant 6 : i32
        %add3A_1505 = arith.addi %add3A_1295, %add3A_1504 : i32
        %get3A_1506 = arith.constant 0 : i32
        %get3A_1507 = arith.constant 0 : i32
        %get3A_1508 = tpu.memref_slice %arg7[%scan3A_1242, %get3A_1506, %get3A_1507] : memref<2x280x128xf32, #tpu.memory_space<vmem>> -> memref<1x280x128xf32, #tpu.memory_space<vmem>>
        %get3A_1509 = tpu.memref_squeeze %get3A_1508 : memref<1x280x128xf32, #tpu.memory_space<vmem>> -> memref<280x128xf32, #tpu.memory_space<vmem>>
        %get3A_1510 = arith.index_cast %add3A_1505 : i32 to index
        %get3A_1511 = arith.constant 0 : index
        %get3A_1512 = tpu.vector_load %get3A_1509[%get3A_1510, %get3A_1511] {strides = array<i32>} : memref<280x128xf32, #tpu.memory_space<vmem>>, vector<16xf32>,
        %mul3A_1513 = vector.broadcast %squeeze3A_1503 : f32 to vector<16xf32>
        %mul3A_1514 = arith.mulf %mul3A_1513, %get3A_1512 : vector<16xf32>
        %add3A_1515 = arith.addf %add3A_1411, %mul3A_1514 : vector<16xf32>
        %add3A_1516 = arith.constant 6 : i32
        %add3A_1517 = arith.addi %add3A_1295, %add3A_1516 : i32
        %get3A_1518 = arith.constant 0 : i32
        %get3A_1519 = arith.constant 0 : i32
        %get3A_1520 = tpu.memref_slice %arg7[%scan3A_1242, %get3A_1518, %get3A_1519] : memref<2x280x128xf32, #tpu.memory_space<vmem>> -> memref<1x280x128xf32, #tpu.memory_space<vmem>>
        %get3A_1521 = tpu.memref_squeeze %get3A_1520 : memref<1x280x128xf32, #tpu.memory_space<vmem>> -> memref<280x128xf32, #tpu.memory_space<vmem>>
        %get3A_1522 = arith.index_cast %add3A_1517 : i32 to index
        %get3A_1523 = arith.constant 16 : index
        %get3A_1524 = tpu.vector_load %get3A_1521[%get3A_1522, %get3A_1523] {strides = array<i32>} : memref<280x128xf32, #tpu.memory_space<vmem>>, vector<16xf32>,
        %mul3A_1525 = vector.broadcast %squeeze3A_1503 : f32 to vector<16xf32>
        %mul3A_1526 = arith.mulf %mul3A_1525, %get3A_1524 : vector<16xf32>
        %add3A_1527 = arith.addf %add3A_1423, %mul3A_1526 : vector<16xf32>
        %slice3A_1528 = vector.extract_strided_slice %div3A_1324 {offsets = [7], sizes = [1], strides = [1]} : vector<16xf32> to vector<1xf32>
        %squeeze3A_1529 = vector.extract %slice3A_1528[0] : f32 from vector<1xf32>
        %add3A_1530 = arith.constant 7 : i32
        %add3A_1531 = arith.addi %add3A_1295, %add3A_1530 : i32
        %get3A_1532 = arith.constant 0 : i32
        %get3A_1533 = arith.constant 0 : i32
        %get3A_1534 = tpu.memref_slice %arg7[%scan3A_1242, %get3A_1532, %get3A_1533] : memref<2x280x128xf32, #tpu.memory_space<vmem>> -> memref<1x280x128xf32, #tpu.memory_space<vmem>>
        %get3A_1535 = tpu.memref_squeeze %get3A_1534 : memref<1x280x128xf32, #tpu.memory_space<vmem>> -> memref<280x128xf32, #tpu.memory_space<vmem>>
        %get3A_1536 = arith.index_cast %add3A_1531 : i32 to index
        %get3A_1537 = arith.constant 0 : index
        %get3A_1538 = tpu.vector_load %get3A_1535[%get3A_1536, %get3A_1537] {strides = array<i32>} : memref<280x128xf32, #tpu.memory_space<vmem>>, vector<16xf32>,
        %mul3A_1539 = vector.broadcast %squeeze3A_1529 : f32 to vector<16xf32>
        %mul3A_1540 = arith.mulf %mul3A_1539, %get3A_1538 : vector<16xf32>
        %add3A_1541 = arith.addf %add3A_1437, %mul3A_1540 : vector<16xf32>
        %add3A_1542 = arith.constant 7 : i32
        %add3A_1543 = arith.addi %add3A_1295, %add3A_1542 : i32
        %get3A_1544 = arith.constant 0 : i32
        %get3A_1545 = arith.constant 0 : i32
        %get3A_1546 = tpu.memref_slice %arg7[%scan3A_1242, %get3A_1544, %get3A_1545] : memref<2x280x128xf32, #tpu.memory_space<vmem>> -> memref<1x280x128xf32, #tpu.memory_space<vmem>>
        %get3A_1547 = tpu.memref_squeeze %get3A_1546 : memref<1x280x128xf32, #tpu.memory_space<vmem>> -> memref<280x128xf32, #tpu.memory_space<vmem>>
        %get3A_1548 = arith.index_cast %add3A_1543 : i32 to index
        %get3A_1549 = arith.constant 16 : index
        %get3A_1550 = tpu.vector_load %get3A_1547[%get3A_1548, %get3A_1549] {strides = array<i32>} : memref<280x128xf32, #tpu.memory_space<vmem>>, vector<16xf32>,
        %mul3A_1551 = vector.broadcast %squeeze3A_1529 : f32 to vector<16xf32>
        %mul3A_1552 = arith.mulf %mul3A_1551, %get3A_1550 : vector<16xf32>
        %add3A_1553 = arith.addf %add3A_1449, %mul3A_1552 : vector<16xf32>
        %slice3A_1554 = vector.extract_strided_slice %div3A_1324 {offsets = [8], sizes = [1], strides = [1]} : vector<16xf32> to vector<1xf32>
        %squeeze3A_1555 = vector.extract %slice3A_1554[0] : f32 from vector<1xf32>
        %add3A_1556 = arith.constant 8 : i32
        %add3A_1557 = arith.addi %add3A_1295, %add3A_1556 : i32
        %get3A_1558 = arith.constant 0 : i32
        %get3A_1559 = arith.constant 0 : i32
        %get3A_1560 = tpu.memref_slice %arg7[%scan3A_1242, %get3A_1558, %get3A_1559] : memref<2x280x128xf32, #tpu.memory_space<vmem>> -> memref<1x280x128xf32, #tpu.memory_space<vmem>>
        %get3A_1561 = tpu.memref_squeeze %get3A_1560 : memref<1x280x128xf32, #tpu.memory_space<vmem>> -> memref<280x128xf32, #tpu.memory_space<vmem>>
        %get3A_1562 = arith.index_cast %add3A_1557 : i32 to index
        %get3A_1563 = arith.constant 0 : index
        %get3A_1564 = tpu.vector_load %get3A_1561[%get3A_1562, %get3A_1563] {strides = array<i32>} : memref<280x128xf32, #tpu.memory_space<vmem>>, vector<16xf32>,
        %mul3A_1565 = vector.broadcast %squeeze3A_1555 : f32 to vector<16xf32>
        %mul3A_1566 = arith.mulf %mul3A_1565, %get3A_1564 : vector<16xf32>
        %add3A_1567 = arith.addf %add3A_1463, %mul3A_1566 : vector<16xf32>
        %add3A_1568 = arith.constant 8 : i32
        %add3A_1569 = arith.addi %add3A_1295, %add3A_1568 : i32
        %get3A_1570 = arith.constant 0 : i32
        %get3A_1571 = arith.constant 0 : i32
        %get3A_1572 = tpu.memref_slice %arg7[%scan3A_1242, %get3A_1570, %get3A_1571] : memref<2x280x128xf32, #tpu.memory_space<vmem>> -> memref<1x280x128xf32, #tpu.memory_space<vmem>>
        %get3A_1573 = tpu.memref_squeeze %get3A_1572 : memref<1x280x128xf32, #tpu.memory_space<vmem>> -> memref<280x128xf32, #tpu.memory_space<vmem>>
        %get3A_1574 = arith.index_cast %add3A_1569 : i32 to index
        %get3A_1575 = arith.constant 16 : index
        %get3A_1576 = tpu.vector_load %get3A_1573[%get3A_1574, %get3A_1575] {strides = array<i32>} : memref<280x128xf32, #tpu.memory_space<vmem>>, vector<16xf32>,
        %mul3A_1577 = vector.broadcast %squeeze3A_1555 : f32 to vector<16xf32>
        %mul3A_1578 = arith.mulf %mul3A_1577, %get3A_1576 : vector<16xf32>
        %add3A_1579 = arith.addf %add3A_1475, %mul3A_1578 : vector<16xf32>
        %slice3A_1580 = vector.extract_strided_slice %div3A_1324 {offsets = [9], sizes = [1], strides = [1]} : vector<16xf32> to vector<1xf32>
        %squeeze3A_1581 = vector.extract %slice3A_1580[0] : f32 from vector<1xf32>
        %add3A_1582 = arith.constant 9 : i32
        %add3A_1583 = arith.addi %add3A_1295, %add3A_1582 : i32
        %get3A_1584 = arith.constant 0 : i32
        %get3A_1585 = arith.constant 0 : i32
        %get3A_1586 = tpu.memref_slice %arg7[%scan3A_1242, %get3A_1584, %get3A_1585] : memref<2x280x128xf32, #tpu.memory_space<vmem>> -> memref<1x280x128xf32, #tpu.memory_space<vmem>>
        %get3A_1587 = tpu.memref_squeeze %get3A_1586 : memref<1x280x128xf32, #tpu.memory_space<vmem>> -> memref<280x128xf32, #tpu.memory_space<vmem>>
        %get3A_1588 = arith.index_cast %add3A_1583 : i32 to index
        %get3A_1589 = arith.constant 0 : index
        %get3A_1590 = tpu.vector_load %get3A_1587[%get3A_1588, %get3A_1589] {strides = array<i32>} : memref<280x128xf32, #tpu.memory_space<vmem>>, vector<16xf32>,
        %mul3A_1591 = vector.broadcast %squeeze3A_1581 : f32 to vector<16xf32>
        %mul3A_1592 = arith.mulf %mul3A_1591, %get3A_1590 : vector<16xf32>
        %add3A_1593 = arith.addf %add3A_1489, %mul3A_1592 : vector<16xf32>
        %add3A_1594 = arith.constant 9 : i32
        %add3A_1595 = arith.addi %add3A_1295, %add3A_1594 : i32
        %get3A_1596 = arith.constant 0 : i32
        %get3A_1597 = arith.constant 0 : i32
        %get3A_1598 = tpu.memref_slice %arg7[%scan3A_1242, %get3A_1596, %get3A_1597] : memref<2x280x128xf32, #tpu.memory_space<vmem>> -> memref<1x280x128xf32, #tpu.memory_space<vmem>>
        %get3A_1599 = tpu.memref_squeeze %get3A_1598 : memref<1x280x128xf32, #tpu.memory_space<vmem>> -> memref<280x128xf32, #tpu.memory_space<vmem>>
        %get3A_1600 = arith.index_cast %add3A_1595 : i32 to index
        %get3A_1601 = arith.constant 16 : index
        %get3A_1602 = tpu.vector_load %get3A_1599[%get3A_1600, %get3A_1601] {strides = array<i32>} : memref<280x128xf32, #tpu.memory_space<vmem>>, vector<16xf32>,
        %mul3A_1603 = vector.broadcast %squeeze3A_1581 : f32 to vector<16xf32>
        %mul3A_1604 = arith.mulf %mul3A_1603, %get3A_1602 : vector<16xf32>
        %add3A_1605 = arith.addf %add3A_1501, %mul3A_1604 : vector<16xf32>
        %slice3A_1606 = vector.extract_strided_slice %div3A_1324 {offsets = [10], sizes = [1], strides = [1]} : vector<16xf32> to vector<1xf32>
        %squeeze3A_1607 = vector.extract %slice3A_1606[0] : f32 from vector<1xf32>
        %add3A_1608 = arith.constant 10 : i32
        %add3A_1609 = arith.addi %add3A_1295, %add3A_1608 : i32
        %get3A_1610 = arith.constant 0 : i32
        %get3A_1611 = arith.constant 0 : i32
        %get3A_1612 = tpu.memref_slice %arg7[%scan3A_1242, %get3A_1610, %get3A_1611] : memref<2x280x128xf32, #tpu.memory_space<vmem>> -> memref<1x280x128xf32, #tpu.memory_space<vmem>>
        %get3A_1613 = tpu.memref_squeeze %get3A_1612 : memref<1x280x128xf32, #tpu.memory_space<vmem>> -> memref<280x128xf32, #tpu.memory_space<vmem>>
        %get3A_1614 = arith.index_cast %add3A_1609 : i32 to index
        %get3A_1615 = arith.constant 0 : index
        %get3A_1616 = tpu.vector_load %get3A_1613[%get3A_1614, %get3A_1615] {strides = array<i32>} : memref<280x128xf32, #tpu.memory_space<vmem>>, vector<16xf32>,
        %mul3A_1617 = vector.broadcast %squeeze3A_1607 : f32 to vector<16xf32>
        %mul3A_1618 = arith.mulf %mul3A_1617, %get3A_1616 : vector<16xf32>
        %add3A_1619 = arith.addf %add3A_1515, %mul3A_1618 : vector<16xf32>
        %add3A_1620 = arith.constant 10 : i32
        %add3A_1621 = arith.addi %add3A_1295, %add3A_1620 : i32
        %get3A_1622 = arith.constant 0 : i32
        %get3A_1623 = arith.constant 0 : i32
        %get3A_1624 = tpu.memref_slice %arg7[%scan3A_1242, %get3A_1622, %get3A_1623] : memref<2x280x128xf32, #tpu.memory_space<vmem>> -> memref<1x280x128xf32, #tpu.memory_space<vmem>>
        %get3A_1625 = tpu.memref_squeeze %get3A_1624 : memref<1x280x128xf32, #tpu.memory_space<vmem>> -> memref<280x128xf32, #tpu.memory_space<vmem>>
        %get3A_1626 = arith.index_cast %add3A_1621 : i32 to index
        %get3A_1627 = arith.constant 16 : index
        %get3A_1628 = tpu.vector_load %get3A_1625[%get3A_1626, %get3A_1627] {strides = array<i32>} : memref<280x128xf32, #tpu.memory_space<vmem>>, vector<16xf32>,
        %mul3A_1629 = vector.broadcast %squeeze3A_1607 : f32 to vector<16xf32>
        %mul3A_1630 = arith.mulf %mul3A_1629, %get3A_1628 : vector<16xf32>
        %add3A_1631 = arith.addf %add3A_1527, %mul3A_1630 : vector<16xf32>
        %slice3A_1632 = vector.extract_strided_slice %div3A_1324 {offsets = [11], sizes = [1], strides = [1]} : vector<16xf32> to vector<1xf32>
        %squeeze3A_1633 = vector.extract %slice3A_1632[0] : f32 from vector<1xf32>
        %add3A_1634 = arith.constant 11 : i32
        %add3A_1635 = arith.addi %add3A_1295, %add3A_1634 : i32
        %get3A_1636 = arith.constant 0 : i32
        %get3A_1637 = arith.constant 0 : i32
        %get3A_1638 = tpu.memref_slice %arg7[%scan3A_1242, %get3A_1636, %get3A_1637] : memref<2x280x128xf32, #tpu.memory_space<vmem>> -> memref<1x280x128xf32, #tpu.memory_space<vmem>>
        %get3A_1639 = tpu.memref_squeeze %get3A_1638 : memref<1x280x128xf32, #tpu.memory_space<vmem>> -> memref<280x128xf32, #tpu.memory_space<vmem>>
        %get3A_1640 = arith.index_cast %add3A_1635 : i32 to index
        %get3A_1641 = arith.constant 0 : index
        %get3A_1642 = tpu.vector_load %get3A_1639[%get3A_1640, %get3A_1641] {strides = array<i32>} : memref<280x128xf32, #tpu.memory_space<vmem>>, vector<16xf32>,
        %mul3A_1643 = vector.broadcast %squeeze3A_1633 : f32 to vector<16xf32>
        %mul3A_1644 = arith.mulf %mul3A_1643, %get3A_1642 : vector<16xf32>
        %add3A_1645 = arith.addf %add3A_1541, %mul3A_1644 : vector<16xf32>
        %add3A_1646 = arith.constant 11 : i32
        %add3A_1647 = arith.addi %add3A_1295, %add3A_1646 : i32
        %get3A_1648 = arith.constant 0 : i32
        %get3A_1649 = arith.constant 0 : i32
        %get3A_1650 = tpu.memref_slice %arg7[%scan3A_1242, %get3A_1648, %get3A_1649] : memref<2x280x128xf32, #tpu.memory_space<vmem>> -> memref<1x280x128xf32, #tpu.memory_space<vmem>>
        %get3A_1651 = tpu.memref_squeeze %get3A_1650 : memref<1x280x128xf32, #tpu.memory_space<vmem>> -> memref<280x128xf32, #tpu.memory_space<vmem>>
        %get3A_1652 = arith.index_cast %add3A_1647 : i32 to index
        %get3A_1653 = arith.constant 16 : index
        %get3A_1654 = tpu.vector_load %get3A_1651[%get3A_1652, %get3A_1653] {strides = array<i32>} : memref<280x128xf32, #tpu.memory_space<vmem>>, vector<16xf32>,
        %mul3A_1655 = vector.broadcast %squeeze3A_1633 : f32 to vector<16xf32>
        %mul3A_1656 = arith.mulf %mul3A_1655, %get3A_1654 : vector<16xf32>
        %add3A_1657 = arith.addf %add3A_1553, %mul3A_1656 : vector<16xf32>
        %slice3A_1658 = vector.extract_strided_slice %div3A_1324 {offsets = [12], sizes = [1], strides = [1]} : vector<16xf32> to vector<1xf32>
        %squeeze3A_1659 = vector.extract %slice3A_1658[0] : f32 from vector<1xf32>
        %add3A_1660 = arith.constant 12 : i32
        %add3A_1661 = arith.addi %add3A_1295, %add3A_1660 : i32
        %get3A_1662 = arith.constant 0 : i32
        %get3A_1663 = arith.constant 0 : i32
        %get3A_1664 = tpu.memref_slice %arg7[%scan3A_1242, %get3A_1662, %get3A_1663] : memref<2x280x128xf32, #tpu.memory_space<vmem>> -> memref<1x280x128xf32, #tpu.memory_space<vmem>>
        %get3A_1665 = tpu.memref_squeeze %get3A_1664 : memref<1x280x128xf32, #tpu.memory_space<vmem>> -> memref<280x128xf32, #tpu.memory_space<vmem>>
        %get3A_1666 = arith.index_cast %add3A_1661 : i32 to index
        %get3A_1667 = arith.constant 0 : index
        %get3A_1668 = tpu.vector_load %get3A_1665[%get3A_1666, %get3A_1667] {strides = array<i32>} : memref<280x128xf32, #tpu.memory_space<vmem>>, vector<16xf32>,
        %mul3A_1669 = vector.broadcast %squeeze3A_1659 : f32 to vector<16xf32>
        %mul3A_1670 = arith.mulf %mul3A_1669, %get3A_1668 : vector<16xf32>
        %add3A_1671 = arith.addf %add3A_1567, %mul3A_1670 : vector<16xf32>
        %add3A_1672 = arith.constant 12 : i32
        %add3A_1673 = arith.addi %add3A_1295, %add3A_1672 : i32
        %get3A_1674 = arith.constant 0 : i32
        %get3A_1675 = arith.constant 0 : i32
        %get3A_1676 = tpu.memref_slice %arg7[%scan3A_1242, %get3A_1674, %get3A_1675] : memref<2x280x128xf32, #tpu.memory_space<vmem>> -> memref<1x280x128xf32, #tpu.memory_space<vmem>>
        %get3A_1677 = tpu.memref_squeeze %get3A_1676 : memref<1x280x128xf32, #tpu.memory_space<vmem>> -> memref<280x128xf32, #tpu.memory_space<vmem>>
        %get3A_1678 = arith.index_cast %add3A_1673 : i32 to index
        %get3A_1679 = arith.constant 16 : index
        %get3A_1680 = tpu.vector_load %get3A_1677[%get3A_1678, %get3A_1679] {strides = array<i32>} : memref<280x128xf32, #tpu.memory_space<vmem>>, vector<16xf32>,
        %mul3A_1681 = vector.broadcast %squeeze3A_1659 : f32 to vector<16xf32>
        %mul3A_1682 = arith.mulf %mul3A_1681, %get3A_1680 : vector<16xf32>
        %add3A_1683 = arith.addf %add3A_1579, %mul3A_1682 : vector<16xf32>
        %slice3A_1684 = vector.extract_strided_slice %div3A_1324 {offsets = [13], sizes = [1], strides = [1]} : vector<16xf32> to vector<1xf32>
        %squeeze3A_1685 = vector.extract %slice3A_1684[0] : f32 from vector<1xf32>
        %add3A_1686 = arith.constant 13 : i32
        %add3A_1687 = arith.addi %add3A_1295, %add3A_1686 : i32
        %get3A_1688 = arith.constant 0 : i32
        %get3A_1689 = arith.constant 0 : i32
        %get3A_1690 = tpu.memref_slice %arg7[%scan3A_1242, %get3A_1688, %get3A_1689] : memref<2x280x128xf32, #tpu.memory_space<vmem>> -> memref<1x280x128xf32, #tpu.memory_space<vmem>>
        %get3A_1691 = tpu.memref_squeeze %get3A_1690 : memref<1x280x128xf32, #tpu.memory_space<vmem>> -> memref<280x128xf32, #tpu.memory_space<vmem>>
        %get3A_1692 = arith.index_cast %add3A_1687 : i32 to index
        %get3A_1693 = arith.constant 0 : index
        %get3A_1694 = tpu.vector_load %get3A_1691[%get3A_1692, %get3A_1693] {strides = array<i32>} : memref<280x128xf32, #tpu.memory_space<vmem>>, vector<16xf32>,
        %mul3A_1695 = vector.broadcast %squeeze3A_1685 : f32 to vector<16xf32>
        %mul3A_1696 = arith.mulf %mul3A_1695, %get3A_1694 : vector<16xf32>
        %add3A_1697 = arith.addf %add3A_1593, %mul3A_1696 : vector<16xf32>
        %add3A_1698 = arith.constant 13 : i32
        %add3A_1699 = arith.addi %add3A_1295, %add3A_1698 : i32
        %get3A_1700 = arith.constant 0 : i32
        %get3A_1701 = arith.constant 0 : i32
        %get3A_1702 = tpu.memref_slice %arg7[%scan3A_1242, %get3A_1700, %get3A_1701] : memref<2x280x128xf32, #tpu.memory_space<vmem>> -> memref<1x280x128xf32, #tpu.memory_space<vmem>>
        %get3A_1703 = tpu.memref_squeeze %get3A_1702 : memref<1x280x128xf32, #tpu.memory_space<vmem>> -> memref<280x128xf32, #tpu.memory_space<vmem>>
        %get3A_1704 = arith.index_cast %add3A_1699 : i32 to index
        %get3A_1705 = arith.constant 16 : index
        %get3A_1706 = tpu.vector_load %get3A_1703[%get3A_1704, %get3A_1705] {strides = array<i32>} : memref<280x128xf32, #tpu.memory_space<vmem>>, vector<16xf32>,
        %mul3A_1707 = vector.broadcast %squeeze3A_1685 : f32 to vector<16xf32>
        %mul3A_1708 = arith.mulf %mul3A_1707, %get3A_1706 : vector<16xf32>
        %add3A_1709 = arith.addf %add3A_1605, %mul3A_1708 : vector<16xf32>
        %slice3A_1710 = vector.extract_strided_slice %div3A_1324 {offsets = [14], sizes = [1], strides = [1]} : vector<16xf32> to vector<1xf32>
        %squeeze3A_1711 = vector.extract %slice3A_1710[0] : f32 from vector<1xf32>
        %add3A_1712 = arith.constant 14 : i32
        %add3A_1713 = arith.addi %add3A_1295, %add3A_1712 : i32
        %get3A_1714 = arith.constant 0 : i32
        %get3A_1715 = arith.constant 0 : i32
        %get3A_1716 = tpu.memref_slice %arg7[%scan3A_1242, %get3A_1714, %get3A_1715] : memref<2x280x128xf32, #tpu.memory_space<vmem>> -> memref<1x280x128xf32, #tpu.memory_space<vmem>>
        %get3A_1717 = tpu.memref_squeeze %get3A_1716 : memref<1x280x128xf32, #tpu.memory_space<vmem>> -> memref<280x128xf32, #tpu.memory_space<vmem>>
        %get3A_1718 = arith.index_cast %add3A_1713 : i32 to index
        %get3A_1719 = arith.constant 0 : index
        %get3A_1720 = tpu.vector_load %get3A_1717[%get3A_1718, %get3A_1719] {strides = array<i32>} : memref<280x128xf32, #tpu.memory_space<vmem>>, vector<16xf32>,
        %mul3A_1721 = vector.broadcast %squeeze3A_1711 : f32 to vector<16xf32>
        %mul3A_1722 = arith.mulf %mul3A_1721, %get3A_1720 : vector<16xf32>
        %add3A_1723 = arith.addf %add3A_1619, %mul3A_1722 : vector<16xf32>
        %add3A_1724 = arith.constant 14 : i32
        %add3A_1725 = arith.addi %add3A_1295, %add3A_1724 : i32
        %get3A_1726 = arith.constant 0 : i32
        %get3A_1727 = arith.constant 0 : i32
        %get3A_1728 = tpu.memref_slice %arg7[%scan3A_1242, %get3A_1726, %get3A_1727] : memref<2x280x128xf32, #tpu.memory_space<vmem>> -> memref<1x280x128xf32, #tpu.memory_space<vmem>>
        %get3A_1729 = tpu.memref_squeeze %get3A_1728 : memref<1x280x128xf32, #tpu.memory_space<vmem>> -> memref<280x128xf32, #tpu.memory_space<vmem>>
        %get3A_1730 = arith.index_cast %add3A_1725 : i32 to index
        %get3A_1731 = arith.constant 16 : index
        %get3A_1732 = tpu.vector_load %get3A_1729[%get3A_1730, %get3A_1731] {strides = array<i32>} : memref<280x128xf32, #tpu.memory_space<vmem>>, vector<16xf32>,
        %mul3A_1733 = vector.broadcast %squeeze3A_1711 : f32 to vector<16xf32>
        %mul3A_1734 = arith.mulf %mul3A_1733, %get3A_1732 : vector<16xf32>
        %add3A_1735 = arith.addf %add3A_1631, %mul3A_1734 : vector<16xf32>
        %slice3A_1736 = vector.extract_strided_slice %div3A_1324 {offsets = [15], sizes = [1], strides = [1]} : vector<16xf32> to vector<1xf32>
        %squeeze3A_1737 = vector.extract %slice3A_1736[0] : f32 from vector<1xf32>
        %add3A_1738 = arith.constant 15 : i32
        %add3A_1739 = arith.addi %add3A_1295, %add3A_1738 : i32
        %get3A_1740 = arith.constant 0 : i32
        %get3A_1741 = arith.constant 0 : i32
        %get3A_1742 = tpu.memref_slice %arg7[%scan3A_1242, %get3A_1740, %get3A_1741] : memref<2x280x128xf32, #tpu.memory_space<vmem>> -> memref<1x280x128xf32, #tpu.memory_space<vmem>>
        %get3A_1743 = tpu.memref_squeeze %get3A_1742 : memref<1x280x128xf32, #tpu.memory_space<vmem>> -> memref<280x128xf32, #tpu.memory_space<vmem>>
        %get3A_1744 = arith.index_cast %add3A_1739 : i32 to index
        %get3A_1745 = arith.constant 0 : index
        %get3A_1746 = tpu.vector_load %get3A_1743[%get3A_1744, %get3A_1745] {strides = array<i32>} : memref<280x128xf32, #tpu.memory_space<vmem>>, vector<16xf32>,
        %mul3A_1747 = vector.broadcast %squeeze3A_1737 : f32 to vector<16xf32>
        %mul3A_1748 = arith.mulf %mul3A_1747, %get3A_1746 : vector<16xf32>
        %add3A_1749 = arith.addf %add3A_1645, %mul3A_1748 : vector<16xf32>
        %add3A_1750 = arith.constant 15 : i32
        %add3A_1751 = arith.addi %add3A_1295, %add3A_1750 : i32
        %get3A_1752 = arith.constant 0 : i32
        %get3A_1753 = arith.constant 0 : i32
        %get3A_1754 = tpu.memref_slice %arg7[%scan3A_1242, %get3A_1752, %get3A_1753] : memref<2x280x128xf32, #tpu.memory_space<vmem>> -> memref<1x280x128xf32, #tpu.memory_space<vmem>>
        %get3A_1755 = tpu.memref_squeeze %get3A_1754 : memref<1x280x128xf32, #tpu.memory_space<vmem>> -> memref<280x128xf32, #tpu.memory_space<vmem>>
        %get3A_1756 = arith.index_cast %add3A_1751 : i32 to index
        %get3A_1757 = arith.constant 16 : index
        %get3A_1758 = tpu.vector_load %get3A_1755[%get3A_1756, %get3A_1757] {strides = array<i32>} : memref<280x128xf32, #tpu.memory_space<vmem>>, vector<16xf32>,
        %mul3A_1759 = vector.broadcast %squeeze3A_1737 : f32 to vector<16xf32>
        %mul3A_1760 = arith.mulf %mul3A_1759, %get3A_1758 : vector<16xf32>
        %add3A_1761 = arith.addf %add3A_1657, %mul3A_1760 : vector<16xf32>
        %add3A_1762 = arith.addf %add3A_1671, %add3A_1697 : vector<16xf32>
        %add3A_1763 = arith.addf %add3A_1723, %add3A_1749 : vector<16xf32>
        %add3A_1764 = arith.addf %add3A_1762, %add3A_1763 : vector<16xf32>
        %add3A_1765 = arith.addf %add3A_1683, %add3A_1709 : vector<16xf32>
        %add3A_1766 = arith.addf %add3A_1735, %add3A_1761 : vector<16xf32>
        %add3A_1767 = arith.addf %add3A_1765, %add3A_1766 : vector<16xf32>
        %add3A_1768 = arith.constant 1 : i32
        %add3A_1769 = arith.addi %add3A_1768, %scan3A_1280 : i32
        %get3A_1770 = arith.constant 0 : i32
        %get3A_1771 = arith.constant 0 : i32
        %get3A_1772 = tpu.memref_slice %arg7[%scan3A_1242, %get3A_1770, %get3A_1771] : memref<2x280x128xf32, #tpu.memory_space<vmem>> -> memref<1x280x128xf32, #tpu.memory_space<vmem>>
        %get3A_1773 = tpu.memref_squeeze %get3A_1772 : memref<1x280x128xf32, #tpu.memory_space<vmem>> -> memref<280x128xf32, #tpu.memory_space<vmem>>
        %get3A_1774 = arith.index_cast %add3A_1769 : i32 to index
        %get3A_1775 = arith.constant 0 : index
        %get3A_1776 = tpu.vector_load %get3A_1773[%get3A_1774, %get3A_1775] {strides = array<i32>} : memref<280x128xf32, #tpu.memory_space<vmem>>, vector<16xf32>,
        %swap3A_1777 = arith.constant 1 : i32
        %swap3A_1778 = arith.index_cast %swap3A_1777 : i32 to index
        %swap3A_1779 = arith.index_cast %scan3A_1280 : i32 to index
        %swap3A_1780 = arith.constant 0 : index
        %swap3A_1781 = tpu.vector_load %arg8[%swap3A_1778, %swap3A_1779, %swap3A_1780] {strides = array<i32>} : memref<2x16x128xf32, #tpu.memory_space<vmem>>, vector<16xf32>,
        tpu.vector_store %arg8[%swap3A_1778, %swap3A_1779, %swap3A_1780], %get3A_1776 {strides = array<i32>} : memref<2x16x128xf32, #tpu.memory_space<vmem>>, vector<16xf32>,
        %add3A_1782 = arith.constant 1 : i32
        %add3A_1783 = arith.addi %add3A_1782, %scan3A_1280 : i32
        %get3A_1784 = arith.constant 0 : i32
        %get3A_1785 = arith.constant 0 : i32
        %get3A_1786 = tpu.memref_slice %arg7[%scan3A_1242, %get3A_1784, %get3A_1785] : memref<2x280x128xf32, #tpu.memory_space<vmem>> -> memref<1x280x128xf32, #tpu.memory_space<vmem>>
        %get3A_1787 = tpu.memref_squeeze %get3A_1786 : memref<1x280x128xf32, #tpu.memory_space<vmem>> -> memref<280x128xf32, #tpu.memory_space<vmem>>
        %get3A_1788 = arith.index_cast %add3A_1783 : i32 to index
        %get3A_1789 = arith.constant 16 : index
        %get3A_1790 = tpu.vector_load %get3A_1787[%get3A_1788, %get3A_1789] {strides = array<i32>} : memref<280x128xf32, #tpu.memory_space<vmem>>, vector<16xf32>,
        %swap3A_1791 = arith.constant 1 : i32
        %swap3A_1792 = arith.index_cast %swap3A_1791 : i32 to index
        %swap3A_1793 = arith.index_cast %scan3A_1280 : i32 to index
        %swap3A_1794 = arith.constant 16 : index
        %swap3A_1795 = tpu.vector_load %arg8[%swap3A_1792, %swap3A_1793, %swap3A_1794] {strides = array<i32>} : memref<2x16x128xf32, #tpu.memory_space<vmem>>, vector<16xf32>,
        tpu.vector_store %arg8[%swap3A_1792, %swap3A_1793, %swap3A_1794], %get3A_1790 {strides = array<i32>} : memref<2x16x128xf32, #tpu.memory_space<vmem>>, vector<16xf32>,
        %swap3A_1796 = arith.constant 1 : i32
        %swap3A_1797 = arith.index_cast %swap3A_1796 : i32 to index
        %swap3A_1798 = arith.index_cast %scan3A_1280 : i32 to index
        %swap3A_1799 = arith.constant 32 : index
        %swap3A_1800 = tpu.vector_load %arg8[%swap3A_1797, %swap3A_1798, %swap3A_1799] {strides = array<i32>} : memref<2x16x128xf32, #tpu.memory_space<vmem>>, vector<16xf32>,
        tpu.vector_store %arg8[%swap3A_1797, %swap3A_1798, %swap3A_1799], %add3A_1764 {strides = array<i32>} : memref<2x16x128xf32, #tpu.memory_space<vmem>>, vector<16xf32>,
        %swap3A_1801 = arith.constant 1 : i32
        %swap3A_1802 = arith.index_cast %swap3A_1801 : i32 to index
        %swap3A_1803 = arith.index_cast %scan3A_1280 : i32 to index
        %swap3A_1804 = arith.constant 48 : index
        %swap3A_1805 = tpu.vector_load %arg8[%swap3A_1802, %swap3A_1803, %swap3A_1804] {strides = array<i32>} : memref<2x16x128xf32, #tpu.memory_space<vmem>>, vector<16xf32>,
        tpu.vector_store %arg8[%swap3A_1802, %swap3A_1803, %swap3A_1804], %add3A_1767 {strides = array<i32>} : memref<2x16x128xf32, #tpu.memory_space<vmem>>, vector<16xf32>,
      }
      %scan3A_1247 = arith.constant 16 : i32
      %add3A_1248 = arith.addi %mul3A_2, %add3A_726 : i32
      %dma_start3A_1249 = arith.constant 1 : i32
      %dma_start3A_1250 = arith.constant 0 : i32
      %dma_start3A_1251 = tpu.memref_slice %arg9[%dma_start3A_1249, %dma_start3A_1250] : memref<2x128xf32, #tpu.memory_space<vmem>> -> memref<1x128xf32, #tpu.memory_space<vmem>>
      %dma_start3A_1252 = tpu.memref_squeeze %dma_start3A_1251 : memref<1x128xf32, #tpu.memory_space<vmem>> -> memref<128xf32, #tpu.memory_space<vmem>>
      %dma_start3A_1253 = arith.constant 0 : i32
      %dma_start3A_1254 = tpu.memref_slice %arg5[%add3A_1248, %dma_start3A_1253] : memref<2048x128xf32, #tpu.memory_space<hbm>> -> memref<1x128xf32, #tpu.memory_space<hbm>>
      %dma_start3A_1255 = tpu.memref_squeeze %dma_start3A_1254 : memref<1x128xf32, #tpu.memory_space<hbm>> -> memref<128xf32, #tpu.memory_space<hbm>>
      %dma_start3A_1256 = arith.constant 0 : i32
      %dma_start3A_1257 = tpu.memref_slice %arg5[%add3A_1248, %dma_start3A_1256] : memref<2048x128xf32, #tpu.memory_space<hbm>> -> memref<1x128xf32, #tpu.memory_space<hbm>>
      %dma_start3A_1258 = tpu.memref_squeeze %dma_start3A_1257 : memref<1x128xf32, #tpu.memory_space<hbm>> -> memref<128xf32, #tpu.memory_space<hbm>>
      %dma_start3A_1259 = arith.constant 0 : i32
      %dma_start3A_1260 = tpu.memref_slice %arg9[%dma_start3A_1249, %dma_start3A_1259] : memref<2x128xf32, #tpu.memory_space<vmem>> -> memref<1x128xf32, #tpu.memory_space<vmem>>
      %dma_start3A_1261 = tpu.memref_squeeze %dma_start3A_1260 : memref<1x128xf32, #tpu.memory_space<vmem>> -> memref<128xf32, #tpu.memory_space<vmem>>
      tpu.enqueue_dma source(%dma_start3A_1261 : memref<128xf32, #tpu.memory_space<vmem>>) target(%dma_start3A_1258 : memref<128xf32, #tpu.memory_space<hbm>>) target_semaphore(%arg13 : memref<!tpu.dma_semaphore, #tpu.memory_space<semaphore_mem>>)
      %add3A_1262 = arith.addi %mul3A_2, %add3A_726 : i32
      %dma_start3A_1263 = arith.constant 1 : i32
      %dma_start3A_1264 = arith.constant 0 : i32
      %dma_start3A_1265 = arith.constant 0 : i32
      %dma_start3A_1266 = tpu.memref_slice %arg8[%dma_start3A_1263, %dma_start3A_1264, %dma_start3A_1265] : memref<2x16x128xf32, #tpu.memory_space<vmem>> -> memref<1x16x128xf32, #tpu.memory_space<vmem>>
      %dma_start3A_1267 = tpu.memref_squeeze %dma_start3A_1266 : memref<1x16x128xf32, #tpu.memory_space<vmem>> -> memref<16x128xf32, #tpu.memory_space<vmem>>
      %dma_start3A_1268 = arith.constant 0 : i32
      %dma_start3A_1269 = arith.constant 0 : i32
      %dma_start3A_1270 = tpu.memref_slice %arg4[%add3A_1262, %dma_start3A_1268, %dma_start3A_1269] : memref<2048x16x128xf32, #tpu.memory_space<hbm>> -> memref<1x16x128xf32, #tpu.memory_space<hbm>>
      %dma_start3A_1271 = tpu.memref_squeeze %dma_start3A_1270 : memref<1x16x128xf32, #tpu.memory_space<hbm>> -> memref<16x128xf32, #tpu.memory_space<hbm>>
      %dma_start3A_1272 = arith.constant 0 : i32
      %dma_start3A_1273 = arith.constant 0 : i32
      %dma_start3A_1274 = tpu.memref_slice %arg4[%add3A_1262, %dma_start3A_1272, %dma_start3A_1273] : memref<2048x16x128xf32, #tpu.memory_space<hbm>> -> memref<1x16x128xf32, #tpu.memory_space<hbm>>
      %dma_start3A_1275 = tpu.memref_squeeze %dma_start3A_1274 : memref<1x16x128xf32, #tpu.memory_space<hbm>> -> memref<16x128xf32, #tpu.memory_space<hbm>>
      %dma_start3A_1276 = arith.constant 0 : i32
      %dma_start3A_1277 = arith.constant 0 : i32
      %dma_start3A_1278 = tpu.memref_slice %arg8[%dma_start3A_1263, %dma_start3A_1276, %dma_start3A_1277] : memref<2x16x128xf32, #tpu.memory_space<vmem>> -> memref<1x16x128xf32, #tpu.memory_space<vmem>>
      %dma_start3A_1279 = tpu.memref_squeeze %dma_start3A_1278 : memref<1x16x128xf32, #tpu.memory_space<vmem>> -> memref<16x128xf32, #tpu.memory_space<vmem>>
      tpu.enqueue_dma source(%dma_start3A_1279 : memref<16x128xf32, #tpu.memory_space<vmem>>) target(%dma_start3A_1275 : memref<16x128xf32, #tpu.memory_space<hbm>>) target_semaphore(%arg13 : memref<!tpu.dma_semaphore, #tpu.memory_space<semaphore_mem>>)
    }
    %scan3A_43 = arith.constant 32 : i32
    %dma_wait3A = arith.constant 0 : i32
    %dma_wait3A_44 = arith.constant 0 : i32
    %dma_wait3A_45 = tpu.memref_slice %arg9[%dma_wait3A, %dma_wait3A_44] : memref<2x128xf32, #tpu.memory_space<vmem>> -> memref<1x128xf32, #tpu.memory_space<vmem>>
    %dma_wait3A_46 = tpu.memref_squeeze %dma_wait3A_45 : memref<1x128xf32, #tpu.memory_space<vmem>> -> memref<128xf32, #tpu.memory_space<vmem>>
    %dma_wait3A_47 = arith.constant 0 : i32
    %dma_wait3A_48 = tpu.memref_slice %arg5[%mul3A_2, %dma_wait3A_47] : memref<2048x128xf32, #tpu.memory_space<hbm>> -> memref<1x128xf32, #tpu.memory_space<hbm>>
    %dma_wait3A_49 = tpu.memref_squeeze %dma_wait3A_48 : memref<1x128xf32, #tpu.memory_space<hbm>> -> memref<128xf32, #tpu.memory_space<hbm>>
    %dma_wait3A_50 = arith.constant 0 : i32
    %dma_wait3A_51 = tpu.memref_slice %arg5[%mul3A_2, %dma_wait3A_50] : memref<2048x128xf32, #tpu.memory_space<hbm>> -> memref<1x128xf32, #tpu.memory_space<hbm>>
    %dma_wait3A_52 = tpu.memref_squeeze %dma_wait3A_51 : memref<1x128xf32, #tpu.memory_space<hbm>> -> memref<128xf32, #tpu.memory_space<hbm>>
    %dma_wait3A_53 = arith.constant 0 : i32
    %dma_wait3A_54 = tpu.memref_slice %arg9[%dma_wait3A, %dma_wait3A_53] : memref<2x128xf32, #tpu.memory_space<vmem>> -> memref<1x128xf32, #tpu.memory_space<vmem>>
    %dma_wait3A_55 = tpu.memref_squeeze %dma_wait3A_54 : memref<1x128xf32, #tpu.memory_space<vmem>> -> memref<128xf32, #tpu.memory_space<vmem>>
    tpu.wait_dma2 semaphore(%arg12 : memref<!tpu.dma_semaphore, #tpu.memory_space<semaphore_mem>>) src(%dma_wait3A_55 : memref<128xf32, #tpu.memory_space<vmem>>) dst(%dma_wait3A_52 : memref<128xf32, #tpu.memory_space<hbm>>)
    %dma_wait3A_56 = arith.constant 0 : i32
    %dma_wait3A_57 = arith.constant 0 : i32
    %dma_wait3A_58 = arith.constant 0 : i32
    %dma_wait3A_59 = tpu.memref_slice %arg8[%dma_wait3A_56, %dma_wait3A_57, %dma_wait3A_58] : memref<2x16x128xf32, #tpu.memory_space<vmem>> -> memref<1x16x128xf32, #tpu.memory_space<vmem>>
    %dma_wait3A_60 = tpu.memref_squeeze %dma_wait3A_59 : memref<1x16x128xf32, #tpu.memory_space<vmem>> -> memref<16x128xf32, #tpu.memory_space<vmem>>
    %dma_wait3A_61 = arith.constant 0 : i32
    %dma_wait3A_62 = arith.constant 0 : i32
    %dma_wait3A_63 = tpu.memref_slice %arg4[%mul3A_2, %dma_wait3A_61, %dma_wait3A_62] : memref<2048x16x128xf32, #tpu.memory_space<hbm>> -> memref<1x16x128xf32, #tpu.memory_space<hbm>>
    %dma_wait3A_64 = tpu.memref_squeeze %dma_wait3A_63 : memref<1x16x128xf32, #tpu.memory_space<hbm>> -> memref<16x128xf32, #tpu.memory_space<hbm>>
    %dma_wait3A_65 = arith.constant 0 : i32
    %dma_wait3A_66 = arith.constant 0 : i32
    %dma_wait3A_67 = tpu.memref_slice %arg4[%mul3A_2, %dma_wait3A_65, %dma_wait3A_66] : memref<2048x16x128xf32, #tpu.memory_space<hbm>> -> memref<1x16x128xf32, #tpu.memory_space<hbm>>
    %dma_wait3A_68 = tpu.memref_squeeze %dma_wait3A_67 : memref<1x16x128xf32, #tpu.memory_space<hbm>> -> memref<16x128xf32, #tpu.memory_space<hbm>>
    %dma_wait3A_69 = arith.constant 0 : i32
    %dma_wait3A_70 = arith.constant 0 : i32
    %dma_wait3A_71 = tpu.memref_slice %arg8[%dma_wait3A_56, %dma_wait3A_69, %dma_wait3A_70] : memref<2x16x128xf32, #tpu.memory_space<vmem>> -> memref<1x16x128xf32, #tpu.memory_space<vmem>>
    %dma_wait3A_72 = tpu.memref_squeeze %dma_wait3A_71 : memref<1x16x128xf32, #tpu.memory_space<vmem>> -> memref<16x128xf32, #tpu.memory_space<vmem>>
    tpu.wait_dma2 semaphore(%arg12 : memref<!tpu.dma_semaphore, #tpu.memory_space<semaphore_mem>>) src(%dma_wait3A_72 : memref<16x128xf32, #tpu.memory_space<vmem>>) dst(%dma_wait3A_68 : memref<16x128xf32, #tpu.memory_space<hbm>>)
    %dma_wait3A_73 = arith.constant 1 : i32
    %dma_wait3A_74 = arith.constant 0 : i32
    %dma_wait3A_75 = tpu.memref_slice %arg9[%dma_wait3A_73, %dma_wait3A_74] : memref<2x128xf32, #tpu.memory_space<vmem>> -> memref<1x128xf32, #tpu.memory_space<vmem>>
    %dma_wait3A_76 = tpu.memref_squeeze %dma_wait3A_75 : memref<1x128xf32, #tpu.memory_space<vmem>> -> memref<128xf32, #tpu.memory_space<vmem>>
    %dma_wait3A_77 = arith.constant 0 : i32
    %dma_wait3A_78 = tpu.memref_slice %arg5[%mul3A_2, %dma_wait3A_77] : memref<2048x128xf32, #tpu.memory_space<hbm>> -> memref<1x128xf32, #tpu.memory_space<hbm>>
    %dma_wait3A_79 = tpu.memref_squeeze %dma_wait3A_78 : memref<1x128xf32, #tpu.memory_space<hbm>> -> memref<128xf32, #tpu.memory_space<hbm>>
    %dma_wait3A_80 = arith.constant 0 : i32
    %dma_wait3A_81 = tpu.memref_slice %arg5[%mul3A_2, %dma_wait3A_80] : memref<2048x128xf32, #tpu.memory_space<hbm>> -> memref<1x128xf32, #tpu.memory_space<hbm>>
    %dma_wait3A_82 = tpu.memref_squeeze %dma_wait3A_81 : memref<1x128xf32, #tpu.memory_space<hbm>> -> memref<128xf32, #tpu.memory_space<hbm>>
    %dma_wait3A_83 = arith.constant 0 : i32
    %dma_wait3A_84 = tpu.memref_slice %arg9[%dma_wait3A_73, %dma_wait3A_83] : memref<2x128xf32, #tpu.memory_space<vmem>> -> memref<1x128xf32, #tpu.memory_space<vmem>>
    %dma_wait3A_85 = tpu.memref_squeeze %dma_wait3A_84 : memref<1x128xf32, #tpu.memory_space<vmem>> -> memref<128xf32, #tpu.memory_space<vmem>>
    tpu.wait_dma2 semaphore(%arg13 : memref<!tpu.dma_semaphore, #tpu.memory_space<semaphore_mem>>) src(%dma_wait3A_85 : memref<128xf32, #tpu.memory_space<vmem>>) dst(%dma_wait3A_82 : memref<128xf32, #tpu.memory_space<hbm>>)
    %dma_wait3A_86 = arith.constant 1 : i32
    %dma_wait3A_87 = arith.constant 0 : i32
    %dma_wait3A_88 = arith.constant 0 : i32
    %dma_wait3A_89 = tpu.memref_slice %arg8[%dma_wait3A_86, %dma_wait3A_87, %dma_wait3A_88] : memref<2x16x128xf32, #tpu.memory_space<vmem>> -> memref<1x16x128xf32, #tpu.memory_space<vmem>>
    %dma_wait3A_90 = tpu.memref_squeeze %dma_wait3A_89 : memref<1x16x128xf32, #tpu.memory_space<vmem>> -> memref<16x128xf32, #tpu.memory_space<vmem>>
    %dma_wait3A_91 = arith.constant 0 : i32
    %dma_wait3A_92 = arith.constant 0 : i32
    %dma_wait3A_93 = tpu.memref_slice %arg4[%mul3A_2, %dma_wait3A_91, %dma_wait3A_92] : memref<2048x16x128xf32, #tpu.memory_space<hbm>> -> memref<1x16x128xf32, #tpu.memory_space<hbm>>
    %dma_wait3A_94 = tpu.memref_squeeze %dma_wait3A_93 : memref<1x16x128xf32, #tpu.memory_space<hbm>> -> memref<16x128xf32, #tpu.memory_space<hbm>>
    %dma_wait3A_95 = arith.constant 0 : i32
    %dma_wait3A_96 = arith.constant 0 : i32
    %dma_wait3A_97 = tpu.memref_slice %arg4[%mul3A_2, %dma_wait3A_95, %dma_wait3A_96] : memref<2048x16x128xf32, #tpu.memory_space<hbm>> -> memref<1x16x128xf32, #tpu.memory_space<hbm>>
    %dma_wait3A_98 = tpu.memref_squeeze %dma_wait3A_97 : memref<1x16x128xf32, #tpu.memory_space<hbm>> -> memref<16x128xf32, #tpu.memory_space<hbm>>
    %dma_wait3A_99 = arith.constant 0 : i32
    %dma_wait3A_100 = arith.constant 0 : i32
    %dma_wait3A_101 = tpu.memref_slice %arg8[%dma_wait3A_86, %dma_wait3A_99, %dma_wait3A_100] : memref<2x16x128xf32, #tpu.memory_space<vmem>> -> memref<1x16x128xf32, #tpu.memory_space<vmem>>
    %dma_wait3A_102 = tpu.memref_squeeze %dma_wait3A_101 : memref<1x16x128xf32, #tpu.memory_space<vmem>> -> memref<16x128xf32, #tpu.memory_space<vmem>>
    tpu.wait_dma2 semaphore(%arg13 : memref<!tpu.dma_semaphore, #tpu.memory_space<semaphore_mem>>) src(%dma_wait3A_102 : memref<16x128xf32, #tpu.memory_space<vmem>>) dst(%dma_wait3A_98 : memref<16x128xf32, #tpu.memory_space<hbm>>)
    return
  }
}

module attributes {stable_mosaic.version = 14 : i64} {
  func.func @_proj_body(%arg0: i32, %arg1: memref<10000x128xf32, #tpu.memory_space<vmem>>, %arg2: memref<128x128xf32, #tpu.memory_space<vmem>>, %arg3: memref<10000x128xf32, #tpu.memory_space<vmem>>) attributes {dimension_semantics = [#tpu.dimension_semantics<arbitrary>], iteration_bounds = array<i64: 10>, scalar_prefetch = 0 : i64, scratch_operands = 0 : i64, tpu.core_type = #tpu.core_type<tc>, window_params = [{transform_indices = @transform_0, window_bounds = array<i64: 10000, 128>}, {pipeline_mode = #tpu.pipeline_mode<synchronous>, transform_indices = @transform_1, window_bounds = array<i64: 128, 128>}, {transform_indices = @transform_2, window_bounds = array<i64: 10000, 128>}]} {
    %get3A = arith.constant 0 : index
    %get3A_0 = arith.constant 0 : index
    %get3A_1 = vector.load %arg1[%get3A, %get3A_0] : memref<10000x128xf32, #tpu.memory_space<vmem>>, vector<10000x128xf32>
    %get3A_2 = arith.constant 0 : index
    %get3A_3 = arith.constant 0 : index
    %get3A_4 = vector.load %arg2[%get3A_2, %get3A_3] : memref<128x128xf32, #tpu.memory_space<vmem>>, vector<128x128xf32>
    %dot_general3A = arith.constant dense<0.000000e+00> : vector<10000x128xf32>
    %dot_general3A_5 = tpu.matmul %get3A_1, %get3A_4, %dot_general3A {dimension_numbers = #tpu.dot_dimension_numbers<[1], [0], [0], [1], [0, 0, 1, 1], [], []>, transpose_lhs_hint = false} : vector<10000x128xf32>, vector<128x128xf32>, vector<10000x128xf32> -> vector<10000x128xf32>
    %swap3A = arith.constant 0 : index
    %swap3A_6 = arith.constant 0 : index
    %swap3A_7 = vector.load %arg3[%swap3A, %swap3A_6] : memref<10000x128xf32, #tpu.memory_space<vmem>>, vector<10000x128xf32>
    tpu.vector_store %arg3[%swap3A, %swap3A_6], %dot_general3A_5 {strides = array<i32>} : memref<10000x128xf32, #tpu.memory_space<vmem>>, vector<10000x128xf32>,
    return
  }
  func.func @transform_0(%arg0: i32) -> (i32, i32) {
    %c0_i32 = arith.constant 0 : i32
    %c0_i32_0 = arith.constant 0 : i32
    return %arg0, %c0_i32 : i32, i32
  }
  func.func @transform_1(%arg0: i32) -> (i32, i32) {
    %c0_i32 = arith.constant 0 : i32
    %c0_i32_0 = arith.constant 0 : i32
    %c0_i32_1 = arith.constant 0 : i32
    return %c0_i32, %c0_i32_0 : i32, i32
  }
  func.func @transform_2(%arg0: i32) -> (i32, i32) {
    %c0_i32 = arith.constant 0 : i32
    %c0_i32_0 = arith.constant 0 : i32
    return %arg0, %c0_i32 : i32, i32
  }
}

module attributes {stable_mosaic.version = 14 : i64} {
  func.func @_fin_body(%arg0: i32, %arg1: memref<512x16x128xf32, #tpu.memory_space<vmem>>, %arg2: memref<512x128xf32, #tpu.memory_space<vmem>>, %arg3: memref<32x64xf32, #tpu.memory_space<vmem>>, %arg4: memref<32x32xf32, #tpu.memory_space<vmem>>, %arg5: memref<32x2xf32, #tpu.memory_space<vmem>>, %arg6: memref<512x16x17xf32, #tpu.memory_space<vmem>>, %arg7: memref<32x512xf32, #tpu.memory_space<vmem>>) attributes {dimension_semantics = [#tpu.dimension_semantics<arbitrary>], iteration_bounds = array<i64: 4>, scalar_prefetch = 0 : i64, scratch_operands = 0 : i64, tpu.core_type = #tpu.core_type<tc>, window_params = [{transform_indices = @transform_0, window_bounds = array<i64: 512, 16, 128>}, {transform_indices = @transform_1, window_bounds = array<i64: 512, 128>}, {pipeline_mode = #tpu.pipeline_mode<synchronous>, transform_indices = @transform_2, window_bounds = array<i64: 32, 64>}, {pipeline_mode = #tpu.pipeline_mode<synchronous>, transform_indices = @transform_3, window_bounds = array<i64: 32, 32>}, {pipeline_mode = #tpu.pipeline_mode<synchronous>, transform_indices = @transform_4, window_bounds = array<i64: 32, 2>}, {transform_indices = @transform_5, window_bounds = array<i64: 512, 16, 17>}, {transform_indices = @transform_6, window_bounds = array<i64: 32, 512>}]} {
    %get3A = arith.constant 0 : index
    %get3A_0 = arith.constant 0 : index
    %get3A_1 = vector.load %arg3[%get3A, %get3A_0] : memref<32x64xf32, #tpu.memory_space<vmem>>, vector<32x64xf32>
    %get3A_2 = arith.constant 0 : index
    %get3A_3 = arith.constant 0 : index
    %get3A_4 = vector.load %arg4[%get3A_2, %get3A_3] : memref<32x32xf32, #tpu.memory_space<vmem>>, vector<32x32xf32>
    %get3A_5 = arith.constant 0 : index
    %get3A_6 = arith.constant 0 : index
    %get3A_7 = arith.constant 0 : index
    %get3A_8 = vector.load %arg1[%get3A_5, %get3A_6, %get3A_7] : memref<512x16x128xf32, #tpu.memory_space<vmem>>, vector<512x16x64xf32>
    %reshape3A = vector.shape_cast %get3A_8 : vector<512x16x64xf32> to vector<8192x64xf32>
    %dot_general3A = arith.constant dense<0.000000e+00> : vector<8192x32xf32>
    %dot_general3A_9 = tpu.matmul %reshape3A, %get3A_1, %dot_general3A {dimension_numbers = #tpu.dot_dimension_numbers<[1], [1], [0], [0], [0, 0, 1, 0], [], []>, transpose_lhs_hint = false} : vector<8192x64xf32>, vector<32x64xf32>, vector<8192x32xf32> -> vector<8192x32xf32>
    %neg3A = arith.constant 0.000000e+00 : f32
    %neg3A_10 = vector.broadcast %neg3A : f32 to vector<8192x32xf32>
    %neg3A_11 = arith.subf %neg3A_10, %dot_general3A_9 : vector<8192x32xf32>
    %exp3A = math.exp %neg3A_11 : vector<8192x32xf32>
    %add3A = arith.constant 1.000000e+00 : f32
    %add3A_12 = vector.broadcast %add3A : f32 to vector<8192x32xf32>
    %add3A_13 = arith.addf %add3A_12, %exp3A : vector<8192x32xf32>
    %div3A = arith.constant 1.000000e+00 : f32
    %div3A_14 = vector.broadcast %div3A : f32 to vector<8192x32xf32>
    %div3A_15 = arith.divf %div3A_14, %add3A_13 : vector<8192x32xf32>
    %dot_general3A_16 = arith.constant dense<0.000000e+00> : vector<8192x32xf32>
    %dot_general3A_17 = tpu.matmul %div3A_15, %get3A_4, %dot_general3A_16 {dimension_numbers = #tpu.dot_dimension_numbers<[1], [1], [0], [0], [0, 0, 1, 0], [], []>, transpose_lhs_hint = false} : vector<8192x32xf32>, vector<32x32xf32>, vector<8192x32xf32> -> vector<8192x32xf32>
    %get3A_18 = arith.constant 0 : index
    %get3A_19 = arith.constant 0 : index
    %get3A_20 = vector.load %arg5[%get3A_18, %get3A_19] : memref<32x2xf32, #tpu.memory_space<vmem>>, vector<32x2xf32>
    %slice3A = vector.extract_strided_slice %get3A_20 {offsets = [0, 1], sizes = [32, 1], strides = [1, 1]} : vector<32x2xf32> to vector<32x1xf32>
    %dot_general3A_21 = arith.constant dense<0.000000e+00> : vector<8192x1xf32>
    %dot_general3A_22 = tpu.matmul %div3A_15, %slice3A, %dot_general3A_21 {dimension_numbers = #tpu.dot_dimension_numbers<[1], [0], [0], [1], [0, 0, 1, 1], [], []>, transpose_lhs_hint = false} : vector<8192x32xf32>, vector<32x1xf32>, vector<8192x1xf32> -> vector<8192x1xf32>
    %reshape3A_23 = vector.shape_cast %dot_general3A_22 : vector<8192x1xf32> to vector<512x16x1xf32>
    %get3A_24 = arith.constant 0 : index
    %get3A_25 = arith.constant 0 : index
    %get3A_26 = vector.load %arg2[%get3A_24, %get3A_25] : memref<512x128xf32, #tpu.memory_space<vmem>>, vector<512x64xf32>
    %dot_general3A_27 = arith.constant dense<0.000000e+00> : vector<512x32xf32>
    %dot_general3A_28 = tpu.matmul %get3A_26, %get3A_1, %dot_general3A_27 {dimension_numbers = #tpu.dot_dimension_numbers<[1], [1], [0], [0], [0, 0, 1, 0], [], []>, transpose_lhs_hint = false} : vector<512x64xf32>, vector<32x64xf32>, vector<512x32xf32> -> vector<512x32xf32>
    %neg3A_29 = arith.constant 0.000000e+00 : f32
    %neg3A_30 = vector.broadcast %neg3A_29 : f32 to vector<512x32xf32>
    %neg3A_31 = arith.subf %neg3A_30, %dot_general3A_28 : vector<512x32xf32>
    %exp3A_32 = math.exp %neg3A_31 : vector<512x32xf32>
    %add3A_33 = arith.constant 1.000000e+00 : f32
    %add3A_34 = vector.broadcast %add3A_33 : f32 to vector<512x32xf32>
    %add3A_35 = arith.addf %add3A_34, %exp3A_32 : vector<512x32xf32>
    %div3A_36 = arith.constant 1.000000e+00 : f32
    %div3A_37 = vector.broadcast %div3A_36 : f32 to vector<512x32xf32>
    %div3A_38 = arith.divf %div3A_37, %add3A_35 : vector<512x32xf32>
    %slice3A_39 = vector.extract_strided_slice %get3A_20 {offsets = [0, 0], sizes = [32, 1], strides = [1, 1]} : vector<32x2xf32> to vector<32x1xf32>
    %dot_general3A_40 = arith.constant dense<0.000000e+00> : vector<512x1xf32>
    %dot_general3A_41 = tpu.matmul %div3A_38, %slice3A_39, %dot_general3A_40 {dimension_numbers = #tpu.dot_dimension_numbers<[1], [0], [0], [1], [0, 0, 1, 1], [], []>, transpose_lhs_hint = false} : vector<512x32xf32>, vector<32x1xf32>, vector<512x1xf32> -> vector<512x1xf32>
    %reshape3A_42 = vector.shape_cast %dot_general3A_41 : vector<512x1xf32> to vector<512x1x1xf32>
    %add3A_43 = vector.broadcast %reshape3A_42 : vector<512x1x1xf32> to vector<512x16x1xf32>
    %add3A_44 = arith.addf %add3A_43, %reshape3A_23 : vector<512x16x1xf32>
    %ge3A = arith.constant 0.000000e+00 : f32
    %ge3A_45 = vector.broadcast %ge3A : f32 to vector<512x16x1xf32>
    %ge3A_46 = arith.cmpf oge, %add3A_44, %ge3A_45 : vector<512x16x1xf32>
    %mul3A = arith.constant 0.00999999977 : f32
    %mul3A_47 = vector.broadcast %mul3A : f32 to vector<512x16x1xf32>
    %mul3A_48 = arith.mulf %mul3A_47, %add3A_44 : vector<512x16x1xf32>
    %select_n3A = arith.select %ge3A_46, %add3A_44, %mul3A_48 : vector<512x16x1xi1>, vector<512x16x1xf32>
    %reduce_max3A = arith.constant dense<0xFF800000> : vector<512x1xf32>
    %reduce_max3A_49 = vector.multi_reduction <maximumf>, %select_n3A, %reduce_max3A [1] : vector<512x16x1xf32> to vector<512x1xf32>
    %broadcast_in_dim3A = vector.shape_cast %reduce_max3A_49 : vector<512x1xf32> to vector<512x1x1xf32>
    %sub3A = vector.broadcast %broadcast_in_dim3A : vector<512x1x1xf32> to vector<512x16x1xf32>
    %sub3A_50 = arith.subf %select_n3A, %sub3A : vector<512x16x1xf32>
    %exp3A_51 = math.exp %sub3A_50 : vector<512x16x1xf32>
    %reduce_sum3A = arith.constant dense<0.000000e+00> : vector<512x1xf32>
    %reduce_sum3A_52 = vector.multi_reduction <add>, %exp3A_51, %reduce_sum3A [1] : vector<512x16x1xf32> to vector<512x1xf32>
    %broadcast_in_dim3A_53 = vector.shape_cast %reduce_sum3A_52 : vector<512x1xf32> to vector<512x1x1xf32>
    %div3A_54 = vector.broadcast %broadcast_in_dim3A_53 : vector<512x1x1xf32> to vector<512x16x1xf32>
    %div3A_55 = arith.divf %exp3A_51, %div3A_54 : vector<512x16x1xf32>
    %get3A_56 = arith.constant 0 : index
    %get3A_57 = arith.constant 0 : index
    %get3A_58 = arith.constant 64 : index
    %get3A_59 = vector.load %arg1[%get3A_56, %get3A_57, %get3A_58] : memref<512x16x128xf32, #tpu.memory_space<vmem>>, vector<512x16x16xf32>
    %concatenate3A = tpu.concatenate %div3A_55, %get3A_59 in 2 : vector<512x16x1xf32>, vector<512x16x16xf32> -> vector<512x16x17xf32>
    %swap3A = arith.constant 0 : index
    %swap3A_60 = arith.constant 0 : index
    %swap3A_61 = arith.constant 0 : index
    %swap3A_62 = vector.load %arg6[%swap3A, %swap3A_60, %swap3A_61] : memref<512x16x17xf32, #tpu.memory_space<vmem>>, vector<512x16x17xf32>
    tpu.vector_store %arg6[%swap3A, %swap3A_60, %swap3A_61], %concatenate3A {strides = array<i32>} : memref<512x16x17xf32, #tpu.memory_space<vmem>>, vector<512x16x17xf32>,
    %reshape3A_63 = vector.shape_cast %dot_general3A_17 : vector<8192x32xf32> to vector<512x16x32xf32>
    %mul3A_64 = vector.broadcast %div3A_55 : vector<512x16x1xf32> to vector<512x16x32xf32>
    %mul3A_65 = arith.mulf %reshape3A_63, %mul3A_64 : vector<512x16x32xf32>
    %reduce_sum3A_66 = arith.constant dense<0.000000e+00> : vector<512x32xf32>
    %reduce_sum3A_67 = vector.multi_reduction <add>, %mul3A_65, %reduce_sum3A_66 [1] : vector<512x16x32xf32> to vector<512x32xf32>
    %transpose3A = tpu.transpose %reduce_sum3A_67, [1, 0] : vector<512x32xf32> -> vector<32x512xf32>
    %swap3A_68 = arith.constant 0 : index
    %swap3A_69 = arith.constant 0 : index
    %swap3A_70 = vector.load %arg7[%swap3A_68, %swap3A_69] : memref<32x512xf32, #tpu.memory_space<vmem>>, vector<32x512xf32>
    tpu.vector_store %arg7[%swap3A_68, %swap3A_69], %transpose3A {strides = array<i32>} : memref<32x512xf32, #tpu.memory_space<vmem>>, vector<32x512xf32>,
    return
  }
  func.func @transform_0(%arg0: i32) -> (i32, i32, i32) {
    %c0_i32 = arith.constant 0 : i32
    %c0_i32_0 = arith.constant 0 : i32
    %c0_i32_1 = arith.constant 0 : i32
    return %arg0, %c0_i32, %c0_i32_0 : i32, i32, i32
  }
  func.func @transform_1(%arg0: i32) -> (i32, i32) {
    %c0_i32 = arith.constant 0 : i32
    %c0_i32_0 = arith.constant 0 : i32
    return %arg0, %c0_i32 : i32, i32
  }
  func.func @transform_2(%arg0: i32) -> (i32, i32) {
    %c0_i32 = arith.constant 0 : i32
    %c0_i32_0 = arith.constant 0 : i32
    %c0_i32_1 = arith.constant 0 : i32
    return %c0_i32, %c0_i32_0 : i32, i32
  }
  func.func @transform_3(%arg0: i32) -> (i32, i32) {
    %c0_i32 = arith.constant 0 : i32
    %c0_i32_0 = arith.constant 0 : i32
    %c0_i32_1 = arith.constant 0 : i32
    return %c0_i32, %c0_i32_0 : i32, i32
  }
  func.func @transform_4(%arg0: i32) -> (i32, i32) {
    %c0_i32 = arith.constant 0 : i32
    %c0_i32_0 = arith.constant 0 : i32
    %c0_i32_1 = arith.constant 0 : i32
    return %c0_i32, %c0_i32_0 : i32, i32
  }
  func.func @transform_5(%arg0: i32) -> (i32, i32, i32) {
    %c0_i32 = arith.constant 0 : i32
    %c0_i32_0 = arith.constant 0 : i32
    %c0_i32_1 = arith.constant 0 : i32
    return %arg0, %c0_i32, %c0_i32_0 : i32, i32, i32
  }
  func.func @transform_6(%arg0: i32) -> (i32, i32) {
    %c0_i32 = arith.constant 0 : i32
    %c0_i32_0 = arith.constant 0 : i32
    return %c0_i32, %arg0 : i32, i32
  }
}

</mosaic_0001>

<sc_bundles>
// kernel: kernel.5.cloned.1.call-start
scs
__scs_entry_jumppad:
0x0: {  	(pc) =	sbr.rel $0x88, $3  }
0x1: {  	(tag) =	ssettag $0x0;
	lr =	simm.s32 $0x1  }
0x2: {  	[smem:$0x3F99] =	sst lr;
	_ =	strace $0xD0000000  }
0x3: {  	_ = 	snop  }
0x4: {  	_ = 	snop  }
0x5: {  	_ = 	snop  }
0x6: {  	_ = 	snop  }
0x7: {  	_ = 	snop  }
__scs_overlays_trampoline_lowered:
0x8: {  	[smem:$0x3FA8] =	sst s0  }
0x9: {  	[smem:$0x3FA9] =	sst s1  }
0xa: {  	[smem:$0x3FAA] =	sst s2  }
0xb: {  	[smem:$0x3FAB] =	sst s3  }
0xc: {  	[smem:$0x3FAC] =	sst s4  }
0xd: {  	[smem:$0x3FAD] =	sst s5  }
0xe: {  	[smem:$0x3FAE] =	sst s6  }
0xf: {  	[smem:$0x3FAF] =	sst s7  }
0x10: {  	[smem:$0x3FB0] =	sst s8  }
0x11: {  	[smem:$0x3FB1] =	sst s9;
	s0 =	simm.s32 @!p0 $0x0  }
0x12: {  	s1 =	sld [smem:$0x3F97];
	s0 =	simm.s32 @p0 $0x1  }
0x13: {  	[smem:$0x3FB2] =	sst s0;
	s0 =	simm.s32 @!p1 $0x0  }
0x14: {  	s2 =	sld [smem:$0x3F96];
	s0 =	simm.s32 @p1 $0x1  }
0x15: {  	[smem:$0x3FB3] =	sst s0;
	s0 =	simm.s32 @!p2 $0x0  }
0x16: {  	s3 =	sld [smem:$0x3FDB];
	s0 =	simm.s32 @p2 $0x1  }
0x17: {  	s4 =	simm.s32 $0x1BF5;
	[smem:$0x3FB5] =	sst s0  }
0x18: {  	s0 =	sld [smem:$0x3F98];
	_ =	swait.ge [sflag:s4], $0x0  }
0x19: {  	s7 =	sld [smem:$0x3F99]  }
0x1a: {  	s8 =	sadd.s32 $0xFFFFE003, lr  }
0x1b: {  	s9 =	sadd.s32 $0xFFFFFEF7, lr;
	s5 =	simm.s32 $0xFFFFFFFF;
	p2 =	slt.u32 s8, $0xFFFFF086  }
0x1c: {  	p1 =	slt.u32 s9, $0xF7A;
	s5 =	simm.s32 @!p2 $0x0  }
0x1d: {  	s5 =	simm.s32 @p1 $0x1;
	p0 =	seq.s32 s7, s2  }
0x1e: {  	s7 =	smul.u32 @!p0 $0xF7A, s2;
	p2 =	seq.s32 @!p0 s5, $0x0  }
0x1f: {  	s9 =	smul.u32 $0xF7A, s1;
	s8 =	simm.s32 @!p0 $0x1BF5;
	p2 =	por !p2, p0  }
0x20: {  	[sflag:s8] =	ssyncset.s32 @!p0 $0xFFFFF086;
	s6 =	sadd.s32 @!p0 s3, s7;
	s7 =	simm.s32 @!p0 $0x108  }
0x21: {  	s3 =	sadd.s32 s3, s9;
	s6 =	sadd.s32 @!p0 $0x88, s6;
	s7 =	simm.s32 @p2 $0x1082  }
0x22: {  	[simem:s7], [sflag:s8] =	dma.local @!p0 [hbm:s6], $0xF7A  }
0x23: {  	s9 =	sor.u32 $0xD0000000, s2;
	s6 =	simm.s32 $0x108;
	_ =	swait.ge @!p0 [sflag:s8], $0x0  }
0x24: {  	s3 =	sadd.s32 $0x88, s3;
	s6 =	simm.s32 @!p1 $0x1082;
	[sflag:s4] =	ssyncset.s32 $0xFFFFF086  }
0x25: {  	[simem:s6], [sflag:s4] =	dma.local [hbm:s3], $0xF7A  }
0x26: {  	[smem:$0x3F99] =	sst s1;
	(tag) =	ssettag s2;
	_ =	strace s9  }
0x27: {  	s1 =	sld [smem:$0x3FA9]  }
0x28: {  	s2 =	sld [smem:$0x3FAA]  }
0x29: {  	s4 =	sld [smem:$0x3FAC]  }
0x2a: {  	p0 =	seq.s32 s5, $0x0;
	s5 =	sld [smem:$0x3FAD]  }
0x2b: {  	s6 =	sld [smem:$0x3FAE]  }
0x2c: {  	s7 =	sld [smem:$0x3FAF]  }
0x2d: {  	s3 =	simm.s32 $0x108;
	s8 =	sld [smem:$0x3FB0]  }
0x2e: {  	s3 =	simm.s32 @!p0 $0x1082;
	s9 =	sld [smem:$0x3FB1]  }
0x2f: {  	lr =	sadd.s32 s0, s3;
	s0 =	sld [smem:$0x3FA8]  }
0x30: {  	s3 =	sld [smem:$0x3FAB]  }
0x31: {  	[smem:$0x3FB4] =	sst s10  }
0x32: {  	s10 =	sld [smem:$0x3FB2];
	_ =	sdelay $0x3  }
0x33: {  	p0 =	seq.s32 s10, $0x1;
	s10 =	sld [smem:$0x3FB4];
	_ =	sdelay $0x3  }
0x34: {  	[smem:$0x3FB4] =	sst s10  }
0x35: {  	s10 =	sld [smem:$0x3FB3];
	_ =	sdelay $0x3  }
0x36: {  	p1 =	seq.s32 s10, $0x1;
	s10 =	sld [smem:$0x3FB4];
	_ =	sdelay $0x3  }
0x37: {  	[smem:$0x3FB4] =	sst s10  }
0x38: {  	s10 =	sld [smem:$0x3FB5]  }
0x39: {  	_ = 	snop;
	(pc) =	sbr.ind lr, $3  }
0x3a: {  	_ = 	snop  }
0x3b: {  	_ = 	snop  }
0x3c: {  	p2 =	seq.s32 s10, $0x1;
	s10 =	sld [smem:$0x3FB4]  }
0x3d: {  	_ =	shalt  }
0x3e: {  	_ =	shalt  }
0x3f: {  	_ =	shalt  }
0x40: {  	_ =	shalt  }
0x41: {  	_ =	shalt  }
0x42: {  	_ =	shalt  }
0x43: {  	_ =	shalt  }
0x44: {  	_ =	shalt  }
0x45: {  	_ =	shalt  }
0x46: {  	_ =	shalt  }
0x47: {  	_ =	shalt  }
0x48: {  	_ =	shalt  }
0x49: {  	_ =	shalt  }
0x4a: {  	_ =	shalt  }
0x4b: {  	_ =	shalt  }
0x4c: {  	_ =	shalt  }
0x4d: {  	_ =	shalt  }
0x4e: {  	_ =	shalt  }
0x4f: {  	_ =	shalt  }
0x50: {  	_ =	shalt  }
0x51: {  	_ =	shalt  }
0x52: {  	_ =	shalt  }
0x53: {  	_ =	shalt  }
0x54: {  	_ =	shalt  }
0x55: {  	_ =	shalt  }
0x56: {  	_ =	shalt  }
0x57: {  	_ =	shalt  }
0x58: {  	_ =	shalt  }
0x59: {  	_ =	shalt  }
0x5a: {  	_ =	shalt  }
0x5b: {  	_ =	shalt  }
0x5c: {  	_ =	shalt  }
0x5d: {  	_ =	shalt  }
0x5e: {  	_ =	shalt  }
0x5f: {  	_ =	shalt  }
0x60: {  	_ =	shalt  }
0x61: {  	_ =	shalt  }
0x62: {  	_ =	shalt  }
0x63: {  	_ =	shalt  }
0x64: {  	_ =	shalt  }
0x65: {  	_ =	shalt  }
0x66: {  	_ =	shalt  }
0x67: {  	_ =	shalt  }
0x68: {  	_ =	shalt  }
0x69: {  	_ =	shalt  }
0x6a: {  	_ =	shalt  }
0x6b: {  	_ =	shalt  }
0x6c: {  	_ =	shalt  }
0x6d: {  	_ =	shalt  }
0x6e: {  	_ =	shalt  }
0x6f: {  	_ =	shalt  }
0x70: {  	_ =	shalt  }
0x71: {  	_ =	shalt  }
0x72: {  	_ =	shalt  }
0x73: {  	_ =	shalt  }
0x74: {  	_ =	shalt  }
0x75: {  	_ =	shalt  }
0x76: {  	_ =	shalt  }
0x77: {  	_ =	shalt  }
0x78: {  	_ =	shalt  }
0x79: {  	_ =	shalt  }
0x7a: {  	_ =	shalt  }
0x7b: {  	_ =	shalt  }
0x7c: {  	_ =	shalt  }
0x7d: {  	_ =	shalt  }
0x7e: {  	_ =	shalt  }
0x7f: {  	_ =	shalt  }
0x80: {  	_ =	shalt  }
0x81: {  	_ =	shalt  }
0x82: {  	_ =	shalt  }
0x83: {  	_ =	shalt  }
0x84: {  	_ =	shalt  }
0x85: {  	_ =	shalt  }
0x86: {  	_ =	shalt  }
0x87: {  	_ =	shalt  }
.Lfunc_end0:
.L_simem_size_0:
called_computation_lowered:
.L_overlay_start_0:
0x88: {  	s2 =	sld [smem:$0x3FD9]  }
0x89: {  	s3 =	sld [smem:$0x3FFE];
	_ =	sdelay $0x1  }
0x8a: {  	s1 =	srdreg.scid  }
0x8b: {  	s0 =	sand.u32 $0x1, s1  }
0x8c: {  	s14 =	sshll.u32 s0, $0xA;
	s2 =	sadd.s32 s3, s2  }
0x8d: {  	s2 =	sadd.s32 s2, s14  }
0x8e: {  	[smem:$0x3FC0] =	sst s2  }
0x8f: {  	_ = 	snop  }
0x90: {  	s2 =	sld [smem:$0x3FD0];
	_ =	sdelay $0x2  }
0x91: {  	s15 =	simm.s32 $0xA;
	s4 =	simm.s32 $0x10  }
0x92: {  	[smem:s4], [sflag:s15] =	dma.local [hbm:s2], $0x1  }
0x93: {  	_ =	swait.eq [sflag:s15], $0x1  }
0x94: {  	[sflag:s15] =	ssyncset.done $0x0  }
0x95: {  	[sflag:s15] =	ssyncadd.s32 $0xFFFFFFFF  }
0x96: {  	s16 =	sld [smem:$0x11];
	(tm) =	ssettm $0x1  }
0x97: {  	s17 =	sld [smem:$0x3FFB];
	_ =	sdelay $0x3  }
0x98: {  	_ =	strace s17  }
0x99: {  	s3 =	sld [smem:$0x3FFC];
	_ =	sdelay $0x3  }
0x9a: {  	_ =	strace s3  }
0x9b: {  	s3 =	sld [smem:$0x3FFD];
	_ =	sdelay $0x3  }
0x9c: {  	_ =	strace s3  }
0x9d: {  	_ =	strace $0x8FFFFFFF  }
0x9e: {  	s18 =	sld [smem:$0x3FDB];
	_ =	sdelay $0x1  }
0x9f: {  	s19 =	simm.s32 $_scs_section_size  }
0xa0: {  	s5 =	simm.s32 $_size__tile_overlayer_lowered;
	s6 =	simm.s32 $_tile_overlayer_lowered  }
0xa1: {  	s22 =	simm.s32 $0x1BFF;
	s21 =	sshll.u32 s6, $0x1;
	s3 =	sadd.s32 s19, s18  }
0xa2: {  	s7 =	simm.s32 $0x0;
	s20 =	sshll.u32 s5, $0x1;
	s5 =	sadd.s32 s21, s3  }
0xa3: {  	[timem:s7], [sflag:s22] =	dma.local [hbm:s5], s20  }
0xa4: {  	_ =	swait.ge [sflag:s22], s20  }
0xa5: {  	s4 =	ssub.s32 $0x0, s20;
	[sflag:s22] =	ssyncset.done $0x0  }
0xa6: {  	[sflag:s22] =	ssyncadd.s32 s4;
	_ =	sdelay $0x1  }
0xa7: {  	s23 =	simm.s32 $0x1B8B  }
0xa8: {  	_ =	swait.ge [sflag:s23], $0x1  }
0xa9: {  	[sflag:s23] =	ssyncset.done $0x0  }
0xaa: {  	s25 =	simm.s32 $0x1B8E;
	s24 =	sld [smem:$0x3FFE];
	[sflag:s23] =	ssyncadd.s32 $0xFFFFFFFF  }
0xab: {  	s26 =	simm.s32 $execute0_lowered;
	[smem:$0x3FD2] =	sst s25  }
0xac: {  	s5 =	sshll.u32 s26, $0x1;
	_ =	strace $0x80000046;
	[dreg:$0x1] =	wrdreg $0xFFFFFFFF  }
0xad: {  	s28 =	simm.s32 $_size_execute0_lowered;
	s3 =	sadd.s32 s3, s5;
	[dreg:$0x0] =	wrdreg $0x0  }
0xae: {  	s5 =	sshll.u32 s28, $0x1;
	[dreg:$0x2] =	wrdreg s3  }
0xaf: {  	[dreg:$0x3] =	wrdreg s5  }
0xb0: {  	[dreg:$0x4] =	wrdreg $0xC0  }
0xb1: {  	_ =	task [dreg:s7], $0x5FFFF  }
0xb2: {  	[dreg:$0x1] =	wrdreg $0xFFFFFFFF  }
0xb3: {  	[dreg:$0x0] =	wrdreg $0x60  }
0xb4: {  	[dreg:$0x2] =	wrdreg s24  }
0xb5: {  	[dreg:$0x3] =	wrdreg s16  }
0xb6: {  	[dreg:$0x4] =	wrdreg $0x9  }
0xb7: {  	_ =	task.clear_ibuf [dreg:s7], $0x5FFFF;
	_ =	strace $0x90000046  }
0xb8: {  	s29 =	simm.s32 $0x9;
	_ =	strace $0x80000048  }
0xb9: {  	_ =	swait.ge [sflag:s29], $0x1  }
0xba: {  	[sflag:s29] =	ssyncadd.s32 $0xFFFFFFFF  }
0xbb: {  	_ =	strace $0x90000048  }
0xbc: {  	_ =	sfence  }
0xbd: {  	s30 =	sld [smem:$0x0];
	_ =	sdelay $0x2  }
0xbe: {  	s31 =	sshll.u32 s1, $0xD;
	s1 =	sshrl.u32 s1, $0x2  }
0xbf: {  	s3 =	sand.u32 $0x4000, s31;
	s1 =	sadd.s32 s1, s30  }
0xc0: {  	s0 =	sor.u32 s3, s0;
	s1 =	sshll.u32 s1, $0x11  }
0xc1: {  	s0 =	sor.u32 s1, s0  }
0xc2: {  	s0 =	sadd.s32 $0x8F2B, s0  }
0xc3: {  	[sflag:s0] =	ssyncadd.remote.s32 $0x1  }
0xc4: {  	_ =	sfence.sel $0xFFFF  }
0xc5: {  	[dreg:$0x0] =	wrdreg $0xFFFFFFFF;
	(pc) =	sbr.abs _section_cstart, $3  }
0xc6: {  	[dreg:$0x1] =	wrdreg $0xFFFFFFFF  }
0xc7: {  	_ =	task.clear_ibuf [dreg:s7], $0x2FFFF;
	_ =	strace $0x9FFFFFFF  }
0xc8: {  	(tm) =	ssettm $0x7FFFFFFF  }
0xc9: {  	_ =	shalt  }
tec
execute0_lowered:
.L_overlay_start_1:
0x0: {  	(tag) =	ssettag $0x1  }
0x1: {  	s0 =	srdreg.scid  }
0x2: {  	s1 =	rddreg [dreg:$0x0];
	s3 =	stileid.u32  }
0x3: {  	s2 =	rddreg [dreg:$0x1];
	s9 =	simm.s32 $0x5;
	s10 =	simm.s32 $0x80  }
0x4: {  	s11 =	simm.s32 $0x4600;
	s12 =	simm.s32 $0x8600;
	s13 =	simm.s32 $0x11  }
0x5: {  	s15 =	simm.s32 $0xC600;
	s16 =	simm.s32 $0xD200;
	s17 =	simm.s32 $0x11200  }
0x6: {  	s18 =	simm.s32 $0x15200;
	s19 =	simm.s32 $0x1;
	s20 =	simm.s32 $0x16E00  }
0x7: {  	s21 =	simm.s32 $0x15E00;
	s22 =	simm.s32 $0x2;
	s0 =	sand.u32 $0x1, s0  }
0x8: {  	s23 =	simm.s32 $0x4;
	s4 =	sshll.u32 s3, $0x7;
	s5 =	sshll.u32 s0, $0x6  }
0x9: {  	s24 =	simm.s32 $0x16E80;
	s25 =	simm.s32 $0x16600;
	s4 =	sor.u32 s5, s4  }
0xa: {  	s26 =	simm.s32 $0x3;
	s3 =	simm.s32 $0x0;
	s6 =	smul.u32 $0x23, s4  }
0xb: {  	v0 =	vlaneseq.u32;
	s28 =	simm.s32 $0x0;
	[smem:$0x7FF] =	sst s3;
	s0 =	ssub.s32 $0x2, s0  }
0xc: {  	v0 =	vmul.u32 $0x80, v0;
	_ =	strace $0x80000047;
	s7 =	sshrl.u32 s0, $0x1;
	s8 =	sadd.s32 s6, s1  }
0xd: {  	s5 =	sadd.s32 $0x12E00, s1;
	s0 =	ssub.s32 s0, s7;
	s31 =	sadd.s32 $0x1600, s8  }
0xe: {  	v1 =	vadd.s32 $0xA1, v0;
	s6 =	sadd.s32 $0x199800, s1;
	s8 =	smax.u32 s0, $0x1;
	[dreg:$0x3] =	wrdreg s31  }
.LBB2_1:
0xf: {  	s0 =	rddreg [dreg:$0x3]  }
0x10: {  	[tilespmem:s3], [sflag:$0x5] =	stream.linear.gather [hbm4b:s0+s3], $0x4600, $0x38;
	[tilespmem:$0x16F00] =	vst v63  }
0x11: {  	_ =	swait.ge [sflag:s9], $0x4600  }
0x12: {  	[sflag:s9] =	ssyncset.done $0x0  }
0x13: {  	[sflag:s9] =	ssyncadd.s32 $0xFFFFBA00  }
0x14: {  	[tilespmem:s11], [sflag:$0x1] =	stream.indirect.gather [hbm4b:s5+s10], $0x80, s3, s10, $0xb8;
	[tilespmem:$0x16F00] =	vst v63  }
0x15: {  	_ = 	snop  }
0x16: {  	[tilespmem:s12], [sflag:$0x1] =	stream.indirect.gather [hbm4b:s5+s10], $0x80, s10, s10, $0xb8;
	[tilespmem:$0x16F00] =	vst v63  }
0x17: {  	s31 =	simm.s32 $0x100;
	s29 =	simm.s32 $0x0  }
0x18: {  	[tilespmem:s15], [sflag:$0x1] =	stream.indirect.gather [hbm4b:s5+s13], $0x80, s31, s13, $0xb8;
	[tilespmem:$0x16F00] =	vst v63  }
.LBB2_2:
0x19: {  	s30 =	sshllo.u32 s29, $0x1  }
0x1a: {  	s0 =	smul.u32 $0x460, s30;
	_ =	sdelay $0x1  }
0x1b: {  	s0 =	sshra.s32 s0, $0x2  }
0x1c: {  	[tilespmem:s16], [sflag:$0x2] =	stream.indirect.gather [hbm4b:s5+s10], $0x80, s0, s10, $0xb8;
	[tilespmem:$0x16F00] =	vst v63  }
0x1d: {  	s1 =	sadd.s32 $0x80, s0  }
0x1e: {  	[tilespmem:s17], [sflag:$0x2] =	stream.indirect.gather [hbm4b:s5+s10], $0x80, s1, s10, $0xb8;
	[tilespmem:$0x16F00] =	vst v63  }
0x1f: {  	s0 =	sadd.s32 $0x100, s0  }
0x20: {  	[tilespmem:s18], [sflag:$0x2] =	stream.indirect.gather [hbm4b:s5+s13], $0x80, s0, s13, $0xb8;
	[tilespmem:$0x16F00] =	vst v63  }
0x21: {  	_ =	swait.ge [sflag:s19], $0x8880  }
0x22: {  	p0 =	seq.s32 s29, $0x0;
	[sflag:s19] =	ssyncset.done $0x0  }
0x23: {  	s0 =	simm.s32 @!p0 $0x3;
	[sflag:s19] =	ssyncadd.s32 $0xFFFF7780  }
0x24: {  	_ =	swait.ge @!p0 [sflag:s0], $0x80  }
0x25: {  	[sflag:s0] =	ssyncset.done @!p0 $0x0  }
0x26: {  	[sflag:s0] =	ssyncadd.s32 @!p0 $0xFFFFFF80  }
0x27: {  	_ =	swait.ge @!p0 [sflag:s0], $0x800  }
0x28: {  	[sflag:s0] =	ssyncset.done @!p0 $0x0  }
0x29: {  	[sflag:s0] =	ssyncadd.s32 @!p0 $0xFFFFF800  }
0x2a: {  	v2 =	vld.msk [tilespmem:$0x4620 ss:$0x0], $0xffff  }
0x2b: {  	v3 =	vld.idx.msk [tilespmem:v1+s11+$0x0], $0xffff;
	_ =	sdelay $0x4  }
0x2c: {  	v2 =	vadd.f32 v3, v2;
	_ =	sdelay $0x1  }
0x2d: {  	v3 =	vmul.f32 $9.999999770e-03, v2  }
0x2e: {  	vm0 =	vge.f32 v2, $0.0e+00  }
0x2f: {  	v2 =	vsel vm0, v2, v3  }
0x30: {  	(xrf0) =	vmax.scan.msk.f32 $0xffff, v2;
	_ =	sdelay $0x5  }
0x31: {  	v3, _, _ =	vpop (xrf0)  }
0x32: {  	v3 =	vbroadcast v3, $0xF;
	_ =	sdelay $0x1  }
0x33: {  	v2 =	vsub.f32 v2, v3;
	_ =	sdelay $0x1  }
0x34: {  	v2 =	vmul.f32 $1.442695020e+00, v2;
	_ =	sdelay $0x1  }
0x35: {  	(erf) = vpow2.f32 v2;
	_ =	sdelay $0x8  }
0x36: {  	v2 =	vpop (erf)  }
0x37: {  	(xrf2) =	vadd.scan.msk.f32 $0xffff, v2;
	_ =	sdelay $0x9  }
0x38: {  	v3, _, _ =	vpop (xrf2)  }
0x39: {  	v3 =	vbroadcast v3, $0xF;
	_ =	sdelay $0x1  }
0x3a: {  	(erf) = vrcp.f32 v3;
	_ =	sdelay $0x3  }
0x3b: {  	v4 =	vld [tilespmem:$0x4690]  }
0x3c: {  	v5 =	vld [tilespmem:$0x4700]  }
0x3d: {  	v6 =	vld [tilespmem:$0x4710]  }
0x3e: {  	v7 =	vld [tilespmem:$0x4780]  }
0x3f: {  	v8 =	vld [tilespmem:$0x4790]  }
0x40: {  	v10 =	vld [tilespmem:$0x4800];
	v9 =	vpop (erf)  }
0x41: {  	v55 =	vld [tilespmem:$0x4810];
	v2 =	vmul.f32 v9, v2  }
0x42: {  	v11 =	vld [tilespmem:$0x4880]  }
0x43: {  	v13 =	vld [tilespmem:$0x4890];
	v12 =	vbroadcast v2, $0x0;
	v15 =	vbroadcast v2, $0x1  }
0x44: {  	v14 =	vld [tilespmem:$0x4900];
	v17 =	vbroadcast v2, $0x2;
	v57 =	vbroadcast v2, $0x3  }
0x45: {  	v3 =	vld [tilespmem:$0x4680];
	v20 =	vbroadcast v2, $0x4;
	v22 =	vbroadcast v2, $0x5  }
0x46: {  	v16 =	vld [tilespmem:$0x4910];
	v61 =	vbroadcast v2, $0x6;
	v26 =	vbroadcast v2, $0x7  }
0x47: {  	v56 =	vld [tilespmem:$0x4980];
	v31 =	vbroadcast v2, $0x8;
	v33 =	vbroadcast v2, $0x9  }
0x48: {  	v18 =	vld [tilespmem:$0x4990];
	v39 =	vbroadcast v2, $0xA;
	v44 =	vbroadcast v2, $0xB  }
0x49: {  	v19 =	vld [tilespmem:$0x4A00];
	v47 =	vbroadcast v2, $0xC;
	v50 =	vbroadcast v2, $0xD  }
0x4a: {  	v21 =	vld [tilespmem:$0x4A10];
	v3 =	vmul.f32 v12, v3;
	v4 =	vmul.f32 v12, v4  }
0x4b: {  	v58 =	vld [tilespmem:$0x4A80];
	v5 =	vmul.f32 v15, v5;
	v6 =	vmul.f32 v15, v6  }
0x4c: {  	v23 =	vld [tilespmem:$0x4A90];
	v7 =	vmul.f32 v17, v7;
	v8 =	vmul.f32 v17, v8  }
0x4d: {  	v59 =	vld [tilespmem:$0x4B00];
	v10 =	vmul.f32 v57, v10;
	v11 =	vmul.f32 v20, v11  }
0x4e: {  	v62 =	vld [tilespmem:$0x4B10];
	v9 =	vmul.f32 v57, v55;
	v13 =	vmul.f32 v20, v13  }
0x4f: {  	v24 =	vld [tilespmem:$0x4B80];
	v60 =	vmul.f32 v22, v14;
	v63 =	vmul.f32 v22, v16  }
0x50: {  	v27 =	vld [tilespmem:$0x4B90];
	v25 =	vmul.f32 v61, v56;
	v28 =	vmul.f32 v61, v18  }
0x51: {  	v29 =	vld [tilespmem:$0x4C00];
	v30 =	vmul.f32 v19, v26;
	v12 =	vmul.f32 v21, v26  }
0x52: {  	v32 =	vld [tilespmem:$0x4C10];
	v35 =	vmul.f32 v58, v31;
	v36 =	vmul.f32 v23, v31  }
0x53: {  	v34 =	vld [tilespmem:$0x4C80];
	v38 =	vmul.f32 v59, v33;
	v41 =	vmul.f32 v62, v33  }
0x54: {  	v37 =	vld [tilespmem:$0x4C90];
	v43 =	vmul.f32 v24, v39;
	v3 =	vadd.f32 $0.0e+00, v3;
	v4 =	vadd.f32 $0.0e+00, v4  }
0x55: {  	v40 =	vld [tilespmem:$0x4D00];
	v46 =	vmul.f32 v27, v39;
	v5 =	vadd.f32 $0.0e+00, v5;
	v6 =	vadd.f32 $0.0e+00, v6  }
0x56: {  	v49 =	vmul.f32 v29, v44;
	v7 =	vadd.f32 $0.0e+00, v7;
	v8 =	vadd.f32 $0.0e+00, v8  }
0x57: {  	v52 =	vmul.f32 v32, v44;
	v10 =	vadd.f32 $0.0e+00, v10;
	v9 =	vadd.f32 $0.0e+00, v9  }
0x58: {  	v42 =	vld [tilespmem:$0x4D10];
	v53 =	vmul.f32 v34, v47;
	v3 =	vadd.f32 v3, v11;
	v4 =	vadd.f32 v4, v13  }
0x59: {  	v45 =	vld [tilespmem:$0x4D80];
	v55 =	vmul.f32 v37, v47;
	v5 =	vadd.f32 v5, v60;
	v6 =	vadd.f32 v6, v63  }
0x5a: {  	v51 =	vld [tilespmem:$0x4E00];
	v56 =	vmul.f32 v40, v50;
	v7 =	vadd.f32 v7, v25;
	v8 =	vadd.f32 v8, v28  }
0x5b: {  	v48 =	vld [tilespmem:$0x4D90];
	v57 =	vbroadcast v2, $0xE;
	v10 =	vadd.f32 v10, v30;
	v9 =	vadd.f32 v12, v9  }
0x5c: {  	v54 =	vld [tilespmem:$0x4E10];
	v2 =	vbroadcast v2, $0xF;
	v3 =	vadd.f32 v35, v3;
	v4 =	vadd.f32 v36, v4  }
0x5d: {  	v58 =	vmul.f32 v42, v50;
	v5 =	vadd.f32 v38, v5;
	v6 =	vadd.f32 v41, v6  }
0x5e: {  	v59 =	vmul.f32 v45, v57;
	v7 =	vadd.f32 v43, v7;
	v8 =	vadd.f32 v46, v8  }
0x5f: {  	v60 =	vmul.f32 v51, v2;
	v10 =	vadd.f32 v49, v10;
	v9 =	vadd.f32 v52, v9  }
0x60: {  	v11 =	vmul.f32 v48, v57;
	v3 =	vadd.f32 v53, v3;
	v4 =	vadd.f32 v55, v4  }
0x61: {  	v61 =	vld [tilespmem:$0x4600];
	v2 =	vmul.f32 v54, v2;
	v5 =	vadd.f32 v56, v5;
	v6 =	vadd.f32 v58, v6  }
0x62: {  	v62 =	vld [tilespmem:$0x4610];
	v7 =	vadd.f32 v59, v7;
	v10 =	vadd.f32 v60, v10  }
0x63: {  	v8 =	vadd.f32 v11, v8;
	v2 =	vadd.f32 v2, v9  }
0x64: {  	v3 =	vadd.f32 v5, v3;
	v63 =	vadd.f32 v10, v7  }
0x65: {  	v4 =	vadd.f32 v6, v4;
	v2 =	vadd.f32 v2, v8  }
0x66: {  	[tilespmem:$0x16E00] =	vst v61;
	v3 =	vadd.f32 v63, v3  }
0x67: {  	[tilespmem:$0x16E10] =	vst v62;
	v2 =	vadd.f32 v2, v4  }
0x68: {  	s31 =	sshll.u32 s29, $0x1;
	s14 =	simm.s32 $0x11;
	[tilespmem:$0x16E20] =	vst v3  }
0x69: {  	s7 =	simm.s32 $0x46A0;
	s1 =	simm.s32 $0x5610;
	s0 =	simm.s32 $0x15E20;
	[tilespmem:$0x16E30] =	vst v2  }
.LBB2_3:
0x6a: {  	v2 =	vmov s14  }
0x6b: {  	v2 =	vshll.u32 v2, $0x7  }
0x6c: {  	v2 =	vadd.s32 v0, v2  }
0x6d: {  	v2 =	vor.u32 $0x21, v2;
	_ =	sdelay $0x3  }
0x6e: {  	v3 =	vld.msk [tilespmem:s7+$0x0 ss:$0x0], $0xffff  }
0x6f: {  	v2 =	vld.idx.msk [tilespmem:v2+s11+$0x0], $0xffff;
	_ =	sdelay $0x4  }
0x70: {  	v2 =	vadd.f32 v2, v3;
	_ =	sdelay $0x1  }
0x71: {  	v3 =	vmul.f32 $9.999999770e-03, v2  }
0x72: {  	vm0 =	vge.f32 v2, $0.0e+00  }
0x73: {  	v2 =	vsel vm0, v2, v3  }
0x74: {  	(xrf0) =	vmax.scan.msk.f32 $0xffff, v2;
	_ =	sdelay $0x5  }
0x75: {  	v3, _, _ =	vpop (xrf0)  }
0x76: {  	v3 =	vbroadcast v3, $0xF;
	_ =	sdelay $0x1  }
0x77: {  	v2 =	vsub.f32 v2, v3;
	_ =	sdelay $0x1  }
0x78: {  	v2 =	vmul.f32 $1.442695020e+00, v2;
	_ =	sdelay $0x1  }
0x79: {  	(erf) = vpow2.f32 v2;
	_ =	sdelay $0x8  }
0x7a: {  	v2 =	vpop (erf)  }
0x7b: {  	(xrf2) =	vadd.scan.msk.f32 $0xffff, v2;
	_ =	sdelay $0x9  }
0x7c: {  	v3, _, _ =	vpop (xrf2)  }
0x7d: {  	v3 =	vbroadcast v3, $0xF;
	_ =	sdelay $0x1  }
0x7e: {  	(erf) = vrcp.f32 v3;
	_ =	sdelay $0x8  }
0x7f: {  	v3 =	vpop (erf)  }
0x80: {  	v2 =	vmul.f32 v3, v2;
	_ =	sdelay $0x1  }
0x81: {  	[tilespmem:s0+$0x20] =	vst v2  }
0x82: {  	v3 =	vld [tilespmem:s1+$0xFFFFF870]  }
0x83: {  	v4 =	vld [tilespmem:s1+$0xFFFFF880]  }
0x84: {  	v5 =	vld [tilespmem:s1+$0xFFFFF8F0]  }
0x85: {  	v6 =	vld [tilespmem:s1+$0xFFFFF900]  }
0x86: {  	v7 =	vld [tilespmem:s1+$0xFFFFF970]  }
0x87: {  	v8 =	vld [tilespmem:s1+$0xFFFFF980]  }
0x88: {  	v9 =	vld [tilespmem:s1+$0xFFFFF9F0]  }
0x89: {  	v10 =	vld [tilespmem:s1+$0xFFFFFA00]  }
0x8a: {  	v13 =	vbroadcast v2, $0x0;
	v16 =	vbroadcast v2, $0x1;
	v11 =	vld [tilespmem:s1+$0xFFFFFA70]  }
0x8b: {  	v18 =	vbroadcast v2, $0x2;
	v56 =	vbroadcast v2, $0x3;
	v12 =	vld [tilespmem:s1+$0xFFFFFA80]  }
0x8c: {  	v21 =	vbroadcast v2, $0x4;
	v23 =	vbroadcast v2, $0x5;
	v14 =	vld [tilespmem:s1+$0xFFFFFAF0]  }
0x8d: {  	v60 =	vbroadcast v2, $0x6;
	v27 =	vbroadcast v2, $0x7;
	v15 =	vld [tilespmem:s1+$0xFFFFFB00]  }
0x8e: {  	v32 =	vbroadcast v2, $0x8;
	v35 =	vbroadcast v2, $0x9;
	v17 =	vld [tilespmem:s1+$0xFFFFFB70]  }
0x8f: {  	v40 =	vbroadcast v2, $0xA;
	v45 =	vbroadcast v2, $0xB;
	v55 =	vld [tilespmem:s1+$0xFFFFFB80]  }
0x90: {  	v48 =	vbroadcast v2, $0xC;
	v51 =	vbroadcast v2, $0xD;
	v19 =	vld [tilespmem:s1+$0xFFFFFBF0]  }
0x91: {  	v20 =	vld [tilespmem:s1+$0xFFFFFC00];
	v3 =	vmul.f32 v13, v3;
	v4 =	vmul.f32 v13, v4  }
0x92: {  	v22 =	vld [tilespmem:s1+$0xFFFFFC70];
	v5 =	vmul.f32 v16, v5;
	v6 =	vmul.f32 v16, v6  }
0x93: {  	v57 =	vld [tilespmem:s1+$0xFFFFFC80];
	v7 =	vmul.f32 v18, v7;
	v8 =	vmul.f32 v18, v8  }
0x94: {  	v24 =	vld [tilespmem:s1+$0xFFFFFCF0];
	v9 =	vmul.f32 v56, v9;
	v11 =	vmul.f32 v21, v11  }
0x95: {  	v58 =	vld [tilespmem:s1+$0xFFFFFD00];
	v10 =	vmul.f32 v56, v10;
	v12 =	vmul.f32 v21, v12  }
0x96: {  	v61 =	vld [tilespmem:s1+$0xFFFFFD70];
	v59 =	vmul.f32 v23, v14;
	v62 =	vmul.f32 v23, v15  }
0x97: {  	v63 =	vld [tilespmem:s1+$0xFFFFFD80];
	v26 =	vmul.f32 v60, v17;
	v29 =	vmul.f32 v55, v60  }
0x98: {  	v28 =	vld [tilespmem:s1+$0xFFFFFDF0];
	v31 =	vmul.f32 v19, v27;
	v34 =	vmul.f32 v20, v27  }
0x99: {  	v30 =	vld [tilespmem:s1+$0xFFFFFE00];
	v37 =	vmul.f32 v22, v32;
	v14 =	vmul.f32 v57, v32  }
0x9a: {  	v33 =	vld [tilespmem:s1+$0xFFFFFE70];
	v39 =	vmul.f32 v24, v35;
	v42 =	vmul.f32 v58, v35  }
0x9b: {  	v36 =	vld [tilespmem:s1+$0xFFFFFE80];
	v44 =	vmul.f32 v61, v40;
	v3 =	vadd.f32 $0.0e+00, v3;
	v4 =	vadd.f32 $0.0e+00, v4  }
0x9c: {  	v38 =	vld [tilespmem:s1+$0xFFFFFEF0];
	v47 =	vmul.f32 v63, v40;
	v5 =	vadd.f32 $0.0e+00, v5;
	v6 =	vadd.f32 $0.0e+00, v6  }
0x9d: {  	v50 =	vmul.f32 v28, v45;
	v7 =	vadd.f32 $0.0e+00, v7;
	v8 =	vadd.f32 $0.0e+00, v8  }
0x9e: {  	v41 =	vld [tilespmem:s1+$0xFFFFFF00];
	v53 =	vmul.f32 v30, v45;
	v9 =	vadd.f32 $0.0e+00, v9;
	v10 =	vadd.f32 $0.0e+00, v10  }
0x9f: {  	v43 =	vld [tilespmem:s1+$0xFFFFFF70];
	v54 =	vmul.f32 v33, v48;
	v3 =	vadd.f32 v3, v11;
	v4 =	vadd.f32 v4, v12  }
0xa0: {  	v49 =	vld [tilespmem:s1+$0xFFFFFFF0];
	v56 =	vmul.f32 v36, v48;
	v5 =	vadd.f32 v5, v59;
	v6 =	vadd.f32 v6, v62  }
0xa1: {  	v46 =	vld [tilespmem:s1+$0xFFFFFF80];
	v57 =	vmul.f32 v38, v51;
	v7 =	vadd.f32 v7, v26;
	v8 =	vadd.f32 v8, v29  }
0xa2: {  	v52 =	vld [tilespmem:s1+$0x0];
	v58 =	vbroadcast v2, $0xE;
	v9 =	vadd.f32 v31, v9;
	v10 =	vadd.f32 v34, v10  }
0xa3: {  	v55 =	vld [tilespmem:s7+$0xFFFFFFE0];
	v2 =	vbroadcast v2, $0xF;
	v3 =	vadd.f32 v37, v3;
	v4 =	vadd.f32 v14, v4  }
0xa4: {  	v60 =	vmul.f32 v43, v58;
	v5 =	vadd.f32 v39, v5;
	v6 =	vadd.f32 v42, v6  }
0xa5: {  	v61 =	vmul.f32 v49, v2;
	v7 =	vadd.f32 v44, v7;
	v8 =	vadd.f32 v47, v8  }
0xa6: {  	v59 =	vmul.f32 v41, v51;
	v9 =	vadd.f32 v50, v9;
	v10 =	vadd.f32 v53, v10  }
0xa7: {  	v2 =	vmul.f32 v52, v2;
	v3 =	vadd.f32 v54, v3;
	v4 =	vadd.f32 v56, v4  }
0xa8: {  	v11 =	vmul.f32 v46, v58;
	[tilespmem:s0+$0xFFFFFFE0] =	vst v55;
	v5 =	vadd.f32 v57, v5;
	v6 =	vadd.f32 v59, v6  }
0xa9: {  	v62 =	vld [tilespmem:s7+$0xFFFFFFF0];
	v7 =	vadd.f32 v60, v7;
	v9 =	vadd.f32 v61, v9  }
0xaa: {  	v8 =	vadd.f32 v11, v8;
	v2 =	vadd.f32 v2, v10  }
0xab: {  	p1 =	sne.s32 s14, $0x101;
	v3 =	vadd.f32 v5, v3;
	v63 =	vadd.f32 v9, v7  }
.Ltmp0:
0xac: {  	v4 =	vadd.f32 v6, v4;
	v2 =	vadd.f32 v2, v8;
	(pc) =	sbr.rel @p1 .LBB2_3-.Ltmp0, $4  }
0xad: {  	v3 =	vadd.f32 v63, v3  }
0xae: {  	[tilespmem:s0+$0xFFFFFFF0] =	vst v62;
	v2 =	vadd.f32 v2, v4  }
0xaf: {  	s14 =	sadd.s32 $0x10, s14;
	[tilespmem:s0+$0x0] =	vst v3  }
0xb0: {  	s1 =	sadd.s32 $0x800, s1;
	s7 =	sadd.s32 $0x80, s7;
	[tilespmem:s0+$0x10] =	vst v2;
	s0 =	sadd.s32 $0x80, s0  }
0xb1: {  	s0 =	sor.u32 s4, s31;
	p1 =	sne.s32 s29, $0x1F  }
.Ltmp1:
0xb2: {  	s1 =	sshll.u32 s0, $0x4;
	(pc) =	sbr.rel @p1 .LBB2_6-.Ltmp1, $4  }
0xb3: {  	s0 =	sshll.u32 s0, $0x8;
	s1 =	sadd.s32 s2, s1  }
0xb4: {  	[hbm4b:s1+s3] =	stream.linear.scatter [tilespmem:s20], [sflag:$0x3], $0x80, $0x38;
	[tilespmem:$0x16F00] =	vst v63  }
0xb5: {  	s0 =	sadd.s32 s6, s0  }
0xb6: {  	[hbm4b:s0+s3] =	stream.linear.scatter [tilespmem:s21], [sflag:$0x3], $0x800, $0x38;
	[tilespmem:$0x16F00] =	vst v63  }
.Ltmp2:
0xb7: {  	(pc) =	sbr.rel .LBB2_7-.Ltmp2, $4  }
0xb8: {  	_ = 	snop  }
0xb9: {  	_ =	swait.ge [sflag:s22], $0x8880  }
0xba: {  	[sflag:s22] =	ssyncset.done $0x0  }
0xbb: {  	[sflag:s22] =	ssyncadd.s32 $0xFFFF7780  }
.LBB2_6:
0xbc: {  	s0 =	smul.u32 $0x8C0, s29;
	_ =	sdelay $0x1  }
0xbd: {  	s0 =	sshra.s32 s0, $0x2  }
0xbe: {  	s1 =	sadd.s32 $0x230, s0  }
0xbf: {  	[tilespmem:s11], [sflag:$0x1] =	stream.indirect.gather [hbm4b:s5+s10], $0x80, s1, s10, $0xb8;
	[tilespmem:$0x16F00] =	vst v63  }
0xc0: {  	s31 =	sadd.s32 $0x2B0, s0  }
0xc1: {  	[tilespmem:s12], [sflag:$0x1] =	stream.indirect.gather [hbm4b:s5+s10], $0x80, s31, s10, $0xb8;
	[tilespmem:$0x16F00] =	vst v63  }
.Ltmp3:
0xc2: {  	s0 =	sadd.s32 $0x330, s0;
	(pc) =	sbr.rel @p0 .LBB2_8-.Ltmp3, $4  }
0xc3: {  	[tilespmem:s15], [sflag:$0x1] =	stream.indirect.gather [hbm4b:s5+s13], $0x80, s0, s13, $0xb8;
	[tilespmem:$0x16F00] =	vst v63  }
0xc4: {  	_ =	swait.ge [sflag:s22], $0x8880  }
0xc5: {  	[sflag:s22] =	ssyncset.done $0x0  }
0xc6: {  	[sflag:s22] =	ssyncadd.s32 $0xFFFF7780  }
.LBB2_7:
0xc7: {  	_ =	swait.ge [sflag:s23], $0x80  }
0xc8: {  	[sflag:s23] =	ssyncset.done $0x0  }
0xc9: {  	[sflag:s23] =	ssyncadd.s32 $0xFFFFFF80  }
0xca: {  	_ =	swait.ge [sflag:s23], $0x800  }
0xcb: {  	[sflag:s23] =	ssyncset.done $0x0  }
0xcc: {  	[sflag:s23] =	ssyncadd.s32 $0xFFFFF800  }
.LBB2_8:
0xcd: {  	_ =	sdelay $0x2  }
0xce: {  	v2 =	vld.msk [tilespmem:$0xD220 ss:$0x0], $0xffff  }
0xcf: {  	v3 =	vld.idx.msk [tilespmem:v1+s16+$0x0], $0xffff;
	_ =	sdelay $0x4  }
0xd0: {  	v2 =	vadd.f32 v3, v2;
	_ =	sdelay $0x1  }
0xd1: {  	v3 =	vmul.f32 $9.999999770e-03, v2  }
0xd2: {  	vm0 =	vge.f32 v2, $0.0e+00  }
0xd3: {  	v2 =	vsel vm0, v2, v3  }
0xd4: {  	(xrf0) =	vmax.scan.msk.f32 $0xffff, v2;
	_ =	sdelay $0x5  }
0xd5: {  	v3, _, _ =	vpop (xrf0)  }
0xd6: {  	v3 =	vbroadcast v3, $0xF;
	_ =	sdelay $0x1  }
0xd7: {  	v2 =	vsub.f32 v2, v3;
	_ =	sdelay $0x1  }
0xd8: {  	v2 =	vmul.f32 $1.442695020e+00, v2;
	_ =	sdelay $0x1  }
0xd9: {  	(erf) = vpow2.f32 v2;
	_ =	sdelay $0x8  }
0xda: {  	v2 =	vpop (erf)  }
0xdb: {  	(xrf2) =	vadd.scan.msk.f32 $0xffff, v2;
	_ =	sdelay $0x9  }
0xdc: {  	v3, _, _ =	vpop (xrf2)  }
0xdd: {  	v3 =	vbroadcast v3, $0xF;
	_ =	sdelay $0x1  }
0xde: {  	(erf) = vrcp.f32 v3;
	_ =	sdelay $0x3  }
0xdf: {  	v4 =	vld [tilespmem:$0xD290]  }
0xe0: {  	v5 =	vld [tilespmem:$0xD300]  }
0xe1: {  	v6 =	vld [tilespmem:$0xD310]  }
0xe2: {  	v7 =	vld [tilespmem:$0xD380]  }
0xe3: {  	v8 =	vld [tilespmem:$0xD390]  }
0xe4: {  	v10 =	vld [tilespmem:$0xD400];
	v9 =	vpop (erf)  }
0xe5: {  	v55 =	vld [tilespmem:$0xD410];
	v2 =	vmul.f32 v9, v2  }
0xe6: {  	v11 =	vld [tilespmem:$0xD480]  }
0xe7: {  	v13 =	vld [tilespmem:$0xD490];
	v12 =	vbroadcast v2, $0x0;
	v15 =	vbroadcast v2, $0x1  }
0xe8: {  	v14 =	vld [tilespmem:$0xD500];
	v17 =	vbroadcast v2, $0x2;
	v57 =	vbroadcast v2, $0x3  }
0xe9: {  	v3 =	vld [tilespmem:$0xD280];
	v20 =	vbroadcast v2, $0x4;
	v22 =	vbroadcast v2, $0x5  }
0xea: {  	v16 =	vld [tilespmem:$0xD510];
	v61 =	vbroadcast v2, $0x6;
	v26 =	vbroadcast v2, $0x7  }
0xeb: {  	v56 =	vld [tilespmem:$0xD580];
	v31 =	vbroadcast v2, $0x8;
	v33 =	vbroadcast v2, $0x9  }
0xec: {  	v18 =	vld [tilespmem:$0xD590];
	v39 =	vbroadcast v2, $0xA;
	v44 =	vbroadcast v2, $0xB  }
0xed: {  	v19 =	vld [tilespmem:$0xD600];
	v47 =	vbroadcast v2, $0xC;
	v50 =	vbroadcast v2, $0xD  }
0xee: {  	v21 =	vld [tilespmem:$0xD610];
	v3 =	vmul.f32 v12, v3;
	v4 =	vmul.f32 v12, v4  }
0xef: {  	v58 =	vld [tilespmem:$0xD680];
	v5 =	vmul.f32 v15, v5;
	v6 =	vmul.f32 v15, v6  }
0xf0: {  	v23 =	vld [tilespmem:$0xD690];
	v7 =	vmul.f32 v17, v7;
	v8 =	vmul.f32 v17, v8  }
0xf1: {  	v59 =	vld [tilespmem:$0xD700];
	v10 =	vmul.f32 v57, v10;
	v11 =	vmul.f32 v20, v11  }
0xf2: {  	v62 =	vld [tilespmem:$0xD710];
	v9 =	vmul.f32 v57, v55;
	v13 =	vmul.f32 v20, v13  }
0xf3: {  	v24 =	vld [tilespmem:$0xD780];
	v60 =	vmul.f32 v22, v14;
	v63 =	vmul.f32 v22, v16  }
0xf4: {  	v27 =	vld [tilespmem:$0xD790];
	v25 =	vmul.f32 v61, v56;
	v28 =	vmul.f32 v61, v18  }
0xf5: {  	v29 =	vld [tilespmem:$0xD800];
	v30 =	vmul.f32 v19, v26;
	v12 =	vmul.f32 v21, v26  }
0xf6: {  	v32 =	vld [tilespmem:$0xD810];
	v35 =	vmul.f32 v58, v31;
	v36 =	vmul.f32 v23, v31  }
0xf7: {  	v34 =	vld [tilespmem:$0xD880];
	v38 =	vmul.f32 v59, v33;
	v41 =	vmul.f32 v62, v33  }
0xf8: {  	v37 =	vld [tilespmem:$0xD890];
	v43 =	vmul.f32 v24, v39;
	v3 =	vadd.f32 $0.0e+00, v3;
	v4 =	vadd.f32 $0.0e+00, v4  }
0xf9: {  	v40 =	vld [tilespmem:$0xD900];
	v46 =	vmul.f32 v27, v39;
	v5 =	vadd.f32 $0.0e+00, v5;
	v6 =	vadd.f32 $0.0e+00, v6  }
0xfa: {  	v49 =	vmul.f32 v29, v44;
	v7 =	vadd.f32 $0.0e+00, v7;
	v8 =	vadd.f32 $0.0e+00, v8  }
0xfb: {  	v52 =	vmul.f32 v32, v44;
	v10 =	vadd.f32 $0.0e+00, v10;
	v9 =	vadd.f32 $0.0e+00, v9  }
0xfc: {  	v42 =	vld [tilespmem:$0xD910];
	v53 =	vmul.f32 v34, v47;
	v3 =	vadd.f32 v3, v11;
	v4 =	vadd.f32 v4, v13  }
0xfd: {  	v45 =	vld [tilespmem:$0xD980];
	v55 =	vmul.f32 v37, v47;
	v5 =	vadd.f32 v5, v60;
	v6 =	vadd.f32 v6, v63  }
0xfe: {  	v51 =	vld [tilespmem:$0xDA00];
	v56 =	vmul.f32 v40, v50;
	v7 =	vadd.f32 v7, v25;
	v8 =	vadd.f32 v8, v28  }
0xff: {  	v48 =	vld [tilespmem:$0xD990];
	v57 =	vbroadcast v2, $0xE;
	v10 =	vadd.f32 v10, v30;
	v9 =	vadd.f32 v12, v9  }
0x100: {  	v54 =	vld [tilespmem:$0xDA10];
	v2 =	vbroadcast v2, $0xF;
	v3 =	vadd.f32 v35, v3;
	v4 =	vadd.f32 v36, v4  }
0x101: {  	v58 =	vmul.f32 v42, v50;
	v5 =	vadd.f32 v38, v5;
	v6 =	vadd.f32 v41, v6  }
0x102: {  	v59 =	vmul.f32 v45, v57;
	v7 =	vadd.f32 v43, v7;
	v8 =	vadd.f32 v46, v8  }
0x103: {  	v60 =	vmul.f32 v51, v2;
	v10 =	vadd.f32 v49, v10;
	v9 =	vadd.f32 v52, v9  }
0x104: {  	v11 =	vmul.f32 v48, v57;
	v3 =	vadd.f32 v53, v3;
	v4 =	vadd.f32 v55, v4  }
0x105: {  	v61 =	vld [tilespmem:$0xD200];
	v2 =	vmul.f32 v54, v2;
	v5 =	vadd.f32 v56, v5;
	v6 =	vadd.f32 v58, v6  }
0x106: {  	v62 =	vld [tilespmem:$0xD210];
	v7 =	vadd.f32 v59, v7;
	v10 =	vadd.f32 v60, v10  }
0x107: {  	v8 =	vadd.f32 v11, v8;
	v2 =	vadd.f32 v2, v9  }
0x108: {  	v3 =	vadd.f32 v5, v3;
	v63 =	vadd.f32 v10, v7  }
0x109: {  	v4 =	vadd.f32 v6, v4;
	v2 =	vadd.f32 v2, v8  }
0x10a: {  	[tilespmem:$0x16E80] =	vst v61;
	v3 =	vadd.f32 v63, v3  }
0x10b: {  	[tilespmem:$0x16E90] =	vst v62;
	v2 =	vadd.f32 v2, v4  }
0x10c: {  	[tilespmem:$0x16EA0] =	vst v3  }
0x10d: {  	s1 =	simm.s32 $0x11;
	s0 =	simm.s32 $0x0;
	s14 =	simm.s32 $0x0;
	[tilespmem:$0x16EB0] =	vst v2  }
.LBB2_9:
0x10e: {  	v2 =	vmov s1  }
0x10f: {  	v2 =	vshll.u32 v2, $0x7  }
0x110: {  	v2 =	vadd.s32 v0, v2  }
0x111: {  	v2 =	vor.u32 $0x21, v2;
	_ =	sdelay $0x2  }
0x112: {  	s7 =	sshra.s32 s0, $0x2  }
0x113: {  	v3 =	vld.msk [tilespmem:s7+$0xD2A0 ss:$0x0], $0xffff  }
0x114: {  	v2 =	vld.idx.msk [tilespmem:v2+s16+$0x0], $0xffff;
	_ =	sdelay $0x4  }
0x115: {  	v2 =	vadd.f32 v2, v3;
	_ =	sdelay $0x1  }
0x116: {  	v3 =	vmul.f32 $9.999999770e-03, v2  }
0x117: {  	vm0 =	vge.f32 v2, $0.0e+00  }
0x118: {  	v2 =	vsel vm0, v2, v3  }
0x119: {  	(xrf0) =	vmax.scan.msk.f32 $0xffff, v2;
	_ =	sdelay $0x5  }
0x11a: {  	v3, _, _ =	vpop (xrf0)  }
0x11b: {  	v3 =	vbroadcast v3, $0xF;
	_ =	sdelay $0x1  }
0x11c: {  	v2 =	vsub.f32 v2, v3;
	_ =	sdelay $0x1  }
0x11d: {  	v2 =	vmul.f32 $1.442695020e+00, v2;
	_ =	sdelay $0x1  }
0x11e: {  	(erf) = vpow2.f32 v2;
	_ =	sdelay $0x8  }
0x11f: {  	v2 =	vpop (erf)  }
0x120: {  	(xrf2) =	vadd.scan.msk.f32 $0xffff, v2;
	_ =	sdelay $0x9  }
0x121: {  	v3, _, _ =	vpop (xrf2)  }
0x122: {  	v3 =	vbroadcast v3, $0xF;
	_ =	sdelay $0x1  }
0x123: {  	(erf) = vrcp.f32 v3;
	_ =	sdelay $0x8  }
0x124: {  	v3 =	vpop (erf)  }
0x125: {  	v2 =	vmul.f32 v3, v2;
	_ =	sdelay $0x1  }
0x126: {  	s31 =	sshra.s32 s14, $0x2;
	[tilespmem:s7+$0x16640] =	vst v2  }
0x127: {  	v3 =	vld [tilespmem:s31+$0xDA80]  }
0x128: {  	v4 =	vld [tilespmem:s31+$0xDA90]  }
0x129: {  	v5 =	vld [tilespmem:s31+$0xDB00]  }
0x12a: {  	v6 =	vld [tilespmem:s31+$0xDB10]  }
0x12b: {  	v7 =	vld [tilespmem:s31+$0xDB80]  }
0x12c: {  	v8 =	vld [tilespmem:s31+$0xDB90]  }
0x12d: {  	v9 =	vld [tilespmem:s31+$0xDC00]  }
0x12e: {  	v10 =	vld [tilespmem:s31+$0xDC10]  }
0x12f: {  	v12 =	vbroadcast v2, $0x0;
	v15 =	vbroadcast v2, $0x1;
	v11 =	vld [tilespmem:s31+$0xDC80]  }
0x130: {  	v17 =	vbroadcast v2, $0x2;
	v57 =	vbroadcast v2, $0x3;
	v13 =	vld [tilespmem:s31+$0xDC90]  }
0x131: {  	v20 =	vbroadcast v2, $0x4;
	v22 =	vbroadcast v2, $0x5;
	v14 =	vld [tilespmem:s31+$0xDD00]  }
0x132: {  	v61 =	vbroadcast v2, $0x6;
	v26 =	vbroadcast v2, $0x7;
	v16 =	vld [tilespmem:s31+$0xDD10]  }
0x133: {  	v31 =	vbroadcast v2, $0x8;
	v33 =	vbroadcast v2, $0x9;
	v56 =	vld [tilespmem:s31+$0xDD80]  }
0x134: {  	v39 =	vbroadcast v2, $0xA;
	v44 =	vbroadcast v2, $0xB;
	v18 =	vld [tilespmem:s31+$0xDD90]  }
0x135: {  	v47 =	vbroadcast v2, $0xC;
	v50 =	vbroadcast v2, $0xD;
	v19 =	vld [tilespmem:s31+$0xDE00]  }
0x136: {  	v21 =	vld [tilespmem:s31+$0xDE10];
	v3 =	vmul.f32 v12, v3;
	v4 =	vmul.f32 v12, v4  }
0x137: {  	v58 =	vld [tilespmem:s31+$0xDE80];
	v5 =	vmul.f32 v15, v5;
	v6 =	vmul.f32 v15, v6  }
0x138: {  	v23 =	vld [tilespmem:s31+$0xDE90];
	v7 =	vmul.f32 v17, v7;
	v8 =	vmul.f32 v17, v8  }
0x139: {  	v59 =	vld [tilespmem:s31+$0xDF00];
	v9 =	vmul.f32 v57, v9;
	v11 =	vmul.f32 v20, v11  }
0x13a: {  	v62 =	vld [tilespmem:s31+$0xDF10];
	v10 =	vmul.f32 v57, v10;
	v13 =	vmul.f32 v20, v13  }
0x13b: {  	v24 =	vld [tilespmem:s31+$0xDF80];
	v60 =	vmul.f32 v22, v14;
	v63 =	vmul.f32 v22, v16  }
0x13c: {  	v27 =	vld [tilespmem:s31+$0xDF90];
	v25 =	vmul.f32 v61, v56;
	v28 =	vmul.f32 v18, v61  }
0x13d: {  	v29 =	vld [tilespmem:s31+$0xE000];
	v30 =	vmul.f32 v19, v26;
	v12 =	vmul.f32 v21, v26  }
0x13e: {  	v32 =	vld [tilespmem:s31+$0xE010];
	v35 =	vmul.f32 v58, v31;
	v36 =	vmul.f32 v23, v31  }
0x13f: {  	v34 =	vld [tilespmem:s31+$0xE080];
	v38 =	vmul.f32 v59, v33;
	v41 =	vmul.f32 v62, v33  }
0x140: {  	v37 =	vld [tilespmem:s31+$0xE090];
	v43 =	vmul.f32 v24, v39;
	v3 =	vadd.f32 $0.0e+00, v3;
	v4 =	vadd.f32 $0.0e+00, v4  }
0x141: {  	v40 =	vld [tilespmem:s31+$0xE100];
	v46 =	vmul.f32 v27, v39;
	v5 =	vadd.f32 $0.0e+00, v5;
	v6 =	vadd.f32 $0.0e+00, v6  }
0x142: {  	v49 =	vmul.f32 v29, v44;
	v7 =	vadd.f32 $0.0e+00, v7;
	v8 =	vadd.f32 $0.0e+00, v8  }
0x143: {  	v52 =	vmul.f32 v32, v44;
	v9 =	vadd.f32 $0.0e+00, v9;
	v10 =	vadd.f32 $0.0e+00, v10  }
0x144: {  	v42 =	vld [tilespmem:s31+$0xE110];
	v53 =	vmul.f32 v34, v47;
	v3 =	vadd.f32 v3, v11;
	v4 =	vadd.f32 v4, v13  }
0x145: {  	v45 =	vld [tilespmem:s31+$0xE180];
	v55 =	vmul.f32 v37, v47;
	v5 =	vadd.f32 v5, v60;
	v6 =	vadd.f32 v6, v63  }
0x146: {  	v51 =	vld [tilespmem:s31+$0xE200];
	v56 =	vmul.f32 v40, v50;
	v7 =	vadd.f32 v7, v25;
	v8 =	vadd.f32 v8, v28  }
0x147: {  	v48 =	vld [tilespmem:s31+$0xE190];
	v57 =	vbroadcast v2, $0xE;
	v9 =	vadd.f32 v30, v9;
	v10 =	vadd.f32 v12, v10  }
0x148: {  	v54 =	vld [tilespmem:s31+$0xE210];
	v2 =	vbroadcast v2, $0xF;
	v3 =	vadd.f32 v35, v3;
	v4 =	vadd.f32 v36, v4  }
0x149: {  	v58 =	vmul.f32 v42, v50;
	v5 =	vadd.f32 v38, v5;
	v6 =	vadd.f32 v41, v6  }
0x14a: {  	v59 =	vmul.f32 v45, v57;
	v7 =	vadd.f32 v43, v7;
	v8 =	vadd.f32 v46, v8  }
0x14b: {  	v60 =	vmul.f32 v51, v2;
	v9 =	vadd.f32 v49, v9;
	v10 =	vadd.f32 v52, v10  }
0x14c: {  	v11 =	vmul.f32 v48, v57;
	v3 =	vadd.f32 v53, v3;
	v4 =	vadd.f32 v55, v4  }
0x14d: {  	v61 =	vld [tilespmem:s7+$0xD280];
	v2 =	vmul.f32 v54, v2;
	v5 =	vadd.f32 v56, v5;
	v6 =	vadd.f32 v58, v6  }
0x14e: {  	v62 =	vld [tilespmem:s7+$0xD290];
	v7 =	vadd.f32 v59, v7;
	v9 =	vadd.f32 v60, v9  }
0x14f: {  	v8 =	vadd.f32 v11, v8;
	v2 =	vadd.f32 v2, v10  }
0x150: {  	p0 =	sne.s32 s14, $0x1E000;
	v3 =	vadd.f32 v5, v3;
	v63 =	vadd.f32 v9, v7  }
.Ltmp4:
0x151: {  	v4 =	vadd.f32 v6, v4;
	v2 =	vadd.f32 v2, v8;
	(pc) =	sbr.rel @p0 .LBB2_9-.Ltmp4, $4  }
0x152: {  	[tilespmem:s7+$0x16600] =	vst v61;
	v3 =	vadd.f32 v63, v3  }
0x153: {  	[tilespmem:s7+$0x16610] =	vst v62;
	v2 =	vadd.f32 v2, v4  }
0x154: {  	[tilespmem:s7+$0x16620] =	vst v3  }
0x155: {  	s1 =	sadd.s32 $0x10, s1;
	s0 =	sadd.s32 $0x200, s0;
	s14 =	sadd.s32 $0x2000, s14;
	[tilespmem:s7+$0x16630] =	vst v2  }
0x156: {  	s29 =	sadd.s32 $0x1, s29  }
0x157: {  	s0 =	sor.u32 s4, s30;
	p0 =	sne.s32 s29, $0x20  }
.Ltmp5:
0x158: {  	s1 =	sshll.u32 s0, $0x4;
	(pc) =	sbr.rel @p0 .LBB2_2-.Ltmp5, $4  }
0x159: {  	s0 =	sshll.u32 s0, $0x8;
	s1 =	sadd.s32 s2, s1  }
0x15a: {  	[hbm4b:s1+s3] =	stream.linear.scatter [tilespmem:s24], [sflag:$0x4], $0x80, $0x38;
	[tilespmem:$0x16F00] =	vst v63  }
0x15b: {  	s0 =	sadd.s32 s6, s0  }
0x15c: {  	[hbm4b:s0+s3] =	stream.linear.scatter [tilespmem:s25], [sflag:$0x4], $0x800, $0x38;
	[tilespmem:$0x16F00] =	vst v63  }
0x15d: {  	_ =	swait.ge [sflag:s26], $0x80  }
0x15e: {  	[sflag:s26] =	ssyncset.done $0x0  }
0x15f: {  	[sflag:s26] =	ssyncadd.s32 $0xFFFFFF80  }
0x160: {  	_ =	swait.ge [sflag:s26], $0x800  }
0x161: {  	[sflag:s26] =	ssyncset.done $0x0  }
0x162: {  	s28 =	sadd.s32 $0x1, s28;
	[sflag:s26] =	ssyncadd.s32 $0xFFFFF800  }
0x163: {  	p0 =	sne.s32 s28, s8;
	_ =	swait.ge [sflag:s23], $0x80  }
.Ltmp6:
0x164: {  	[sflag:s23] =	ssyncset.done $0x0;
	(pc) =	sbr.rel @p0 .LBB2_1-.Ltmp6, $4  }
0x165: {  	[sflag:s23] =	ssyncadd.s32 $0xFFFFFF80  }
0x166: {  	_ =	swait.ge [sflag:s23], $0x800  }
0x167: {  	[sflag:s23] =	ssyncset.done $0x0  }
0x168: {  	[sflag:s23] =	ssyncadd.s32 $0xFFFFF800  }
0x169: {  	_ =	sfence.sel $0x180000  }
0x16a: {  	[bflag:$0x0] =	sbarrier.arrive $0xFFFF  }
0x16b: {  	_ =	strace $0x90000047  }
0x16c: {  	s0 =	stileid.u32;
	[bflag:$0x2] =	sbarrier.arrive $0xFFFF  }
0x16d: {  	p0 =	sne.s32 s0, $0x0;
	s0 =	rddreg [dreg:$0x2]  }
0x16e: {  	s0 =	sadd.s32 @!p0 $0x100000, s0  }
0x16f: {  	[sflag:s0] =	ssyncadd.tile.s32 @!p0 $0x1;
	_ =	shalt  }
.Lfunc_end2:
_tile_overlayer_lowered:
.L_overlay_start_2:
0x170: {  	(tag) =	ssettag $0x2  }
0x171: {  	s0 =	rddreg [dreg:$0x0];
	s2 =	stileid.u32  }
0x172: {  	s1 =	rddreg [dreg:$0x1];
	p0 =	sne.s32 s2, $0x0  }
0x173: {  	s3 =	rddreg [dreg:$0x2];
	[bflag:$0x3] =	sbarrier.arrive $0xFFFF;
	s2 =	simm.s32 @!p0 $0x1C05  }
0x174: {  	[timem:s3], [sflag:s2] =	dma.local @!p0 [hbm:s0], s1  }
0x175: {  	s0 =	simm.s32 @!p0 $0x5  }
0x176: {  	_ =	swait.ge @!p0 [sflag:s0], s1  }
0x177: {  	s1 =	ssub.s32 @!p0 $0x0, s1;
	[sflag:s0] =	ssyncset.done @!p0 $0x0  }
0x178: {  	[sflag:s0] =	ssyncadd.s32 @!p0 s1  }
0x179: {  	[bflag:$0x3] =	sbarrier.arrive $0xFFFF  }
0x17a: {  	_ =	shalt  }

</sc_bundles>
